<compile_context>
chip_gen: v7x
topology: tpu7x:2x2x1
jax: 0.10.2.dev20260603
libtpu: 0.0.44.dev20260713+nightly
codegen_flags: <defaults>
</compile_context>

<pallas_src>
import functools

import jax
import jax.numpy as jnp
from jax import lax
from jax.experimental import pallas as pl
from jax.experimental.pallas import tpu as pltpu
from jax.experimental.pallas import tpu_sc as plsc

N = 10000
E = 320000
DH = 256
HALF = DH // 2
NC = 2
NS = 16
CH = 128
NCHUNK = -(-E // (NS * CH))
NCHUNKP = NCHUNK + 1
NCHUNK2 = -(-E // (NC * NS * CH))
EPAD = NS * NCHUNKP * CH
NP = 10240
RPS = NP // NS


@functools.lru_cache(maxsize=None)
def _build_sc_kernels():
    mesh = plsc.VectorSubcoreMesh(core_axis_name="c", subcore_axis_name="s")

    @functools.partial(
        pl.kernel,
        mesh=mesh,
        out_type=jax.ShapeDtypeStruct((NC * NP, 128), jnp.float32),
        scratch_types=[
            pltpu.VMEM((NCHUNK2, CH), jnp.int32),
            pltpu.VMEM((CH, 128), jnp.float32),
            pltpu.VMEM_SHARED((NP, 128), jnp.float32),
        ],
    )
    def _sc_degree(dst_hbm, zero_hbm, ones_hbm, out_hbm, dstv, ones_v, acc):
        c = lax.axis_index("c")
        s = lax.axis_index("s")
        pltpu.sync_copy(ones_hbm, ones_v)
        pltpu.sync_copy(dst_hbm.at[c * NS + s], dstv)
        pltpu.sync_copy(zero_hbm, acc.at[pl.ds(s * RPS, RPS)])
        plsc.subcore_barrier()

        @pl.loop(0, NCHUNK2)
        def _(i):
            pltpu.sync_copy(ones_v, acc.at[dstv.at[i]], add=True)

        plsc.subcore_barrier()
        pltpu.sync_copy(acc.at[pl.ds(s * RPS, RPS)],
                        out_hbm.at[pl.ds(c * NP + s * RPS, RPS)])

    @functools.partial(
        pl.kernel,
        mesh=mesh,
        out_type=[jax.ShapeDtypeStruct((NP, HALF), jnp.float32),
                  jax.ShapeDtypeStruct((NP, HALF), jnp.float32)],
        scratch_types=[
            pltpu.VMEM((CH,), jnp.int32),
            pltpu.VMEM((CH,), jnp.int32),
            pltpu.VMEM((CH,), jnp.int32),
            pltpu.VMEM((CH,), jnp.int32),
            pltpu.VMEM((CH, HALF), jnp.float32),
            pltpu.VMEM((CH, HALF), jnp.float32),
            pltpu.VMEM_SHARED((NP, HALF), jnp.float32),
            pltpu.SemaphoreType.DMA,
            pltpu.SemaphoreType.DMA,
            pltpu.SemaphoreType.DMA,
            pltpu.SemaphoreType.DMA,
            pltpu.SemaphoreType.DMA,
            pltpu.SemaphoreType.DMA,
        ],
    )
    def _sc_segment_sum(h0_hbm, h1_hbm, src_hbm, dst_hbm, zero_hbm,
                        out0_hbm, out1_hbm, srcv0, srcv1, dstv0, dstv1,
                        rows0, rows1, acc,
                        gsem0, gsem1, ssem0, ssem1, dsem0, dsem1):
        c = lax.axis_index("c")
        s = lax.axis_index("s")
        base = s * NCHUNKP
        srcv = (srcv0, srcv1)
        dstv = (dstv0, dstv1)
        rows = (rows0, rows1)
        gsem = (gsem0, gsem1)
        ssem = (ssem0, ssem1)
        dsem = (dsem0, dsem1)

        def sload(i, k):
            pltpu.async_copy(src_hbm.at[base + i], srcv[k], ssem[k])

        def dload(i, k):
            pltpu.async_copy(dst_hbm.at[base + i], dstv[k], dsem[k])

        def swaiti(k):
            pltpu.make_async_copy(src_hbm.at[base], srcv[k], ssem[k]).wait()

        def dwaiti(k):
            pltpu.make_async_copy(dst_hbm.at[base], dstv[k], dsem[k]).wait()

        sload(0, 0)
        dload(0, 0)
        sload(1, 1)
        dload(1, 1)
        pltpu.sync_copy(zero_hbm, acc.at[pl.ds(s * RPS, RPS)])
        plsc.subcore_barrier()

        def run(h_hbm, out_hbm):
            def gather(k):
                pltpu.async_copy(h_hbm.at[srcv[k]], rows[k], gsem[k])

            def gwait(k):
                pltpu.make_async_copy(h_hbm.at[srcv[k]], rows[k],
                                      gsem[k]).wait()

            def scatter(k):
                pltpu.sync_copy(rows[k], acc.at[dstv[k]], add=True)

            swaiti(0)
            gather(0)

            @pl.loop(0, (NCHUNK - 1) // 2)
            def _(j):
                i = 2 * j
                swaiti(1)
                gather(1)
                gwait(0)
                sload(i + 2, 0)
                dwaiti(0)
                scatter(0)
                dload(i + 2, 0)
                swaiti(0)
                gather(0)
                gwait(1)
                sload(i + 3, 1)
                dwaiti(1)
                scatter(1)
                dload(i + 3, 1)

            gwait(0)
            dwaiti(0)
            scatter(0)
            swaiti(1)
            dwaiti(1)

            plsc.subcore_barrier()
            pltpu.sync_copy(acc.at[pl.ds(s * RPS, RPS)],
                            out_hbm.at[pl.ds(s * RPS, RPS)])

        @pl.when(c == 0)
        def _():
            run(h0_hbm, out0_hbm)

        @pl.when(c == 1)
        def _():
            run(h1_hbm, out1_hbm)

    return _sc_degree, _sc_segment_sum



def _proj_body(x_ref, w_ref, b_ref, h0_ref, h1_ref):
    h = jnp.dot(x_ref[...], w_ref[...],
                preferred_element_type=jnp.float32) + b_ref[...]
    h0_ref[...] = h[:, :HALF]
    h1_ref[...] = h[:, HALF:]


_proj = pl.pallas_call(
    _proj_body,
    out_shape=[jax.ShapeDtypeStruct((N, HALF), jnp.float32),
               jax.ShapeDtypeStruct((N, HALF), jnp.float32)],
)


def _sage_bn_relu(a0, a1, h0, h1, dg, wl, bl, wr, gm, bt):
    deg = jnp.maximum(dg[:N, 0:1] + dg[NP:NP + N, 0:1], 1.0)
    h = jnp.concatenate([h0[...], h1[...]], axis=1)
    agg = jnp.concatenate([a0[:N, :] / deg, a1[:N, :] / deg], axis=1)
    t = (jnp.dot(agg, wl[...], preferred_element_type=jnp.float32) + bl[...]
         + jnp.dot(h, wr[...], preferred_element_type=jnp.float32))
    mean = jnp.mean(t, axis=0, keepdims=True)
    var = jnp.mean((t - mean) ** 2, axis=0, keepdims=True)
    t = (t - mean) * lax.rsqrt(var + 1e-5) * gm[...] + bt[...]
    return jnp.maximum(t, 0.0) + h


def _layer_body(a0, a1, h0, h1, dg, wl, bl, wr, gm, bt, o0, o1):
    t = _sage_bn_relu(a0, a1, h0, h1, dg, wl, bl, wr, gm, bt)
    o0[...] = t[:, :HALF]
    o1[...] = t[:, HALF:]


_layer = pl.pallas_call(
    _layer_body,
    out_shape=[jax.ShapeDtypeStruct((N, HALF), jnp.float32),
               jax.ShapeDtypeStruct((N, HALF), jnp.float32)],
)


def _final_body(a0, a1, h0, h1, dg, wl, bl, wr, gm, bt,
                w1, b1, w2, b2, out):
    t = _sage_bn_relu(a0, a1, h0, h1, dg, wl, bl, wr, gm, bt)
    z = jnp.maximum(
        jnp.dot(t, w1[...], preferred_element_type=jnp.float32) + b1[...], 0.0)
    out[...] = jnp.dot(z, w2[...], preferred_element_type=jnp.float32) + b2[...]


_final = pl.pallas_call(
    _final_body,
    out_shape=jax.ShapeDtypeStruct((N, 8), jnp.float32),
)



def kernel(x, params, edge_index):
    ei = edge_index.astype(jnp.int32)
    src, dst = ei[0], ei[1]
    nproc = NS * NCHUNK * CH
    src_pad = jnp.pad(
        jnp.concatenate([src, jnp.zeros((nproc - E,), jnp.int32)]
                        ).reshape(NS, NCHUNK * CH),
        ((0, 0), (0, CH))).reshape(NS, NCHUNKP, CH)
    dst_pad = jnp.pad(
        jnp.concatenate([dst, jnp.full((nproc - E,), NP - 1, jnp.int32)]
                        ).reshape(NS, NCHUNK * CH),
        ((0, 0), (0, CH)), constant_values=NP - 1).reshape(NS, NCHUNKP, CH)
    src_seg = src_pad.reshape(NS * NCHUNKP, CH)
    dst_seg = dst_pad.reshape(NS * NCHUNKP, CH)
    dst_deg = dst_pad.reshape(NC * NS, NCHUNK2, CH)
    ones128 = jnp.ones((CH, 128), jnp.float32)
    zeroh = jnp.zeros((RPS, HALF), jnp.float32)

    sc_degree, sc_segment_sum = _build_sc_kernels()
    dg = sc_degree(dst_deg, zeroh, ones128)
    h0, h1 = _proj(x, params['proj_W'], params['proj_b'].reshape(1, DH))

    out = None
    for i in range(3):
        a0, a1 = sc_segment_sum(h0, h1, src_seg, dst_seg, zeroh)
        args = (a0, a1, h0, h1, dg,
                params[f'conv{i}_W_l'], params[f'conv{i}_b_l'].reshape(1, DH),
                params[f'conv{i}_W_r'],
                params[f'conv{i}_gamma'].reshape(1, DH),
                params[f'conv{i}_beta'].reshape(1, DH))
        if i < 2:
            h0, h1 = _layer(*args)
        else:
            out = _final(*args,
                         params['cls_W1'], params['cls_b1'].reshape(1, HALF),
                         params['cls_W2'], params['cls_b2'].reshape(1, 8))
    return out

# --- scband reference (transcript-rebuilt; emitter-appended) ---
"""Pipeline reference for scband-gnnnode-classifier-7954279432918 (READ-ONLY COPY).

The authoritative reference and input builder live on the scoring server;
editing this copy changes nothing except your own understanding.
"""

import jax, jax.numpy as jnp
import numpy as np

N_NODES = 10000
N_EDGES = 320000
D_IN = 128
D_H = 256
N_CLASSES = 8
N_LAYERS = 3


def setup_inputs(seed: int = 0) -> dict:
    key = jax.random.key(seed)
    ks = jax.random.split(key, 32)
    x = jax.random.normal(ks[0], (N_NODES, D_IN), dtype=jnp.float32)
    edge_index = jax.random.randint(ks[1], (2, N_EDGES), 0, N_NODES, dtype=jnp.int64)
    params = {}
    params['proj_W'] = jax.random.normal(ks[2], (D_IN, D_H), dtype=jnp.float32) / np.sqrt(D_IN)
    params['proj_b'] = jnp.zeros((D_H,), dtype=jnp.float32)
    for i in range(N_LAYERS):
        base = 3 + i * 5
        params[f'conv{i}_W_l'] = jax.random.normal(ks[base], (D_H, D_H), dtype=jnp.float32) / np.sqrt(D_H)
        params[f'conv{i}_b_l'] = jnp.zeros((D_H,), dtype=jnp.float32)
        params[f'conv{i}_W_r'] = jax.random.normal(ks[base + 1], (D_H, D_H), dtype=jnp.float32) / np.sqrt(D_H)
        params[f'conv{i}_gamma'] = jnp.ones((D_H,), dtype=jnp.float32)
        params[f'conv{i}_beta'] = jnp.zeros((D_H,), dtype=jnp.float32)
    params['cls_W1'] = jax.random.normal(ks[20], (D_H, D_H // 2), dtype=jnp.float32) / np.sqrt(D_H)
    params['cls_b1'] = jnp.zeros((D_H // 2,), dtype=jnp.float32)
    params['cls_W2'] = jax.random.normal(ks[21], (D_H // 2, N_CLASSES), dtype=jnp.float32) / np.sqrt(D_H // 2)
    params['cls_b2'] = jnp.zeros((N_CLASSES,), dtype=jnp.float32)
    return {'x': x, 'params': params, 'edge_index': edge_index}


def reference(x, params, edge_index):
    # GNNNodeClassifier forward (inference: dropout=no-op, BN uses batch stats)
    src = edge_index[0]
    dst = edge_index[1]
    n = x.shape[0]
    h = x @ params['proj_W'] + params['proj_b']
    deg = jax.ops.segment_sum(jnp.ones((src.shape[0],), dtype=jnp.float32), dst, num_segments=n)
    deg = jnp.clip(deg, 1.0)[:, None]
    for i in range(N_LAYERS):
        h_prev = h
        # SAGEConv: mean aggregation of neighbor messages + root transform
        msgs = h[src]  # gather
        agg = jax.ops.segment_sum(msgs, dst, num_segments=n) / deg  # scatter-add mean
        h = agg @ params[f'conv{i}_W_l'] + params[f'conv{i}_b_l'] + h @ params[f'conv{i}_W_r']
        # BatchNorm1d (batch statistics)
        mean = jnp.mean(h, axis=0)
        var = jnp.var(h, axis=0)
        h = (h - mean) / jnp.sqrt(var + 1e-5) * params[f'conv{i}_gamma'] + params[f'conv{i}_beta']
        h = jax.nn.relu(h)
        h = h + h_prev  # residual
    h = jax.nn.relu(h @ params['cls_W1'] + params['cls_b1'])
    out = h @ params['cls_W2'] + params['cls_b2']
    return out

if __name__ == "__main__":
    import jax
    _d = setup_inputs()
    print(jax.jit(kernel)(*tuple(_d.values())))

</pallas_src>

<mosaic_0001>
#map = affine_map<(d0, d1) -> (0, 0)>
module attributes {stable_mosaic.version = 14 : i64} {
  func.func @_sc_segment_sum(%arg0: i32, %arg1: i32, %arg2: memref<10000x128xf32, #tpu.memory_space<hbm>>, %arg3: memref<10000x128xf32, #tpu.memory_space<hbm>>, %arg4: memref<2528x128xi32, #tpu.memory_space<hbm>>, %arg5: memref<2528x128xi32, #tpu.memory_space<hbm>>, %arg6: memref<640x128xf32, #tpu.memory_space<hbm>>, %arg7: memref<10240x128xf32, #tpu.memory_space<hbm>>, %arg8: memref<10240x128xf32, #tpu.memory_space<hbm>>, %arg9: memref<128xi32, #tpu.memory_space<vmem>>, %arg10: memref<128xi32, #tpu.memory_space<vmem>>, %arg11: memref<128xi32, #tpu.memory_space<vmem>>, %arg12: memref<128xi32, #tpu.memory_space<vmem>>, %arg13: memref<128x128xf32, #tpu.memory_space<vmem>>, %arg14: memref<128x128xf32, #tpu.memory_space<vmem>>, %arg15: memref<10240x128xf32, #tpu.memory_space<vmem_shared>>, %arg16: memref<!tpu.dma_semaphore, #tpu.memory_space<semaphore_mem>>, %arg17: memref<!tpu.dma_semaphore, #tpu.memory_space<semaphore_mem>>, %arg18: memref<!tpu.dma_semaphore, #tpu.memory_space<semaphore_mem>>, %arg19: memref<!tpu.dma_semaphore, #tpu.memory_space<semaphore_mem>>, %arg20: memref<!tpu.dma_semaphore, #tpu.memory_space<semaphore_mem>>, %arg21: memref<!tpu.dma_semaphore, #tpu.memory_space<semaphore_mem>>) attributes {dimension_semantics = [#tpu.dimension_semantics<core_parallel>, #tpu.dimension_semantics<subcore_parallel>], iteration_bounds = array<i64: 2, 16>, scalar_prefetch = 0 : i64, scratch_operands = 13 : i64, tpu.core_type = #tpu.core_type<sc_vector_subcore>, window_params = [{transform_indices = #map}, {transform_indices = #map}, {transform_indices = #map}, {transform_indices = #map}, {transform_indices = #map}, {transform_indices = #map}, {transform_indices = #map}]} {
    %mul3A = arith.constant 158 : i32
    %mul3A_0 = arith.muli %arg1, %mul3A : i32
    %add3A = arith.constant 0 : i32
    %add3A_1 = arith.addi %mul3A_0, %add3A : i32
    %dma_start3A = arith.constant 0 : i32
    %dma_start3A_2 = tpu.memref_slice %arg4[%add3A_1, %dma_start3A] : memref<2528x128xi32, #tpu.memory_space<hbm>> -> memref<1x128xi32, #tpu.memory_space<hbm>>
    %dma_start3A_3 = tpu.memref_squeeze %dma_start3A_2 : memref<1x128xi32, #tpu.memory_space<hbm>> -> memref<128xi32, #tpu.memory_space<hbm>>
    %dma_start3A_4 = arith.constant 0 : i32
    %dma_start3A_5 = tpu.memref_slice %arg4[%add3A_1, %dma_start3A_4] : memref<2528x128xi32, #tpu.memory_space<hbm>> -> memref<1x128xi32, #tpu.memory_space<hbm>>
    %dma_start3A_6 = tpu.memref_squeeze %dma_start3A_5 : memref<1x128xi32, #tpu.memory_space<hbm>> -> memref<128xi32, #tpu.memory_space<hbm>>
    tpu.enqueue_dma source(%dma_start3A_6 : memref<128xi32, #tpu.memory_space<hbm>>) target(%arg9 : memref<128xi32, #tpu.memory_space<vmem>>) target_semaphore(%arg18 : memref<!tpu.dma_semaphore, #tpu.memory_space<semaphore_mem>>)
    %add3A_7 = arith.constant 0 : i32
    %add3A_8 = arith.addi %mul3A_0, %add3A_7 : i32
    %dma_start3A_9 = arith.constant 0 : i32
    %dma_start3A_10 = tpu.memref_slice %arg5[%add3A_8, %dma_start3A_9] : memref<2528x128xi32, #tpu.memory_space<hbm>> -> memref<1x128xi32, #tpu.memory_space<hbm>>
    %dma_start3A_11 = tpu.memref_squeeze %dma_start3A_10 : memref<1x128xi32, #tpu.memory_space<hbm>> -> memref<128xi32, #tpu.memory_space<hbm>>
    %dma_start3A_12 = arith.constant 0 : i32
    %dma_start3A_13 = tpu.memref_slice %arg5[%add3A_8, %dma_start3A_12] : memref<2528x128xi32, #tpu.memory_space<hbm>> -> memref<1x128xi32, #tpu.memory_space<hbm>>
    %dma_start3A_14 = tpu.memref_squeeze %dma_start3A_13 : memref<1x128xi32, #tpu.memory_space<hbm>> -> memref<128xi32, #tpu.memory_space<hbm>>
    tpu.enqueue_dma source(%dma_start3A_14 : memref<128xi32, #tpu.memory_space<hbm>>) target(%arg11 : memref<128xi32, #tpu.memory_space<vmem>>) target_semaphore(%arg20 : memref<!tpu.dma_semaphore, #tpu.memory_space<semaphore_mem>>)
    %add3A_15 = arith.constant 1 : i32
    %add3A_16 = arith.addi %mul3A_0, %add3A_15 : i32
    %dma_start3A_17 = arith.constant 0 : i32
    %dma_start3A_18 = tpu.memref_slice %arg4[%add3A_16, %dma_start3A_17] : memref<2528x128xi32, #tpu.memory_space<hbm>> -> memref<1x128xi32, #tpu.memory_space<hbm>>
    %dma_start3A_19 = tpu.memref_squeeze %dma_start3A_18 : memref<1x128xi32, #tpu.memory_space<hbm>> -> memref<128xi32, #tpu.memory_space<hbm>>
    %dma_start3A_20 = arith.constant 0 : i32
    %dma_start3A_21 = tpu.memref_slice %arg4[%add3A_16, %dma_start3A_20] : memref<2528x128xi32, #tpu.memory_space<hbm>> -> memref<1x128xi32, #tpu.memory_space<hbm>>
    %dma_start3A_22 = tpu.memref_squeeze %dma_start3A_21 : memref<1x128xi32, #tpu.memory_space<hbm>> -> memref<128xi32, #tpu.memory_space<hbm>>
    tpu.enqueue_dma source(%dma_start3A_22 : memref<128xi32, #tpu.memory_space<hbm>>) target(%arg10 : memref<128xi32, #tpu.memory_space<vmem>>) target_semaphore(%arg19 : memref<!tpu.dma_semaphore, #tpu.memory_space<semaphore_mem>>)
    %add3A_23 = arith.constant 1 : i32
    %add3A_24 = arith.addi %mul3A_0, %add3A_23 : i32
    %dma_start3A_25 = arith.constant 0 : i32
    %dma_start3A_26 = tpu.memref_slice %arg5[%add3A_24, %dma_start3A_25] : memref<2528x128xi32, #tpu.memory_space<hbm>> -> memref<1x128xi32, #tpu.memory_space<hbm>>
    %dma_start3A_27 = tpu.memref_squeeze %dma_start3A_26 : memref<1x128xi32, #tpu.memory_space<hbm>> -> memref<128xi32, #tpu.memory_space<hbm>>
    %dma_start3A_28 = arith.constant 0 : i32
    %dma_start3A_29 = tpu.memref_slice %arg5[%add3A_24, %dma_start3A_28] : memref<2528x128xi32, #tpu.memory_space<hbm>> -> memref<1x128xi32, #tpu.memory_space<hbm>>
    %dma_start3A_30 = tpu.memref_squeeze %dma_start3A_29 : memref<1x128xi32, #tpu.memory_space<hbm>> -> memref<128xi32, #tpu.memory_space<hbm>>
    tpu.enqueue_dma source(%dma_start3A_30 : memref<128xi32, #tpu.memory_space<hbm>>) target(%arg12 : memref<128xi32, #tpu.memory_space<vmem>>) target_semaphore(%arg21 : memref<!tpu.dma_semaphore, #tpu.memory_space<semaphore_mem>>)
    %mul3A_31 = arith.constant 640 : i32
    %mul3A_32 = arith.muli %arg1, %mul3A_31 : i32
    "tpu.region"() ({
      %run_scoped3A = tpu.sem_alloc : memref<!tpu.dma_semaphore, #tpu.memory_space<semaphore_mem>>
      %dma_start3A_40 = arith.constant 0 : i32
      %dma_start3A_41 = tpu.memref_slice %arg15[%mul3A_32, %dma_start3A_40] : memref<10240x128xf32, #tpu.memory_space<vmem_shared>> -> memref<640x128xf32, #tpu.memory_space<vmem_shared>>
      tpu.enqueue_dma source(%arg6 : memref<640x128xf32, #tpu.memory_space<hbm>>) target(%dma_start3A_41 : memref<640x128xf32, #tpu.memory_space<vmem_shared>>) target_semaphore(%run_scoped3A : memref<!tpu.dma_semaphore, #tpu.memory_space<semaphore_mem>>)
      %dma_wait3A = arith.constant 0 : i32
      %dma_wait3A_42 = tpu.memref_slice %arg15[%mul3A_32, %dma_wait3A] : memref<10240x128xf32, #tpu.memory_space<vmem_shared>> -> memref<640x128xf32, #tpu.memory_space<vmem_shared>>
      tpu.wait_dma2 semaphore(%run_scoped3A : memref<!tpu.dma_semaphore, #tpu.memory_space<semaphore_mem>>) src(%arg6 : memref<640x128xf32, #tpu.memory_space<hbm>>) dst(%dma_wait3A_42 : memref<640x128xf32, #tpu.memory_space<vmem_shared>>)
      tpu.yield
    }) : () -> ()
    %barrier3A = arith.constant 0 : index
    tpu.barrier barrier_id(%barrier3A)
    %eq3A = arith.constant 0 : i32
    %eq3A_33 = arith.cmpi eq, %arg0, %eq3A : i32
    %convert_element_type3A = arith.extui %eq3A_33 : i1 to i32
    %cond3A = arith.constant 0 : i32
    %cond3A_34 = arith.cmpi ne, %convert_element_type3A, %cond3A : i32
    scf.if %cond3A_34 {
      %dma_wait3A = arith.constant 0 : i32
      %dma_wait3A_40 = tpu.memref_slice %arg4[%mul3A_0, %dma_wait3A] : memref<2528x128xi32, #tpu.memory_space<hbm>> -> memref<1x128xi32, #tpu.memory_space<hbm>>
      %dma_wait3A_41 = tpu.memref_squeeze %dma_wait3A_40 : memref<1x128xi32, #tpu.memory_space<hbm>> -> memref<128xi32, #tpu.memory_space<hbm>>
      %dma_wait3A_42 = arith.constant 0 : i32
      %dma_wait3A_43 = tpu.memref_slice %arg4[%mul3A_0, %dma_wait3A_42] : memref<2528x128xi32, #tpu.memory_space<hbm>> -> memref<1x128xi32, #tpu.memory_space<hbm>>
      %dma_wait3A_44 = tpu.memref_squeeze %dma_wait3A_43 : memref<1x128xi32, #tpu.memory_space<hbm>> -> memref<128xi32, #tpu.memory_space<hbm>>
      tpu.wait_dma2 semaphore(%arg18 : memref<!tpu.dma_semaphore, #tpu.memory_space<semaphore_mem>>) src(%dma_wait3A_44 : memref<128xi32, #tpu.memory_space<hbm>>) dst(%arg9 : memref<128xi32, #tpu.memory_space<vmem>>)
      %dma_start3A_45 = arith.constant 0 : i32
      %dma_start3A_46 = arith.constant 0 : i32
      %dma_start3A_47 = tpu.memref_slice %arg2[%dma_start3A_45, %dma_start3A_46] : memref<10000x128xf32, #tpu.memory_space<hbm>> -> memref<10000x128xf32, #tpu.memory_space<hbm>>
      tpu.enqueue_indirect_dma source(%dma_start3A_47 : memref<10000x128xf32, #tpu.memory_space<hbm>>) target(%arg13 : memref<128x128xf32, #tpu.memory_space<vmem>>) offsets(%arg9 : memref<128xi32, #tpu.memory_space<vmem>>) semaphore(%arg16 : memref<!tpu.dma_semaphore, #tpu.memory_space<semaphore_mem>>)
      %scan3A = arith.constant 0 : i32
      %scan3A_48 = arith.constant 78 : i32
      %scan3A_49 = arith.addi %scan3A, %scan3A_48 : i32
      %scan3A_50 = arith.constant 1 : i32
      scf.for %scan3A_78 = %scan3A to %scan3A_49 step %scan3A_50  : i32 {
        %mul3A_79 = arith.constant 1 : i32
        %mul3A_80 = arith.muli %scan3A_78, %mul3A_79 : i32
        %add3A_81 = arith.constant 0 : i32
        %add3A_82 = arith.addi %add3A_81, %mul3A_80 : i32
        %mul3A_83 = arith.constant 2 : i32
        %mul3A_84 = arith.muli %mul3A_83, %add3A_82 : i32
        %dma_wait3A_85 = arith.constant 0 : i32
        %dma_wait3A_86 = tpu.memref_slice %arg4[%mul3A_0, %dma_wait3A_85] : memref<2528x128xi32, #tpu.memory_space<hbm>> -> memref<1x128xi32, #tpu.memory_space<hbm>>
        %dma_wait3A_87 = tpu.memref_squeeze %dma_wait3A_86 : memref<1x128xi32, #tpu.memory_space<hbm>> -> memref<128xi32, #tpu.memory_space<hbm>>
        %dma_wait3A_88 = arith.constant 0 : i32
        %dma_wait3A_89 = tpu.memref_slice %arg4[%mul3A_0, %dma_wait3A_88] : memref<2528x128xi32, #tpu.memory_space<hbm>> -> memref<1x128xi32, #tpu.memory_space<hbm>>
        %dma_wait3A_90 = tpu.memref_squeeze %dma_wait3A_89 : memref<1x128xi32, #tpu.memory_space<hbm>> -> memref<128xi32, #tpu.memory_space<hbm>>
        tpu.wait_dma2 semaphore(%arg19 : memref<!tpu.dma_semaphore, #tpu.memory_space<semaphore_mem>>) src(%dma_wait3A_90 : memref<128xi32, #tpu.memory_space<hbm>>) dst(%arg10 : memref<128xi32, #tpu.memory_space<vmem>>)
        %dma_start3A_91 = arith.constant 0 : i32
        %dma_start3A_92 = arith.constant 0 : i32
        %dma_start3A_93 = tpu.memref_slice %arg2[%dma_start3A_91, %dma_start3A_92] : memref<10000x128xf32, #tpu.memory_space<hbm>> -> memref<10000x128xf32, #tpu.memory_space<hbm>>
        tpu.enqueue_indirect_dma source(%dma_start3A_93 : memref<10000x128xf32, #tpu.memory_space<hbm>>) target(%arg14 : memref<128x128xf32, #tpu.memory_space<vmem>>) offsets(%arg10 : memref<128xi32, #tpu.memory_space<vmem>>) semaphore(%arg17 : memref<!tpu.dma_semaphore, #tpu.memory_space<semaphore_mem>>)
        %dma_wait3A_94 = arith.constant 0 : i32
        %dma_wait3A_95 = arith.constant 0 : i32
        %dma_wait3A_96 = tpu.memref_slice %arg2[%dma_wait3A_94, %dma_wait3A_95] : memref<10000x128xf32, #tpu.memory_space<hbm>> -> memref<10000x128xf32, #tpu.memory_space<hbm>>
        tpu.wait_indirect_dma semaphore(%arg16 : memref<!tpu.dma_semaphore, #tpu.memory_space<semaphore_mem>>) src(%dma_wait3A_96 : memref<10000x128xf32, #tpu.memory_space<hbm>>) dst(%arg13 : memref<128x128xf32, #tpu.memory_space<vmem>>)
        %add3A_97 = arith.constant 2 : i32
        %add3A_98 = arith.addi %mul3A_84, %add3A_97 : i32
        %add3A_99 = arith.addi %mul3A_0, %add3A_98 : i32
        %dma_start3A_100 = arith.constant 0 : i32
        %dma_start3A_101 = tpu.memref_slice %arg4[%add3A_99, %dma_start3A_100] : memref<2528x128xi32, #tpu.memory_space<hbm>> -> memref<1x128xi32, #tpu.memory_space<hbm>>
        %dma_start3A_102 = tpu.memref_squeeze %dma_start3A_101 : memref<1x128xi32, #tpu.memory_space<hbm>> -> memref<128xi32, #tpu.memory_space<hbm>>
        %dma_start3A_103 = arith.constant 0 : i32
        %dma_start3A_104 = tpu.memref_slice %arg4[%add3A_99, %dma_start3A_103] : memref<2528x128xi32, #tpu.memory_space<hbm>> -> memref<1x128xi32, #tpu.memory_space<hbm>>
        %dma_start3A_105 = tpu.memref_squeeze %dma_start3A_104 : memref<1x128xi32, #tpu.memory_space<hbm>> -> memref<128xi32, #tpu.memory_space<hbm>>
        tpu.enqueue_dma source(%dma_start3A_105 : memref<128xi32, #tpu.memory_space<hbm>>) target(%arg9 : memref<128xi32, #tpu.memory_space<vmem>>) target_semaphore(%arg18 : memref<!tpu.dma_semaphore, #tpu.memory_space<semaphore_mem>>)
        %dma_wait3A_106 = arith.constant 0 : i32
        %dma_wait3A_107 = tpu.memref_slice %arg5[%mul3A_0, %dma_wait3A_106] : memref<2528x128xi32, #tpu.memory_space<hbm>> -> memref<1x128xi32, #tpu.memory_space<hbm>>
        %dma_wait3A_108 = tpu.memref_squeeze %dma_wait3A_107 : memref<1x128xi32, #tpu.memory_space<hbm>> -> memref<128xi32, #tpu.memory_space<hbm>>
        %dma_wait3A_109 = arith.constant 0 : i32
        %dma_wait3A_110 = tpu.memref_slice %arg5[%mul3A_0, %dma_wait3A_109] : memref<2528x128xi32, #tpu.memory_space<hbm>> -> memref<1x128xi32, #tpu.memory_space<hbm>>
        %dma_wait3A_111 = tpu.memref_squeeze %dma_wait3A_110 : memref<1x128xi32, #tpu.memory_space<hbm>> -> memref<128xi32, #tpu.memory_space<hbm>>
        tpu.wait_dma2 semaphore(%arg20 : memref<!tpu.dma_semaphore, #tpu.memory_space<semaphore_mem>>) src(%dma_wait3A_111 : memref<128xi32, #tpu.memory_space<hbm>>) dst(%arg11 : memref<128xi32, #tpu.memory_space<vmem>>)
        "tpu.region"() ({
          %run_scoped3A = tpu.sem_alloc : memref<!tpu.dma_semaphore, #tpu.memory_space<semaphore_mem>>
          %dma_start3A_157 = arith.constant 0 : i32
          %dma_start3A_158 = arith.constant 0 : i32
          %dma_start3A_159 = tpu.memref_slice %arg15[%dma_start3A_157, %dma_start3A_158] : memref<10240x128xf32, #tpu.memory_space<vmem_shared>> -> memref<10240x128xf32, #tpu.memory_space<vmem_shared>>
          tpu.enqueue_indirect_dma source(%arg13 : memref<128x128xf32, #tpu.memory_space<vmem>>) target(%dma_start3A_159 : memref<10240x128xf32, #tpu.memory_space<vmem_shared>>) offsets(%arg11 : memref<128xi32, #tpu.memory_space<vmem>>) semaphore(%run_scoped3A : memref<!tpu.dma_semaphore, #tpu.memory_space<semaphore_mem>>) {add = true}
          %dma_wait3A_160 = arith.constant 0 : i32
          %dma_wait3A_161 = arith.constant 0 : i32
          %dma_wait3A_162 = tpu.memref_slice %arg15[%dma_wait3A_160, %dma_wait3A_161] : memref<10240x128xf32, #tpu.memory_space<vmem_shared>> -> memref<10240x128xf32, #tpu.memory_space<vmem_shared>>
          tpu.wait_indirect_dma semaphore(%run_scoped3A : memref<!tpu.dma_semaphore, #tpu.memory_space<semaphore_mem>>) src(%arg13 : memref<128x128xf32, #tpu.memory_space<vmem>>) dst(%dma_wait3A_162 : memref<10240x128xf32, #tpu.memory_space<vmem_shared>>)
          tpu.yield
        }) : () -> ()
        %add3A_112 = arith.constant 2 : i32
        %add3A_113 = arith.addi %mul3A_84, %add3A_112 : i32
        %add3A_114 = arith.addi %mul3A_0, %add3A_113 : i32
        %dma_start3A_115 = arith.constant 0 : i32
        %dma_start3A_116 = tpu.memref_slice %arg5[%add3A_114, %dma_start3A_115] : memref<2528x128xi32, #tpu.memory_space<hbm>> -> memref<1x128xi32, #tpu.memory_space<hbm>>
        %dma_start3A_117 = tpu.memref_squeeze %dma_start3A_116 : memref<1x128xi32, #tpu.memory_space<hbm>> -> memref<128xi32, #tpu.memory_space<hbm>>
        %dma_start3A_118 = arith.constant 0 : i32
        %dma_start3A_119 = tpu.memref_slice %arg5[%add3A_114, %dma_start3A_118] : memref<2528x128xi32, #tpu.memory_space<hbm>> -> memref<1x128xi32, #tpu.memory_space<hbm>>
        %dma_start3A_120 = tpu.memref_squeeze %dma_start3A_119 : memref<1x128xi32, #tpu.memory_space<hbm>> -> memref<128xi32, #tpu.memory_space<hbm>>
        tpu.enqueue_dma source(%dma_start3A_120 : memref<128xi32, #tpu.memory_space<hbm>>) target(%arg11 : memref<128xi32, #tpu.memory_space<vmem>>) target_semaphore(%arg20 : memref<!tpu.dma_semaphore, #tpu.memory_space<semaphore_mem>>)
        %dma_wait3A_121 = arith.constant 0 : i32
        %dma_wait3A_122 = tpu.memref_slice %arg4[%mul3A_0, %dma_wait3A_121] : memref<2528x128xi32, #tpu.memory_space<hbm>> -> memref<1x128xi32, #tpu.memory_space<hbm>>
        %dma_wait3A_123 = tpu.memref_squeeze %dma_wait3A_122 : memref<1x128xi32, #tpu.memory_space<hbm>> -> memref<128xi32, #tpu.memory_space<hbm>>
        %dma_wait3A_124 = arith.constant 0 : i32
        %dma_wait3A_125 = tpu.memref_slice %arg4[%mul3A_0, %dma_wait3A_124] : memref<2528x128xi32, #tpu.memory_space<hbm>> -> memref<1x128xi32, #tpu.memory_space<hbm>>
        %dma_wait3A_126 = tpu.memref_squeeze %dma_wait3A_125 : memref<1x128xi32, #tpu.memory_space<hbm>> -> memref<128xi32, #tpu.memory_space<hbm>>
        tpu.wait_dma2 semaphore(%arg18 : memref<!tpu.dma_semaphore, #tpu.memory_space<semaphore_mem>>) src(%dma_wait3A_126 : memref<128xi32, #tpu.memory_space<hbm>>) dst(%arg9 : memref<128xi32, #tpu.memory_space<vmem>>)
        %dma_start3A_127 = arith.constant 0 : i32
        %dma_start3A_128 = arith.constant 0 : i32
        %dma_start3A_129 = tpu.memref_slice %arg2[%dma_start3A_127, %dma_start3A_128] : memref<10000x128xf32, #tpu.memory_space<hbm>> -> memref<10000x128xf32, #tpu.memory_space<hbm>>
        tpu.enqueue_indirect_dma source(%dma_start3A_129 : memref<10000x128xf32, #tpu.memory_space<hbm>>) target(%arg13 : memref<128x128xf32, #tpu.memory_space<vmem>>) offsets(%arg9 : memref<128xi32, #tpu.memory_space<vmem>>) semaphore(%arg16 : memref<!tpu.dma_semaphore, #tpu.memory_space<semaphore_mem>>)
        %dma_wait3A_130 = arith.constant 0 : i32
        %dma_wait3A_131 = arith.constant 0 : i32
        %dma_wait3A_132 = tpu.memref_slice %arg2[%dma_wait3A_130, %dma_wait3A_131] : memref<10000x128xf32, #tpu.memory_space<hbm>> -> memref<10000x128xf32, #tpu.memory_space<hbm>>
        tpu.wait_indirect_dma semaphore(%arg17 : memref<!tpu.dma_semaphore, #tpu.memory_space<semaphore_mem>>) src(%dma_wait3A_132 : memref<10000x128xf32, #tpu.memory_space<hbm>>) dst(%arg14 : memref<128x128xf32, #tpu.memory_space<vmem>>)
        %add3A_133 = arith.constant 3 : i32
        %add3A_134 = arith.addi %mul3A_84, %add3A_133 : i32
        %add3A_135 = arith.addi %mul3A_0, %add3A_134 : i32
        %dma_start3A_136 = arith.constant 0 : i32
        %dma_start3A_137 = tpu.memref_slice %arg4[%add3A_135, %dma_start3A_136] : memref<2528x128xi32, #tpu.memory_space<hbm>> -> memref<1x128xi32, #tpu.memory_space<hbm>>
        %dma_start3A_138 = tpu.memref_squeeze %dma_start3A_137 : memref<1x128xi32, #tpu.memory_space<hbm>> -> memref<128xi32, #tpu.memory_space<hbm>>
        %dma_start3A_139 = arith.constant 0 : i32
        %dma_start3A_140 = tpu.memref_slice %arg4[%add3A_135, %dma_start3A_139] : memref<2528x128xi32, #tpu.memory_space<hbm>> -> memref<1x128xi32, #tpu.memory_space<hbm>>
        %dma_start3A_141 = tpu.memref_squeeze %dma_start3A_140 : memref<1x128xi32, #tpu.memory_space<hbm>> -> memref<128xi32, #tpu.memory_space<hbm>>
        tpu.enqueue_dma source(%dma_start3A_141 : memref<128xi32, #tpu.memory_space<hbm>>) target(%arg10 : memref<128xi32, #tpu.memory_space<vmem>>) target_semaphore(%arg19 : memref<!tpu.dma_semaphore, #tpu.memory_space<semaphore_mem>>)
        %dma_wait3A_142 = arith.constant 0 : i32
        %dma_wait3A_143 = tpu.memref_slice %arg5[%mul3A_0, %dma_wait3A_142] : memref<2528x128xi32, #tpu.memory_space<hbm>> -> memref<1x128xi32, #tpu.memory_space<hbm>>
        %dma_wait3A_144 = tpu.memref_squeeze %dma_wait3A_143 : memref<1x128xi32, #tpu.memory_space<hbm>> -> memref<128xi32, #tpu.memory_space<hbm>>
        %dma_wait3A_145 = arith.constant 0 : i32
        %dma_wait3A_146 = tpu.memref_slice %arg5[%mul3A_0, %dma_wait3A_145] : memref<2528x128xi32, #tpu.memory_space<hbm>> -> memref<1x128xi32, #tpu.memory_space<hbm>>
        %dma_wait3A_147 = tpu.memref_squeeze %dma_wait3A_146 : memref<1x128xi32, #tpu.memory_space<hbm>> -> memref<128xi32, #tpu.memory_space<hbm>>
        tpu.wait_dma2 semaphore(%arg21 : memref<!tpu.dma_semaphore, #tpu.memory_space<semaphore_mem>>) src(%dma_wait3A_147 : memref<128xi32, #tpu.memory_space<hbm>>) dst(%arg12 : memref<128xi32, #tpu.memory_space<vmem>>)
        "tpu.region"() ({
          %run_scoped3A = tpu.sem_alloc : memref<!tpu.dma_semaphore, #tpu.memory_space<semaphore_mem>>
          %dma_start3A_157 = arith.constant 0 : i32
          %dma_start3A_158 = arith.constant 0 : i32
          %dma_start3A_159 = tpu.memref_slice %arg15[%dma_start3A_157, %dma_start3A_158] : memref<10240x128xf32, #tpu.memory_space<vmem_shared>> -> memref<10240x128xf32, #tpu.memory_space<vmem_shared>>
          tpu.enqueue_indirect_dma source(%arg14 : memref<128x128xf32, #tpu.memory_space<vmem>>) target(%dma_start3A_159 : memref<10240x128xf32, #tpu.memory_space<vmem_shared>>) offsets(%arg12 : memref<128xi32, #tpu.memory_space<vmem>>) semaphore(%run_scoped3A : memref<!tpu.dma_semaphore, #tpu.memory_space<semaphore_mem>>) {add = true}
          %dma_wait3A_160 = arith.constant 0 : i32
          %dma_wait3A_161 = arith.constant 0 : i32
          %dma_wait3A_162 = tpu.memref_slice %arg15[%dma_wait3A_160, %dma_wait3A_161] : memref<10240x128xf32, #tpu.memory_space<vmem_shared>> -> memref<10240x128xf32, #tpu.memory_space<vmem_shared>>
          tpu.wait_indirect_dma semaphore(%run_scoped3A : memref<!tpu.dma_semaphore, #tpu.memory_space<semaphore_mem>>) src(%arg14 : memref<128x128xf32, #tpu.memory_space<vmem>>) dst(%dma_wait3A_162 : memref<10240x128xf32, #tpu.memory_space<vmem_shared>>)
          tpu.yield
        }) : () -> ()
        %add3A_148 = arith.constant 3 : i32
        %add3A_149 = arith.addi %mul3A_84, %add3A_148 : i32
        %add3A_150 = arith.addi %mul3A_0, %add3A_149 : i32
        %dma_start3A_151 = arith.constant 0 : i32
        %dma_start3A_152 = tpu.memref_slice %arg5[%add3A_150, %dma_start3A_151] : memref<2528x128xi32, #tpu.memory_space<hbm>> -> memref<1x128xi32, #tpu.memory_space<hbm>>
        %dma_start3A_153 = tpu.memref_squeeze %dma_start3A_152 : memref<1x128xi32, #tpu.memory_space<hbm>> -> memref<128xi32, #tpu.memory_space<hbm>>
        %dma_start3A_154 = arith.constant 0 : i32
        %dma_start3A_155 = tpu.memref_slice %arg5[%add3A_150, %dma_start3A_154] : memref<2528x128xi32, #tpu.memory_space<hbm>> -> memref<1x128xi32, #tpu.memory_space<hbm>>
        %dma_start3A_156 = tpu.memref_squeeze %dma_start3A_155 : memref<1x128xi32, #tpu.memory_space<hbm>> -> memref<128xi32, #tpu.memory_space<hbm>>
        tpu.enqueue_dma source(%dma_start3A_156 : memref<128xi32, #tpu.memory_space<hbm>>) target(%arg12 : memref<128xi32, #tpu.memory_space<vmem>>) target_semaphore(%arg21 : memref<!tpu.dma_semaphore, #tpu.memory_space<semaphore_mem>>)
      }
      %scan3A_51 = arith.constant 78 : i32
      %dma_wait3A_52 = arith.constant 0 : i32
      %dma_wait3A_53 = arith.constant 0 : i32
      %dma_wait3A_54 = tpu.memref_slice %arg2[%dma_wait3A_52, %dma_wait3A_53] : memref<10000x128xf32, #tpu.memory_space<hbm>> -> memref<10000x128xf32, #tpu.memory_space<hbm>>
      tpu.wait_indirect_dma semaphore(%arg16 : memref<!tpu.dma_semaphore, #tpu.memory_space<semaphore_mem>>) src(%dma_wait3A_54 : memref<10000x128xf32, #tpu.memory_space<hbm>>) dst(%arg13 : memref<128x128xf32, #tpu.memory_space<vmem>>)
      %dma_wait3A_55 = arith.constant 0 : i32
      %dma_wait3A_56 = tpu.memref_slice %arg5[%mul3A_0, %dma_wait3A_55] : memref<2528x128xi32, #tpu.memory_space<hbm>> -> memref<1x128xi32, #tpu.memory_space<hbm>>
      %dma_wait3A_57 = tpu.memref_squeeze %dma_wait3A_56 : memref<1x128xi32, #tpu.memory_space<hbm>> -> memref<128xi32, #tpu.memory_space<hbm>>
      %dma_wait3A_58 = arith.constant 0 : i32
      %dma_wait3A_59 = tpu.memref_slice %arg5[%mul3A_0, %dma_wait3A_58] : memref<2528x128xi32, #tpu.memory_space<hbm>> -> memref<1x128xi32, #tpu.memory_space<hbm>>
      %dma_wait3A_60 = tpu.memref_squeeze %dma_wait3A_59 : memref<1x128xi32, #tpu.memory_space<hbm>> -> memref<128xi32, #tpu.memory_space<hbm>>
      tpu.wait_dma2 semaphore(%arg20 : memref<!tpu.dma_semaphore, #tpu.memory_space<semaphore_mem>>) src(%dma_wait3A_60 : memref<128xi32, #tpu.memory_space<hbm>>) dst(%arg11 : memref<128xi32, #tpu.memory_space<vmem>>)
      "tpu.region"() ({
        %run_scoped3A = tpu.sem_alloc : memref<!tpu.dma_semaphore, #tpu.memory_space<semaphore_mem>>
        %dma_start3A_78 = arith.constant 0 : i32
        %dma_start3A_79 = arith.constant 0 : i32
        %dma_start3A_80 = tpu.memref_slice %arg15[%dma_start3A_78, %dma_start3A_79] : memref<10240x128xf32, #tpu.memory_space<vmem_shared>> -> memref<10240x128xf32, #tpu.memory_space<vmem_shared>>
        tpu.enqueue_indirect_dma source(%arg13 : memref<128x128xf32, #tpu.memory_space<vmem>>) target(%dma_start3A_80 : memref<10240x128xf32, #tpu.memory_space<vmem_shared>>) offsets(%arg11 : memref<128xi32, #tpu.memory_space<vmem>>) semaphore(%run_scoped3A : memref<!tpu.dma_semaphore, #tpu.memory_space<semaphore_mem>>) {add = true}
        %dma_wait3A_81 = arith.constant 0 : i32
        %dma_wait3A_82 = arith.constant 0 : i32
        %dma_wait3A_83 = tpu.memref_slice %arg15[%dma_wait3A_81, %dma_wait3A_82] : memref<10240x128xf32, #tpu.memory_space<vmem_shared>> -> memref<10240x128xf32, #tpu.memory_space<vmem_shared>>
        tpu.wait_indirect_dma semaphore(%run_scoped3A : memref<!tpu.dma_semaphore, #tpu.memory_space<semaphore_mem>>) src(%arg13 : memref<128x128xf32, #tpu.memory_space<vmem>>) dst(%dma_wait3A_83 : memref<10240x128xf32, #tpu.memory_space<vmem_shared>>)
        tpu.yield
      }) : () -> ()
      %dma_wait3A_61 = arith.constant 0 : i32
      %dma_wait3A_62 = tpu.memref_slice %arg4[%mul3A_0, %dma_wait3A_61] : memref<2528x128xi32, #tpu.memory_space<hbm>> -> memref<1x128xi32, #tpu.memory_space<hbm>>
      %dma_wait3A_63 = tpu.memref_squeeze %dma_wait3A_62 : memref<1x128xi32, #tpu.memory_space<hbm>> -> memref<128xi32, #tpu.memory_space<hbm>>
      %dma_wait3A_64 = arith.constant 0 : i32
      %dma_wait3A_65 = tpu.memref_slice %arg4[%mul3A_0, %dma_wait3A_64] : memref<2528x128xi32, #tpu.memory_space<hbm>> -> memref<1x128xi32, #tpu.memory_space<hbm>>
      %dma_wait3A_66 = tpu.memref_squeeze %dma_wait3A_65 : memref<1x128xi32, #tpu.memory_space<hbm>> -> memref<128xi32, #tpu.memory_space<hbm>>
      tpu.wait_dma2 semaphore(%arg19 : memref<!tpu.dma_semaphore, #tpu.memory_space<semaphore_mem>>) src(%dma_wait3A_66 : memref<128xi32, #tpu.memory_space<hbm>>) dst(%arg10 : memref<128xi32, #tpu.memory_space<vmem>>)
      %dma_wait3A_67 = arith.constant 0 : i32
      %dma_wait3A_68 = tpu.memref_slice %arg5[%mul3A_0, %dma_wait3A_67] : memref<2528x128xi32, #tpu.memory_space<hbm>> -> memref<1x128xi32, #tpu.memory_space<hbm>>
      %dma_wait3A_69 = tpu.memref_squeeze %dma_wait3A_68 : memref<1x128xi32, #tpu.memory_space<hbm>> -> memref<128xi32, #tpu.memory_space<hbm>>
      %dma_wait3A_70 = arith.constant 0 : i32
      %dma_wait3A_71 = tpu.memref_slice %arg5[%mul3A_0, %dma_wait3A_70] : memref<2528x128xi32, #tpu.memory_space<hbm>> -> memref<1x128xi32, #tpu.memory_space<hbm>>
      %dma_wait3A_72 = tpu.memref_squeeze %dma_wait3A_71 : memref<1x128xi32, #tpu.memory_space<hbm>> -> memref<128xi32, #tpu.memory_space<hbm>>
      tpu.wait_dma2 semaphore(%arg21 : memref<!tpu.dma_semaphore, #tpu.memory_space<semaphore_mem>>) src(%dma_wait3A_72 : memref<128xi32, #tpu.memory_space<hbm>>) dst(%arg12 : memref<128xi32, #tpu.memory_space<vmem>>)
      %barrier3A_73 = arith.constant 0 : index
      tpu.barrier barrier_id(%barrier3A_73)
      %mul3A_74 = arith.constant 640 : i32
      %mul3A_75 = arith.muli %arg1, %mul3A_74 : i32
      %mul3A_76 = arith.constant 640 : i32
      %mul3A_77 = arith.muli %arg1, %mul3A_76 : i32
      "tpu.region"() ({
        %run_scoped3A = tpu.sem_alloc : memref<!tpu.dma_semaphore, #tpu.memory_space<semaphore_mem>>
        %dma_start3A_78 = arith.constant 0 : i32
        %dma_start3A_79 = tpu.memref_slice %arg7[%mul3A_77, %dma_start3A_78] : memref<10240x128xf32, #tpu.memory_space<hbm>> -> memref<640x128xf32, #tpu.memory_space<hbm>>
        %dma_start3A_80 = arith.constant 0 : i32
        %dma_start3A_81 = tpu.memref_slice %arg15[%mul3A_75, %dma_start3A_80] : memref<10240x128xf32, #tpu.memory_space<vmem_shared>> -> memref<640x128xf32, #tpu.memory_space<vmem_shared>>
        tpu.enqueue_dma source(%dma_start3A_81 : memref<640x128xf32, #tpu.memory_space<vmem_shared>>) target(%dma_start3A_79 : memref<640x128xf32, #tpu.memory_space<hbm>>) target_semaphore(%run_scoped3A : memref<!tpu.dma_semaphore, #tpu.memory_space<semaphore_mem>>)
        %dma_wait3A_82 = arith.constant 0 : i32
        %dma_wait3A_83 = tpu.memref_slice %arg7[%mul3A_77, %dma_wait3A_82] : memref<10240x128xf32, #tpu.memory_space<hbm>> -> memref<640x128xf32, #tpu.memory_space<hbm>>
        %dma_wait3A_84 = arith.constant 0 : i32
        %dma_wait3A_85 = tpu.memref_slice %arg15[%mul3A_75, %dma_wait3A_84] : memref<10240x128xf32, #tpu.memory_space<vmem_shared>> -> memref<640x128xf32, #tpu.memory_space<vmem_shared>>
        tpu.wait_dma2 semaphore(%run_scoped3A : memref<!tpu.dma_semaphore, #tpu.memory_space<semaphore_mem>>) src(%dma_wait3A_85 : memref<640x128xf32, #tpu.memory_space<vmem_shared>>) dst(%dma_wait3A_83 : memref<640x128xf32, #tpu.memory_space<hbm>>)
        tpu.yield
      }) : () -> ()
    } else {
    }
    %eq3A_35 = arith.constant 1 : i32
    %eq3A_36 = arith.cmpi eq, %arg0, %eq3A_35 : i32
    %convert_element_type3A_37 = arith.extui %eq3A_36 : i1 to i32
    %cond3A_38 = arith.constant 0 : i32
    %cond3A_39 = arith.cmpi ne, %convert_element_type3A_37, %cond3A_38 : i32
    scf.if %cond3A_39 {
      %dma_wait3A = arith.constant 0 : i32
      %dma_wait3A_40 = tpu.memref_slice %arg4[%mul3A_0, %dma_wait3A] : memref<2528x128xi32, #tpu.memory_space<hbm>> -> memref<1x128xi32, #tpu.memory_space<hbm>>
      %dma_wait3A_41 = tpu.memref_squeeze %dma_wait3A_40 : memref<1x128xi32, #tpu.memory_space<hbm>> -> memref<128xi32, #tpu.memory_space<hbm>>
      %dma_wait3A_42 = arith.constant 0 : i32
      %dma_wait3A_43 = tpu.memref_slice %arg4[%mul3A_0, %dma_wait3A_42] : memref<2528x128xi32, #tpu.memory_space<hbm>> -> memref<1x128xi32, #tpu.memory_space<hbm>>
      %dma_wait3A_44 = tpu.memref_squeeze %dma_wait3A_43 : memref<1x128xi32, #tpu.memory_space<hbm>> -> memref<128xi32, #tpu.memory_space<hbm>>
      tpu.wait_dma2 semaphore(%arg18 : memref<!tpu.dma_semaphore, #tpu.memory_space<semaphore_mem>>) src(%dma_wait3A_44 : memref<128xi32, #tpu.memory_space<hbm>>) dst(%arg9 : memref<128xi32, #tpu.memory_space<vmem>>)
      %dma_start3A_45 = arith.constant 0 : i32
      %dma_start3A_46 = arith.constant 0 : i32
      %dma_start3A_47 = tpu.memref_slice %arg3[%dma_start3A_45, %dma_start3A_46] : memref<10000x128xf32, #tpu.memory_space<hbm>> -> memref<10000x128xf32, #tpu.memory_space<hbm>>
      tpu.enqueue_indirect_dma source(%dma_start3A_47 : memref<10000x128xf32, #tpu.memory_space<hbm>>) target(%arg13 : memref<128x128xf32, #tpu.memory_space<vmem>>) offsets(%arg9 : memref<128xi32, #tpu.memory_space<vmem>>) semaphore(%arg16 : memref<!tpu.dma_semaphore, #tpu.memory_space<semaphore_mem>>)
      %scan3A = arith.constant 0 : i32
      %scan3A_48 = arith.constant 78 : i32
      %scan3A_49 = arith.addi %scan3A, %scan3A_48 : i32
      %scan3A_50 = arith.constant 1 : i32
      scf.for %scan3A_78 = %scan3A to %scan3A_49 step %scan3A_50  : i32 {
        %mul3A_79 = arith.constant 1 : i32
        %mul3A_80 = arith.muli %scan3A_78, %mul3A_79 : i32
        %add3A_81 = arith.constant 0 : i32
        %add3A_82 = arith.addi %add3A_81, %mul3A_80 : i32
        %mul3A_83 = arith.constant 2 : i32
        %mul3A_84 = arith.muli %mul3A_83, %add3A_82 : i32
        %dma_wait3A_85 = arith.constant 0 : i32
        %dma_wait3A_86 = tpu.memref_slice %arg4[%mul3A_0, %dma_wait3A_85] : memref<2528x128xi32, #tpu.memory_space<hbm>> -> memref<1x128xi32, #tpu.memory_space<hbm>>
        %dma_wait3A_87 = tpu.memref_squeeze %dma_wait3A_86 : memref<1x128xi32, #tpu.memory_space<hbm>> -> memref<128xi32, #tpu.memory_space<hbm>>
        %dma_wait3A_88 = arith.constant 0 : i32
        %dma_wait3A_89 = tpu.memref_slice %arg4[%mul3A_0, %dma_wait3A_88] : memref<2528x128xi32, #tpu.memory_space<hbm>> -> memref<1x128xi32, #tpu.memory_space<hbm>>
        %dma_wait3A_90 = tpu.memref_squeeze %dma_wait3A_89 : memref<1x128xi32, #tpu.memory_space<hbm>> -> memref<128xi32, #tpu.memory_space<hbm>>
        tpu.wait_dma2 semaphore(%arg19 : memref<!tpu.dma_semaphore, #tpu.memory_space<semaphore_mem>>) src(%dma_wait3A_90 : memref<128xi32, #tpu.memory_space<hbm>>) dst(%arg10 : memref<128xi32, #tpu.memory_space<vmem>>)
        %dma_start3A_91 = arith.constant 0 : i32
        %dma_start3A_92 = arith.constant 0 : i32
        %dma_start3A_93 = tpu.memref_slice %arg3[%dma_start3A_91, %dma_start3A_92] : memref<10000x128xf32, #tpu.memory_space<hbm>> -> memref<10000x128xf32, #tpu.memory_space<hbm>>
        tpu.enqueue_indirect_dma source(%dma_start3A_93 : memref<10000x128xf32, #tpu.memory_space<hbm>>) target(%arg14 : memref<128x128xf32, #tpu.memory_space<vmem>>) offsets(%arg10 : memref<128xi32, #tpu.memory_space<vmem>>) semaphore(%arg17 : memref<!tpu.dma_semaphore, #tpu.memory_space<semaphore_mem>>)
        %dma_wait3A_94 = arith.constant 0 : i32
        %dma_wait3A_95 = arith.constant 0 : i32
        %dma_wait3A_96 = tpu.memref_slice %arg3[%dma_wait3A_94, %dma_wait3A_95] : memref<10000x128xf32, #tpu.memory_space<hbm>> -> memref<10000x128xf32, #tpu.memory_space<hbm>>
        tpu.wait_indirect_dma semaphore(%arg16 : memref<!tpu.dma_semaphore, #tpu.memory_space<semaphore_mem>>) src(%dma_wait3A_96 : memref<10000x128xf32, #tpu.memory_space<hbm>>) dst(%arg13 : memref<128x128xf32, #tpu.memory_space<vmem>>)
        %add3A_97 = arith.constant 2 : i32
        %add3A_98 = arith.addi %mul3A_84, %add3A_97 : i32
        %add3A_99 = arith.addi %mul3A_0, %add3A_98 : i32
        %dma_start3A_100 = arith.constant 0 : i32
        %dma_start3A_101 = tpu.memref_slice %arg4[%add3A_99, %dma_start3A_100] : memref<2528x128xi32, #tpu.memory_space<hbm>> -> memref<1x128xi32, #tpu.memory_space<hbm>>
        %dma_start3A_102 = tpu.memref_squeeze %dma_start3A_101 : memref<1x128xi32, #tpu.memory_space<hbm>> -> memref<128xi32, #tpu.memory_space<hbm>>
        %dma_start3A_103 = arith.constant 0 : i32
        %dma_start3A_104 = tpu.memref_slice %arg4[%add3A_99, %dma_start3A_103] : memref<2528x128xi32, #tpu.memory_space<hbm>> -> memref<1x128xi32, #tpu.memory_space<hbm>>
        %dma_start3A_105 = tpu.memref_squeeze %dma_start3A_104 : memref<1x128xi32, #tpu.memory_space<hbm>> -> memref<128xi32, #tpu.memory_space<hbm>>
        tpu.enqueue_dma source(%dma_start3A_105 : memref<128xi32, #tpu.memory_space<hbm>>) target(%arg9 : memref<128xi32, #tpu.memory_space<vmem>>) target_semaphore(%arg18 : memref<!tpu.dma_semaphore, #tpu.memory_space<semaphore_mem>>)
        %dma_wait3A_106 = arith.constant 0 : i32
        %dma_wait3A_107 = tpu.memref_slice %arg5[%mul3A_0, %dma_wait3A_106] : memref<2528x128xi32, #tpu.memory_space<hbm>> -> memref<1x128xi32, #tpu.memory_space<hbm>>
        %dma_wait3A_108 = tpu.memref_squeeze %dma_wait3A_107 : memref<1x128xi32, #tpu.memory_space<hbm>> -> memref<128xi32, #tpu.memory_space<hbm>>
        %dma_wait3A_109 = arith.constant 0 : i32
        %dma_wait3A_110 = tpu.memref_slice %arg5[%mul3A_0, %dma_wait3A_109] : memref<2528x128xi32, #tpu.memory_space<hbm>> -> memref<1x128xi32, #tpu.memory_space<hbm>>
        %dma_wait3A_111 = tpu.memref_squeeze %dma_wait3A_110 : memref<1x128xi32, #tpu.memory_space<hbm>> -> memref<128xi32, #tpu.memory_space<hbm>>
        tpu.wait_dma2 semaphore(%arg20 : memref<!tpu.dma_semaphore, #tpu.memory_space<semaphore_mem>>) src(%dma_wait3A_111 : memref<128xi32, #tpu.memory_space<hbm>>) dst(%arg11 : memref<128xi32, #tpu.memory_space<vmem>>)
        "tpu.region"() ({
          %run_scoped3A = tpu.sem_alloc : memref<!tpu.dma_semaphore, #tpu.memory_space<semaphore_mem>>
          %dma_start3A_157 = arith.constant 0 : i32
          %dma_start3A_158 = arith.constant 0 : i32
          %dma_start3A_159 = tpu.memref_slice %arg15[%dma_start3A_157, %dma_start3A_158] : memref<10240x128xf32, #tpu.memory_space<vmem_shared>> -> memref<10240x128xf32, #tpu.memory_space<vmem_shared>>
          tpu.enqueue_indirect_dma source(%arg13 : memref<128x128xf32, #tpu.memory_space<vmem>>) target(%dma_start3A_159 : memref<10240x128xf32, #tpu.memory_space<vmem_shared>>) offsets(%arg11 : memref<128xi32, #tpu.memory_space<vmem>>) semaphore(%run_scoped3A : memref<!tpu.dma_semaphore, #tpu.memory_space<semaphore_mem>>) {add = true}
          %dma_wait3A_160 = arith.constant 0 : i32
          %dma_wait3A_161 = arith.constant 0 : i32
          %dma_wait3A_162 = tpu.memref_slice %arg15[%dma_wait3A_160, %dma_wait3A_161] : memref<10240x128xf32, #tpu.memory_space<vmem_shared>> -> memref<10240x128xf32, #tpu.memory_space<vmem_shared>>
          tpu.wait_indirect_dma semaphore(%run_scoped3A : memref<!tpu.dma_semaphore, #tpu.memory_space<semaphore_mem>>) src(%arg13 : memref<128x128xf32, #tpu.memory_space<vmem>>) dst(%dma_wait3A_162 : memref<10240x128xf32, #tpu.memory_space<vmem_shared>>)
          tpu.yield
        }) : () -> ()
        %add3A_112 = arith.constant 2 : i32
        %add3A_113 = arith.addi %mul3A_84, %add3A_112 : i32
        %add3A_114 = arith.addi %mul3A_0, %add3A_113 : i32
        %dma_start3A_115 = arith.constant 0 : i32
        %dma_start3A_116 = tpu.memref_slice %arg5[%add3A_114, %dma_start3A_115] : memref<2528x128xi32, #tpu.memory_space<hbm>> -> memref<1x128xi32, #tpu.memory_space<hbm>>
        %dma_start3A_117 = tpu.memref_squeeze %dma_start3A_116 : memref<1x128xi32, #tpu.memory_space<hbm>> -> memref<128xi32, #tpu.memory_space<hbm>>
        %dma_start3A_118 = arith.constant 0 : i32
        %dma_start3A_119 = tpu.memref_slice %arg5[%add3A_114, %dma_start3A_118] : memref<2528x128xi32, #tpu.memory_space<hbm>> -> memref<1x128xi32, #tpu.memory_space<hbm>>
        %dma_start3A_120 = tpu.memref_squeeze %dma_start3A_119 : memref<1x128xi32, #tpu.memory_space<hbm>> -> memref<128xi32, #tpu.memory_space<hbm>>
        tpu.enqueue_dma source(%dma_start3A_120 : memref<128xi32, #tpu.memory_space<hbm>>) target(%arg11 : memref<128xi32, #tpu.memory_space<vmem>>) target_semaphore(%arg20 : memref<!tpu.dma_semaphore, #tpu.memory_space<semaphore_mem>>)
        %dma_wait3A_121 = arith.constant 0 : i32
        %dma_wait3A_122 = tpu.memref_slice %arg4[%mul3A_0, %dma_wait3A_121] : memref<2528x128xi32, #tpu.memory_space<hbm>> -> memref<1x128xi32, #tpu.memory_space<hbm>>
        %dma_wait3A_123 = tpu.memref_squeeze %dma_wait3A_122 : memref<1x128xi32, #tpu.memory_space<hbm>> -> memref<128xi32, #tpu.memory_space<hbm>>
        %dma_wait3A_124 = arith.constant 0 : i32
        %dma_wait3A_125 = tpu.memref_slice %arg4[%mul3A_0, %dma_wait3A_124] : memref<2528x128xi32, #tpu.memory_space<hbm>> -> memref<1x128xi32, #tpu.memory_space<hbm>>
        %dma_wait3A_126 = tpu.memref_squeeze %dma_wait3A_125 : memref<1x128xi32, #tpu.memory_space<hbm>> -> memref<128xi32, #tpu.memory_space<hbm>>
        tpu.wait_dma2 semaphore(%arg18 : memref<!tpu.dma_semaphore, #tpu.memory_space<semaphore_mem>>) src(%dma_wait3A_126 : memref<128xi32, #tpu.memory_space<hbm>>) dst(%arg9 : memref<128xi32, #tpu.memory_space<vmem>>)
        %dma_start3A_127 = arith.constant 0 : i32
        %dma_start3A_128 = arith.constant 0 : i32
        %dma_start3A_129 = tpu.memref_slice %arg3[%dma_start3A_127, %dma_start3A_128] : memref<10000x128xf32, #tpu.memory_space<hbm>> -> memref<10000x128xf32, #tpu.memory_space<hbm>>
        tpu.enqueue_indirect_dma source(%dma_start3A_129 : memref<10000x128xf32, #tpu.memory_space<hbm>>) target(%arg13 : memref<128x128xf32, #tpu.memory_space<vmem>>) offsets(%arg9 : memref<128xi32, #tpu.memory_space<vmem>>) semaphore(%arg16 : memref<!tpu.dma_semaphore, #tpu.memory_space<semaphore_mem>>)
        %dma_wait3A_130 = arith.constant 0 : i32
        %dma_wait3A_131 = arith.constant 0 : i32
        %dma_wait3A_132 = tpu.memref_slice %arg3[%dma_wait3A_130, %dma_wait3A_131] : memref<10000x128xf32, #tpu.memory_space<hbm>> -> memref<10000x128xf32, #tpu.memory_space<hbm>>
        tpu.wait_indirect_dma semaphore(%arg17 : memref<!tpu.dma_semaphore, #tpu.memory_space<semaphore_mem>>) src(%dma_wait3A_132 : memref<10000x128xf32, #tpu.memory_space<hbm>>) dst(%arg14 : memref<128x128xf32, #tpu.memory_space<vmem>>)
        %add3A_133 = arith.constant 3 : i32
        %add3A_134 = arith.addi %mul3A_84, %add3A_133 : i32
        %add3A_135 = arith.addi %mul3A_0, %add3A_134 : i32
        %dma_start3A_136 = arith.constant 0 : i32
        %dma_start3A_137 = tpu.memref_slice %arg4[%add3A_135, %dma_start3A_136] : memref<2528x128xi32, #tpu.memory_space<hbm>> -> memref<1x128xi32, #tpu.memory_space<hbm>>
        %dma_start3A_138 = tpu.memref_squeeze %dma_start3A_137 : memref<1x128xi32, #tpu.memory_space<hbm>> -> memref<128xi32, #tpu.memory_space<hbm>>
        %dma_start3A_139 = arith.constant 0 : i32
        %dma_start3A_140 = tpu.memref_slice %arg4[%add3A_135, %dma_start3A_139] : memref<2528x128xi32, #tpu.memory_space<hbm>> -> memref<1x128xi32, #tpu.memory_space<hbm>>
        %dma_start3A_141 = tpu.memref_squeeze %dma_start3A_140 : memref<1x128xi32, #tpu.memory_space<hbm>> -> memref<128xi32, #tpu.memory_space<hbm>>
        tpu.enqueue_dma source(%dma_start3A_141 : memref<128xi32, #tpu.memory_space<hbm>>) target(%arg10 : memref<128xi32, #tpu.memory_space<vmem>>) target_semaphore(%arg19 : memref<!tpu.dma_semaphore, #tpu.memory_space<semaphore_mem>>)
        %dma_wait3A_142 = arith.constant 0 : i32
        %dma_wait3A_143 = tpu.memref_slice %arg5[%mul3A_0, %dma_wait3A_142] : memref<2528x128xi32, #tpu.memory_space<hbm>> -> memref<1x128xi32, #tpu.memory_space<hbm>>
        %dma_wait3A_144 = tpu.memref_squeeze %dma_wait3A_143 : memref<1x128xi32, #tpu.memory_space<hbm>> -> memref<128xi32, #tpu.memory_space<hbm>>
        %dma_wait3A_145 = arith.constant 0 : i32
        %dma_wait3A_146 = tpu.memref_slice %arg5[%mul3A_0, %dma_wait3A_145] : memref<2528x128xi32, #tpu.memory_space<hbm>> -> memref<1x128xi32, #tpu.memory_space<hbm>>
        %dma_wait3A_147 = tpu.memref_squeeze %dma_wait3A_146 : memref<1x128xi32, #tpu.memory_space<hbm>> -> memref<128xi32, #tpu.memory_space<hbm>>
        tpu.wait_dma2 semaphore(%arg21 : memref<!tpu.dma_semaphore, #tpu.memory_space<semaphore_mem>>) src(%dma_wait3A_147 : memref<128xi32, #tpu.memory_space<hbm>>) dst(%arg12 : memref<128xi32, #tpu.memory_space<vmem>>)
        "tpu.region"() ({
          %run_scoped3A = tpu.sem_alloc : memref<!tpu.dma_semaphore, #tpu.memory_space<semaphore_mem>>
          %dma_start3A_157 = arith.constant 0 : i32
          %dma_start3A_158 = arith.constant 0 : i32
          %dma_start3A_159 = tpu.memref_slice %arg15[%dma_start3A_157, %dma_start3A_158] : memref<10240x128xf32, #tpu.memory_space<vmem_shared>> -> memref<10240x128xf32, #tpu.memory_space<vmem_shared>>
          tpu.enqueue_indirect_dma source(%arg14 : memref<128x128xf32, #tpu.memory_space<vmem>>) target(%dma_start3A_159 : memref<10240x128xf32, #tpu.memory_space<vmem_shared>>) offsets(%arg12 : memref<128xi32, #tpu.memory_space<vmem>>) semaphore(%run_scoped3A : memref<!tpu.dma_semaphore, #tpu.memory_space<semaphore_mem>>) {add = true}
          %dma_wait3A_160 = arith.constant 0 : i32
          %dma_wait3A_161 = arith.constant 0 : i32
          %dma_wait3A_162 = tpu.memref_slice %arg15[%dma_wait3A_160, %dma_wait3A_161] : memref<10240x128xf32, #tpu.memory_space<vmem_shared>> -> memref<10240x128xf32, #tpu.memory_space<vmem_shared>>
          tpu.wait_indirect_dma semaphore(%run_scoped3A : memref<!tpu.dma_semaphore, #tpu.memory_space<semaphore_mem>>) src(%arg14 : memref<128x128xf32, #tpu.memory_space<vmem>>) dst(%dma_wait3A_162 : memref<10240x128xf32, #tpu.memory_space<vmem_shared>>)
          tpu.yield
        }) : () -> ()
        %add3A_148 = arith.constant 3 : i32
        %add3A_149 = arith.addi %mul3A_84, %add3A_148 : i32
        %add3A_150 = arith.addi %mul3A_0, %add3A_149 : i32
        %dma_start3A_151 = arith.constant 0 : i32
        %dma_start3A_152 = tpu.memref_slice %arg5[%add3A_150, %dma_start3A_151] : memref<2528x128xi32, #tpu.memory_space<hbm>> -> memref<1x128xi32, #tpu.memory_space<hbm>>
        %dma_start3A_153 = tpu.memref_squeeze %dma_start3A_152 : memref<1x128xi32, #tpu.memory_space<hbm>> -> memref<128xi32, #tpu.memory_space<hbm>>
        %dma_start3A_154 = arith.constant 0 : i32
        %dma_start3A_155 = tpu.memref_slice %arg5[%add3A_150, %dma_start3A_154] : memref<2528x128xi32, #tpu.memory_space<hbm>> -> memref<1x128xi32, #tpu.memory_space<hbm>>
        %dma_start3A_156 = tpu.memref_squeeze %dma_start3A_155 : memref<1x128xi32, #tpu.memory_space<hbm>> -> memref<128xi32, #tpu.memory_space<hbm>>
        tpu.enqueue_dma source(%dma_start3A_156 : memref<128xi32, #tpu.memory_space<hbm>>) target(%arg12 : memref<128xi32, #tpu.memory_space<vmem>>) target_semaphore(%arg21 : memref<!tpu.dma_semaphore, #tpu.memory_space<semaphore_mem>>)
      }
      %scan3A_51 = arith.constant 78 : i32
      %dma_wait3A_52 = arith.constant 0 : i32
      %dma_wait3A_53 = arith.constant 0 : i32
      %dma_wait3A_54 = tpu.memref_slice %arg3[%dma_wait3A_52, %dma_wait3A_53] : memref<10000x128xf32, #tpu.memory_space<hbm>> -> memref<10000x128xf32, #tpu.memory_space<hbm>>
      tpu.wait_indirect_dma semaphore(%arg16 : memref<!tpu.dma_semaphore, #tpu.memory_space<semaphore_mem>>) src(%dma_wait3A_54 : memref<10000x128xf32, #tpu.memory_space<hbm>>) dst(%arg13 : memref<128x128xf32, #tpu.memory_space<vmem>>)
      %dma_wait3A_55 = arith.constant 0 : i32
      %dma_wait3A_56 = tpu.memref_slice %arg5[%mul3A_0, %dma_wait3A_55] : memref<2528x128xi32, #tpu.memory_space<hbm>> -> memref<1x128xi32, #tpu.memory_space<hbm>>
      %dma_wait3A_57 = tpu.memref_squeeze %dma_wait3A_56 : memref<1x128xi32, #tpu.memory_space<hbm>> -> memref<128xi32, #tpu.memory_space<hbm>>
      %dma_wait3A_58 = arith.constant 0 : i32
      %dma_wait3A_59 = tpu.memref_slice %arg5[%mul3A_0, %dma_wait3A_58] : memref<2528x128xi32, #tpu.memory_space<hbm>> -> memref<1x128xi32, #tpu.memory_space<hbm>>
      %dma_wait3A_60 = tpu.memref_squeeze %dma_wait3A_59 : memref<1x128xi32, #tpu.memory_space<hbm>> -> memref<128xi32, #tpu.memory_space<hbm>>
      tpu.wait_dma2 semaphore(%arg20 : memref<!tpu.dma_semaphore, #tpu.memory_space<semaphore_mem>>) src(%dma_wait3A_60 : memref<128xi32, #tpu.memory_space<hbm>>) dst(%arg11 : memref<128xi32, #tpu.memory_space<vmem>>)
      "tpu.region"() ({
        %run_scoped3A = tpu.sem_alloc : memref<!tpu.dma_semaphore, #tpu.memory_space<semaphore_mem>>
        %dma_start3A_78 = arith.constant 0 : i32
        %dma_start3A_79 = arith.constant 0 : i32
        %dma_start3A_80 = tpu.memref_slice %arg15[%dma_start3A_78, %dma_start3A_79] : memref<10240x128xf32, #tpu.memory_space<vmem_shared>> -> memref<10240x128xf32, #tpu.memory_space<vmem_shared>>
        tpu.enqueue_indirect_dma source(%arg13 : memref<128x128xf32, #tpu.memory_space<vmem>>) target(%dma_start3A_80 : memref<10240x128xf32, #tpu.memory_space<vmem_shared>>) offsets(%arg11 : memref<128xi32, #tpu.memory_space<vmem>>) semaphore(%run_scoped3A : memref<!tpu.dma_semaphore, #tpu.memory_space<semaphore_mem>>) {add = true}
        %dma_wait3A_81 = arith.constant 0 : i32
        %dma_wait3A_82 = arith.constant 0 : i32
        %dma_wait3A_83 = tpu.memref_slice %arg15[%dma_wait3A_81, %dma_wait3A_82] : memref<10240x128xf32, #tpu.memory_space<vmem_shared>> -> memref<10240x128xf32, #tpu.memory_space<vmem_shared>>
        tpu.wait_indirect_dma semaphore(%run_scoped3A : memref<!tpu.dma_semaphore, #tpu.memory_space<semaphore_mem>>) src(%arg13 : memref<128x128xf32, #tpu.memory_space<vmem>>) dst(%dma_wait3A_83 : memref<10240x128xf32, #tpu.memory_space<vmem_shared>>)
        tpu.yield
      }) : () -> ()
      %dma_wait3A_61 = arith.constant 0 : i32
      %dma_wait3A_62 = tpu.memref_slice %arg4[%mul3A_0, %dma_wait3A_61] : memref<2528x128xi32, #tpu.memory_space<hbm>> -> memref<1x128xi32, #tpu.memory_space<hbm>>
      %dma_wait3A_63 = tpu.memref_squeeze %dma_wait3A_62 : memref<1x128xi32, #tpu.memory_space<hbm>> -> memref<128xi32, #tpu.memory_space<hbm>>
      %dma_wait3A_64 = arith.constant 0 : i32
      %dma_wait3A_65 = tpu.memref_slice %arg4[%mul3A_0, %dma_wait3A_64] : memref<2528x128xi32, #tpu.memory_space<hbm>> -> memref<1x128xi32, #tpu.memory_space<hbm>>
      %dma_wait3A_66 = tpu.memref_squeeze %dma_wait3A_65 : memref<1x128xi32, #tpu.memory_space<hbm>> -> memref<128xi32, #tpu.memory_space<hbm>>
      tpu.wait_dma2 semaphore(%arg19 : memref<!tpu.dma_semaphore, #tpu.memory_space<semaphore_mem>>) src(%dma_wait3A_66 : memref<128xi32, #tpu.memory_space<hbm>>) dst(%arg10 : memref<128xi32, #tpu.memory_space<vmem>>)
      %dma_wait3A_67 = arith.constant 0 : i32
      %dma_wait3A_68 = tpu.memref_slice %arg5[%mul3A_0, %dma_wait3A_67] : memref<2528x128xi32, #tpu.memory_space<hbm>> -> memref<1x128xi32, #tpu.memory_space<hbm>>
      %dma_wait3A_69 = tpu.memref_squeeze %dma_wait3A_68 : memref<1x128xi32, #tpu.memory_space<hbm>> -> memref<128xi32, #tpu.memory_space<hbm>>
      %dma_wait3A_70 = arith.constant 0 : i32
      %dma_wait3A_71 = tpu.memref_slice %arg5[%mul3A_0, %dma_wait3A_70] : memref<2528x128xi32, #tpu.memory_space<hbm>> -> memref<1x128xi32, #tpu.memory_space<hbm>>
      %dma_wait3A_72 = tpu.memref_squeeze %dma_wait3A_71 : memref<1x128xi32, #tpu.memory_space<hbm>> -> memref<128xi32, #tpu.memory_space<hbm>>
      tpu.wait_dma2 semaphore(%arg21 : memref<!tpu.dma_semaphore, #tpu.memory_space<semaphore_mem>>) src(%dma_wait3A_72 : memref<128xi32, #tpu.memory_space<hbm>>) dst(%arg12 : memref<128xi32, #tpu.memory_space<vmem>>)
      %barrier3A_73 = arith.constant 0 : index
      tpu.barrier barrier_id(%barrier3A_73)
      %mul3A_74 = arith.constant 640 : i32
      %mul3A_75 = arith.muli %arg1, %mul3A_74 : i32
      %mul3A_76 = arith.constant 640 : i32
      %mul3A_77 = arith.muli %arg1, %mul3A_76 : i32
      "tpu.region"() ({
        %run_scoped3A = tpu.sem_alloc : memref<!tpu.dma_semaphore, #tpu.memory_space<semaphore_mem>>
        %dma_start3A_78 = arith.constant 0 : i32
        %dma_start3A_79 = tpu.memref_slice %arg8[%mul3A_77, %dma_start3A_78] : memref<10240x128xf32, #tpu.memory_space<hbm>> -> memref<640x128xf32, #tpu.memory_space<hbm>>
        %dma_start3A_80 = arith.constant 0 : i32
        %dma_start3A_81 = tpu.memref_slice %arg15[%mul3A_75, %dma_start3A_80] : memref<10240x128xf32, #tpu.memory_space<vmem_shared>> -> memref<640x128xf32, #tpu.memory_space<vmem_shared>>
        tpu.enqueue_dma source(%dma_start3A_81 : memref<640x128xf32, #tpu.memory_space<vmem_shared>>) target(%dma_start3A_79 : memref<640x128xf32, #tpu.memory_space<hbm>>) target_semaphore(%run_scoped3A : memref<!tpu.dma_semaphore, #tpu.memory_space<semaphore_mem>>)
        %dma_wait3A_82 = arith.constant 0 : i32
        %dma_wait3A_83 = tpu.memref_slice %arg8[%mul3A_77, %dma_wait3A_82] : memref<10240x128xf32, #tpu.memory_space<hbm>> -> memref<640x128xf32, #tpu.memory_space<hbm>>
        %dma_wait3A_84 = arith.constant 0 : i32
        %dma_wait3A_85 = tpu.memref_slice %arg15[%mul3A_75, %dma_wait3A_84] : memref<10240x128xf32, #tpu.memory_space<vmem_shared>> -> memref<640x128xf32, #tpu.memory_space<vmem_shared>>
        tpu.wait_dma2 semaphore(%run_scoped3A : memref<!tpu.dma_semaphore, #tpu.memory_space<semaphore_mem>>) src(%dma_wait3A_85 : memref<640x128xf32, #tpu.memory_space<vmem_shared>>) dst(%dma_wait3A_83 : memref<640x128xf32, #tpu.memory_space<hbm>>)
        tpu.yield
      }) : () -> ()
    } else {
    }
    return
  }
}

#map = affine_map<(d0, d1) -> (0, 0)>
module attributes {stable_mosaic.version = 14 : i64} {
  func.func @_sc_segment_sum(%arg0: i32, %arg1: i32, %arg2: memref<10000x128xf32, #tpu.memory_space<hbm>>, %arg3: memref<10000x128xf32, #tpu.memory_space<hbm>>, %arg4: memref<2528x128xi32, #tpu.memory_space<hbm>>, %arg5: memref<2528x128xi32, #tpu.memory_space<hbm>>, %arg6: memref<640x128xf32, #tpu.memory_space<hbm>>, %arg7: memref<10240x128xf32, #tpu.memory_space<hbm>>, %arg8: memref<10240x128xf32, #tpu.memory_space<hbm>>, %arg9: memref<128xi32, #tpu.memory_space<vmem>>, %arg10: memref<128xi32, #tpu.memory_space<vmem>>, %arg11: memref<128xi32, #tpu.memory_space<vmem>>, %arg12: memref<128xi32, #tpu.memory_space<vmem>>, %arg13: memref<128x128xf32, #tpu.memory_space<vmem>>, %arg14: memref<128x128xf32, #tpu.memory_space<vmem>>, %arg15: memref<10240x128xf32, #tpu.memory_space<vmem_shared>>, %arg16: memref<!tpu.dma_semaphore, #tpu.memory_space<semaphore_mem>>, %arg17: memref<!tpu.dma_semaphore, #tpu.memory_space<semaphore_mem>>, %arg18: memref<!tpu.dma_semaphore, #tpu.memory_space<semaphore_mem>>, %arg19: memref<!tpu.dma_semaphore, #tpu.memory_space<semaphore_mem>>, %arg20: memref<!tpu.dma_semaphore, #tpu.memory_space<semaphore_mem>>, %arg21: memref<!tpu.dma_semaphore, #tpu.memory_space<semaphore_mem>>) attributes {dimension_semantics = [#tpu.dimension_semantics<core_parallel>, #tpu.dimension_semantics<subcore_parallel>], iteration_bounds = array<i64: 2, 16>, scalar_prefetch = 0 : i64, scratch_operands = 13 : i64, tpu.core_type = #tpu.core_type<sc_vector_subcore>, window_params = [{transform_indices = #map}, {transform_indices = #map}, {transform_indices = #map}, {transform_indices = #map}, {transform_indices = #map}, {transform_indices = #map}, {transform_indices = #map}]} {
    %mul3A = arith.constant 158 : i32
    %mul3A_0 = arith.muli %arg1, %mul3A : i32
    %add3A = arith.constant 0 : i32
    %add3A_1 = arith.addi %mul3A_0, %add3A : i32
    %dma_start3A = arith.constant 0 : i32
    %dma_start3A_2 = tpu.memref_slice %arg4[%add3A_1, %dma_start3A] : memref<2528x128xi32, #tpu.memory_space<hbm>> -> memref<1x128xi32, #tpu.memory_space<hbm>>
    %dma_start3A_3 = tpu.memref_squeeze %dma_start3A_2 : memref<1x128xi32, #tpu.memory_space<hbm>> -> memref<128xi32, #tpu.memory_space<hbm>>
    %dma_start3A_4 = arith.constant 0 : i32
    %dma_start3A_5 = tpu.memref_slice %arg4[%add3A_1, %dma_start3A_4] : memref<2528x128xi32, #tpu.memory_space<hbm>> -> memref<1x128xi32, #tpu.memory_space<hbm>>
    %dma_start3A_6 = tpu.memref_squeeze %dma_start3A_5 : memref<1x128xi32, #tpu.memory_space<hbm>> -> memref<128xi32, #tpu.memory_space<hbm>>
    tpu.enqueue_dma source(%dma_start3A_6 : memref<128xi32, #tpu.memory_space<hbm>>) target(%arg9 : memref<128xi32, #tpu.memory_space<vmem>>) target_semaphore(%arg18 : memref<!tpu.dma_semaphore, #tpu.memory_space<semaphore_mem>>)
    %add3A_7 = arith.constant 0 : i32
    %add3A_8 = arith.addi %mul3A_0, %add3A_7 : i32
    %dma_start3A_9 = arith.constant 0 : i32
    %dma_start3A_10 = tpu.memref_slice %arg5[%add3A_8, %dma_start3A_9] : memref<2528x128xi32, #tpu.memory_space<hbm>> -> memref<1x128xi32, #tpu.memory_space<hbm>>
    %dma_start3A_11 = tpu.memref_squeeze %dma_start3A_10 : memref<1x128xi32, #tpu.memory_space<hbm>> -> memref<128xi32, #tpu.memory_space<hbm>>
    %dma_start3A_12 = arith.constant 0 : i32
    %dma_start3A_13 = tpu.memref_slice %arg5[%add3A_8, %dma_start3A_12] : memref<2528x128xi32, #tpu.memory_space<hbm>> -> memref<1x128xi32, #tpu.memory_space<hbm>>
    %dma_start3A_14 = tpu.memref_squeeze %dma_start3A_13 : memref<1x128xi32, #tpu.memory_space<hbm>> -> memref<128xi32, #tpu.memory_space<hbm>>
    tpu.enqueue_dma source(%dma_start3A_14 : memref<128xi32, #tpu.memory_space<hbm>>) target(%arg11 : memref<128xi32, #tpu.memory_space<vmem>>) target_semaphore(%arg20 : memref<!tpu.dma_semaphore, #tpu.memory_space<semaphore_mem>>)
    %add3A_15 = arith.constant 1 : i32
    %add3A_16 = arith.addi %mul3A_0, %add3A_15 : i32
    %dma_start3A_17 = arith.constant 0 : i32
    %dma_start3A_18 = tpu.memref_slice %arg4[%add3A_16, %dma_start3A_17] : memref<2528x128xi32, #tpu.memory_space<hbm>> -> memref<1x128xi32, #tpu.memory_space<hbm>>
    %dma_start3A_19 = tpu.memref_squeeze %dma_start3A_18 : memref<1x128xi32, #tpu.memory_space<hbm>> -> memref<128xi32, #tpu.memory_space<hbm>>
    %dma_start3A_20 = arith.constant 0 : i32
    %dma_start3A_21 = tpu.memref_slice %arg4[%add3A_16, %dma_start3A_20] : memref<2528x128xi32, #tpu.memory_space<hbm>> -> memref<1x128xi32, #tpu.memory_space<hbm>>
    %dma_start3A_22 = tpu.memref_squeeze %dma_start3A_21 : memref<1x128xi32, #tpu.memory_space<hbm>> -> memref<128xi32, #tpu.memory_space<hbm>>
    tpu.enqueue_dma source(%dma_start3A_22 : memref<128xi32, #tpu.memory_space<hbm>>) target(%arg10 : memref<128xi32, #tpu.memory_space<vmem>>) target_semaphore(%arg19 : memref<!tpu.dma_semaphore, #tpu.memory_space<semaphore_mem>>)
    %add3A_23 = arith.constant 1 : i32
    %add3A_24 = arith.addi %mul3A_0, %add3A_23 : i32
    %dma_start3A_25 = arith.constant 0 : i32
    %dma_start3A_26 = tpu.memref_slice %arg5[%add3A_24, %dma_start3A_25] : memref<2528x128xi32, #tpu.memory_space<hbm>> -> memref<1x128xi32, #tpu.memory_space<hbm>>
    %dma_start3A_27 = tpu.memref_squeeze %dma_start3A_26 : memref<1x128xi32, #tpu.memory_space<hbm>> -> memref<128xi32, #tpu.memory_space<hbm>>
    %dma_start3A_28 = arith.constant 0 : i32
    %dma_start3A_29 = tpu.memref_slice %arg5[%add3A_24, %dma_start3A_28] : memref<2528x128xi32, #tpu.memory_space<hbm>> -> memref<1x128xi32, #tpu.memory_space<hbm>>
    %dma_start3A_30 = tpu.memref_squeeze %dma_start3A_29 : memref<1x128xi32, #tpu.memory_space<hbm>> -> memref<128xi32, #tpu.memory_space<hbm>>
    tpu.enqueue_dma source(%dma_start3A_30 : memref<128xi32, #tpu.memory_space<hbm>>) target(%arg12 : memref<128xi32, #tpu.memory_space<vmem>>) target_semaphore(%arg21 : memref<!tpu.dma_semaphore, #tpu.memory_space<semaphore_mem>>)
    %mul3A_31 = arith.constant 640 : i32
    %mul3A_32 = arith.muli %arg1, %mul3A_31 : i32
    "tpu.region"() ({
      %run_scoped3A = tpu.sem_alloc : memref<!tpu.dma_semaphore, #tpu.memory_space<semaphore_mem>>
      %dma_start3A_40 = arith.constant 0 : i32
      %dma_start3A_41 = tpu.memref_slice %arg15[%mul3A_32, %dma_start3A_40] : memref<10240x128xf32, #tpu.memory_space<vmem_shared>> -> memref<640x128xf32, #tpu.memory_space<vmem_shared>>
      tpu.enqueue_dma source(%arg6 : memref<640x128xf32, #tpu.memory_space<hbm>>) target(%dma_start3A_41 : memref<640x128xf32, #tpu.memory_space<vmem_shared>>) target_semaphore(%run_scoped3A : memref<!tpu.dma_semaphore, #tpu.memory_space<semaphore_mem>>)
      %dma_wait3A = arith.constant 0 : i32
      %dma_wait3A_42 = tpu.memref_slice %arg15[%mul3A_32, %dma_wait3A] : memref<10240x128xf32, #tpu.memory_space<vmem_shared>> -> memref<640x128xf32, #tpu.memory_space<vmem_shared>>
      tpu.wait_dma2 semaphore(%run_scoped3A : memref<!tpu.dma_semaphore, #tpu.memory_space<semaphore_mem>>) src(%arg6 : memref<640x128xf32, #tpu.memory_space<hbm>>) dst(%dma_wait3A_42 : memref<640x128xf32, #tpu.memory_space<vmem_shared>>)
      tpu.yield
    }) : () -> ()
    %barrier3A = arith.constant 0 : index
    tpu.barrier barrier_id(%barrier3A)
    %eq3A = arith.constant 0 : i32
    %eq3A_33 = arith.cmpi eq, %arg0, %eq3A : i32
    %convert_element_type3A = arith.extui %eq3A_33 : i1 to i32
    %cond3A = arith.constant 0 : i32
    %cond3A_34 = arith.cmpi ne, %convert_element_type3A, %cond3A : i32
    scf.if %cond3A_34 {
      %dma_wait3A = arith.constant 0 : i32
      %dma_wait3A_40 = tpu.memref_slice %arg4[%mul3A_0, %dma_wait3A] : memref<2528x128xi32, #tpu.memory_space<hbm>> -> memref<1x128xi32, #tpu.memory_space<hbm>>
      %dma_wait3A_41 = tpu.memref_squeeze %dma_wait3A_40 : memref<1x128xi32, #tpu.memory_space<hbm>> -> memref<128xi32, #tpu.memory_space<hbm>>
      %dma_wait3A_42 = arith.constant 0 : i32
      %dma_wait3A_43 = tpu.memref_slice %arg4[%mul3A_0, %dma_wait3A_42] : memref<2528x128xi32, #tpu.memory_space<hbm>> -> memref<1x128xi32, #tpu.memory_space<hbm>>
      %dma_wait3A_44 = tpu.memref_squeeze %dma_wait3A_43 : memref<1x128xi32, #tpu.memory_space<hbm>> -> memref<128xi32, #tpu.memory_space<hbm>>
      tpu.wait_dma2 semaphore(%arg18 : memref<!tpu.dma_semaphore, #tpu.memory_space<semaphore_mem>>) src(%dma_wait3A_44 : memref<128xi32, #tpu.memory_space<hbm>>) dst(%arg9 : memref<128xi32, #tpu.memory_space<vmem>>)
      %dma_start3A_45 = arith.constant 0 : i32
      %dma_start3A_46 = arith.constant 0 : i32
      %dma_start3A_47 = tpu.memref_slice %arg2[%dma_start3A_45, %dma_start3A_46] : memref<10000x128xf32, #tpu.memory_space<hbm>> -> memref<10000x128xf32, #tpu.memory_space<hbm>>
      tpu.enqueue_indirect_dma source(%dma_start3A_47 : memref<10000x128xf32, #tpu.memory_space<hbm>>) target(%arg13 : memref<128x128xf32, #tpu.memory_space<vmem>>) offsets(%arg9 : memref<128xi32, #tpu.memory_space<vmem>>) semaphore(%arg16 : memref<!tpu.dma_semaphore, #tpu.memory_space<semaphore_mem>>)
      %scan3A = arith.constant 0 : i32
      %scan3A_48 = arith.constant 78 : i32
      %scan3A_49 = arith.addi %scan3A, %scan3A_48 : i32
      %scan3A_50 = arith.constant 1 : i32
      scf.for %scan3A_78 = %scan3A to %scan3A_49 step %scan3A_50  : i32 {
        %mul3A_79 = arith.constant 1 : i32
        %mul3A_80 = arith.muli %scan3A_78, %mul3A_79 : i32
        %add3A_81 = arith.constant 0 : i32
        %add3A_82 = arith.addi %add3A_81, %mul3A_80 : i32
        %mul3A_83 = arith.constant 2 : i32
        %mul3A_84 = arith.muli %mul3A_83, %add3A_82 : i32
        %dma_wait3A_85 = arith.constant 0 : i32
        %dma_wait3A_86 = tpu.memref_slice %arg4[%mul3A_0, %dma_wait3A_85] : memref<2528x128xi32, #tpu.memory_space<hbm>> -> memref<1x128xi32, #tpu.memory_space<hbm>>
        %dma_wait3A_87 = tpu.memref_squeeze %dma_wait3A_86 : memref<1x128xi32, #tpu.memory_space<hbm>> -> memref<128xi32, #tpu.memory_space<hbm>>
        %dma_wait3A_88 = arith.constant 0 : i32
        %dma_wait3A_89 = tpu.memref_slice %arg4[%mul3A_0, %dma_wait3A_88] : memref<2528x128xi32, #tpu.memory_space<hbm>> -> memref<1x128xi32, #tpu.memory_space<hbm>>
        %dma_wait3A_90 = tpu.memref_squeeze %dma_wait3A_89 : memref<1x128xi32, #tpu.memory_space<hbm>> -> memref<128xi32, #tpu.memory_space<hbm>>
        tpu.wait_dma2 semaphore(%arg19 : memref<!tpu.dma_semaphore, #tpu.memory_space<semaphore_mem>>) src(%dma_wait3A_90 : memref<128xi32, #tpu.memory_space<hbm>>) dst(%arg10 : memref<128xi32, #tpu.memory_space<vmem>>)
        %dma_start3A_91 = arith.constant 0 : i32
        %dma_start3A_92 = arith.constant 0 : i32
        %dma_start3A_93 = tpu.memref_slice %arg2[%dma_start3A_91, %dma_start3A_92] : memref<10000x128xf32, #tpu.memory_space<hbm>> -> memref<10000x128xf32, #tpu.memory_space<hbm>>
        tpu.enqueue_indirect_dma source(%dma_start3A_93 : memref<10000x128xf32, #tpu.memory_space<hbm>>) target(%arg14 : memref<128x128xf32, #tpu.memory_space<vmem>>) offsets(%arg10 : memref<128xi32, #tpu.memory_space<vmem>>) semaphore(%arg17 : memref<!tpu.dma_semaphore, #tpu.memory_space<semaphore_mem>>)
        %dma_wait3A_94 = arith.constant 0 : i32
        %dma_wait3A_95 = arith.constant 0 : i32
        %dma_wait3A_96 = tpu.memref_slice %arg2[%dma_wait3A_94, %dma_wait3A_95] : memref<10000x128xf32, #tpu.memory_space<hbm>> -> memref<10000x128xf32, #tpu.memory_space<hbm>>
        tpu.wait_indirect_dma semaphore(%arg16 : memref<!tpu.dma_semaphore, #tpu.memory_space<semaphore_mem>>) src(%dma_wait3A_96 : memref<10000x128xf32, #tpu.memory_space<hbm>>) dst(%arg13 : memref<128x128xf32, #tpu.memory_space<vmem>>)
        %add3A_97 = arith.constant 2 : i32
        %add3A_98 = arith.addi %mul3A_84, %add3A_97 : i32
        %add3A_99 = arith.addi %mul3A_0, %add3A_98 : i32
        %dma_start3A_100 = arith.constant 0 : i32
        %dma_start3A_101 = tpu.memref_slice %arg4[%add3A_99, %dma_start3A_100] : memref<2528x128xi32, #tpu.memory_space<hbm>> -> memref<1x128xi32, #tpu.memory_space<hbm>>
        %dma_start3A_102 = tpu.memref_squeeze %dma_start3A_101 : memref<1x128xi32, #tpu.memory_space<hbm>> -> memref<128xi32, #tpu.memory_space<hbm>>
        %dma_start3A_103 = arith.constant 0 : i32
        %dma_start3A_104 = tpu.memref_slice %arg4[%add3A_99, %dma_start3A_103] : memref<2528x128xi32, #tpu.memory_space<hbm>> -> memref<1x128xi32, #tpu.memory_space<hbm>>
        %dma_start3A_105 = tpu.memref_squeeze %dma_start3A_104 : memref<1x128xi32, #tpu.memory_space<hbm>> -> memref<128xi32, #tpu.memory_space<hbm>>
        tpu.enqueue_dma source(%dma_start3A_105 : memref<128xi32, #tpu.memory_space<hbm>>) target(%arg9 : memref<128xi32, #tpu.memory_space<vmem>>) target_semaphore(%arg18 : memref<!tpu.dma_semaphore, #tpu.memory_space<semaphore_mem>>)
        %dma_wait3A_106 = arith.constant 0 : i32
        %dma_wait3A_107 = tpu.memref_slice %arg5[%mul3A_0, %dma_wait3A_106] : memref<2528x128xi32, #tpu.memory_space<hbm>> -> memref<1x128xi32, #tpu.memory_space<hbm>>
        %dma_wait3A_108 = tpu.memref_squeeze %dma_wait3A_107 : memref<1x128xi32, #tpu.memory_space<hbm>> -> memref<128xi32, #tpu.memory_space<hbm>>
        %dma_wait3A_109 = arith.constant 0 : i32
        %dma_wait3A_110 = tpu.memref_slice %arg5[%mul3A_0, %dma_wait3A_109] : memref<2528x128xi32, #tpu.memory_space<hbm>> -> memref<1x128xi32, #tpu.memory_space<hbm>>
        %dma_wait3A_111 = tpu.memref_squeeze %dma_wait3A_110 : memref<1x128xi32, #tpu.memory_space<hbm>> -> memref<128xi32, #tpu.memory_space<hbm>>
        tpu.wait_dma2 semaphore(%arg20 : memref<!tpu.dma_semaphore, #tpu.memory_space<semaphore_mem>>) src(%dma_wait3A_111 : memref<128xi32, #tpu.memory_space<hbm>>) dst(%arg11 : memref<128xi32, #tpu.memory_space<vmem>>)
        "tpu.region"() ({
          %run_scoped3A = tpu.sem_alloc : memref<!tpu.dma_semaphore, #tpu.memory_space<semaphore_mem>>
          %dma_start3A_157 = arith.constant 0 : i32
          %dma_start3A_158 = arith.constant 0 : i32
          %dma_start3A_159 = tpu.memref_slice %arg15[%dma_start3A_157, %dma_start3A_158] : memref<10240x128xf32, #tpu.memory_space<vmem_shared>> -> memref<10240x128xf32, #tpu.memory_space<vmem_shared>>
          tpu.enqueue_indirect_dma source(%arg13 : memref<128x128xf32, #tpu.memory_space<vmem>>) target(%dma_start3A_159 : memref<10240x128xf32, #tpu.memory_space<vmem_shared>>) offsets(%arg11 : memref<128xi32, #tpu.memory_space<vmem>>) semaphore(%run_scoped3A : memref<!tpu.dma_semaphore, #tpu.memory_space<semaphore_mem>>) {add = true}
          %dma_wait3A_160 = arith.constant 0 : i32
          %dma_wait3A_161 = arith.constant 0 : i32
          %dma_wait3A_162 = tpu.memref_slice %arg15[%dma_wait3A_160, %dma_wait3A_161] : memref<10240x128xf32, #tpu.memory_space<vmem_shared>> -> memref<10240x128xf32, #tpu.memory_space<vmem_shared>>
          tpu.wait_indirect_dma semaphore(%run_scoped3A : memref<!tpu.dma_semaphore, #tpu.memory_space<semaphore_mem>>) src(%arg13 : memref<128x128xf32, #tpu.memory_space<vmem>>) dst(%dma_wait3A_162 : memref<10240x128xf32, #tpu.memory_space<vmem_shared>>)
          tpu.yield
        }) : () -> ()
        %add3A_112 = arith.constant 2 : i32
        %add3A_113 = arith.addi %mul3A_84, %add3A_112 : i32
        %add3A_114 = arith.addi %mul3A_0, %add3A_113 : i32
        %dma_start3A_115 = arith.constant 0 : i32
        %dma_start3A_116 = tpu.memref_slice %arg5[%add3A_114, %dma_start3A_115] : memref<2528x128xi32, #tpu.memory_space<hbm>> -> memref<1x128xi32, #tpu.memory_space<hbm>>
        %dma_start3A_117 = tpu.memref_squeeze %dma_start3A_116 : memref<1x128xi32, #tpu.memory_space<hbm>> -> memref<128xi32, #tpu.memory_space<hbm>>
        %dma_start3A_118 = arith.constant 0 : i32
        %dma_start3A_119 = tpu.memref_slice %arg5[%add3A_114, %dma_start3A_118] : memref<2528x128xi32, #tpu.memory_space<hbm>> -> memref<1x128xi32, #tpu.memory_space<hbm>>
        %dma_start3A_120 = tpu.memref_squeeze %dma_start3A_119 : memref<1x128xi32, #tpu.memory_space<hbm>> -> memref<128xi32, #tpu.memory_space<hbm>>
        tpu.enqueue_dma source(%dma_start3A_120 : memref<128xi32, #tpu.memory_space<hbm>>) target(%arg11 : memref<128xi32, #tpu.memory_space<vmem>>) target_semaphore(%arg20 : memref<!tpu.dma_semaphore, #tpu.memory_space<semaphore_mem>>)
        %dma_wait3A_121 = arith.constant 0 : i32
        %dma_wait3A_122 = tpu.memref_slice %arg4[%mul3A_0, %dma_wait3A_121] : memref<2528x128xi32, #tpu.memory_space<hbm>> -> memref<1x128xi32, #tpu.memory_space<hbm>>
        %dma_wait3A_123 = tpu.memref_squeeze %dma_wait3A_122 : memref<1x128xi32, #tpu.memory_space<hbm>> -> memref<128xi32, #tpu.memory_space<hbm>>
        %dma_wait3A_124 = arith.constant 0 : i32
        %dma_wait3A_125 = tpu.memref_slice %arg4[%mul3A_0, %dma_wait3A_124] : memref<2528x128xi32, #tpu.memory_space<hbm>> -> memref<1x128xi32, #tpu.memory_space<hbm>>
        %dma_wait3A_126 = tpu.memref_squeeze %dma_wait3A_125 : memref<1x128xi32, #tpu.memory_space<hbm>> -> memref<128xi32, #tpu.memory_space<hbm>>
        tpu.wait_dma2 semaphore(%arg18 : memref<!tpu.dma_semaphore, #tpu.memory_space<semaphore_mem>>) src(%dma_wait3A_126 : memref<128xi32, #tpu.memory_space<hbm>>) dst(%arg9 : memref<128xi32, #tpu.memory_space<vmem>>)
        %dma_start3A_127 = arith.constant 0 : i32
        %dma_start3A_128 = arith.constant 0 : i32
        %dma_start3A_129 = tpu.memref_slice %arg2[%dma_start3A_127, %dma_start3A_128] : memref<10000x128xf32, #tpu.memory_space<hbm>> -> memref<10000x128xf32, #tpu.memory_space<hbm>>
        tpu.enqueue_indirect_dma source(%dma_start3A_129 : memref<10000x128xf32, #tpu.memory_space<hbm>>) target(%arg13 : memref<128x128xf32, #tpu.memory_space<vmem>>) offsets(%arg9 : memref<128xi32, #tpu.memory_space<vmem>>) semaphore(%arg16 : memref<!tpu.dma_semaphore, #tpu.memory_space<semaphore_mem>>)
        %dma_wait3A_130 = arith.constant 0 : i32
        %dma_wait3A_131 = arith.constant 0 : i32
        %dma_wait3A_132 = tpu.memref_slice %arg2[%dma_wait3A_130, %dma_wait3A_131] : memref<10000x128xf32, #tpu.memory_space<hbm>> -> memref<10000x128xf32, #tpu.memory_space<hbm>>
        tpu.wait_indirect_dma semaphore(%arg17 : memref<!tpu.dma_semaphore, #tpu.memory_space<semaphore_mem>>) src(%dma_wait3A_132 : memref<10000x128xf32, #tpu.memory_space<hbm>>) dst(%arg14 : memref<128x128xf32, #tpu.memory_space<vmem>>)
        %add3A_133 = arith.constant 3 : i32
        %add3A_134 = arith.addi %mul3A_84, %add3A_133 : i32
        %add3A_135 = arith.addi %mul3A_0, %add3A_134 : i32
        %dma_start3A_136 = arith.constant 0 : i32
        %dma_start3A_137 = tpu.memref_slice %arg4[%add3A_135, %dma_start3A_136] : memref<2528x128xi32, #tpu.memory_space<hbm>> -> memref<1x128xi32, #tpu.memory_space<hbm>>
        %dma_start3A_138 = tpu.memref_squeeze %dma_start3A_137 : memref<1x128xi32, #tpu.memory_space<hbm>> -> memref<128xi32, #tpu.memory_space<hbm>>
        %dma_start3A_139 = arith.constant 0 : i32
        %dma_start3A_140 = tpu.memref_slice %arg4[%add3A_135, %dma_start3A_139] : memref<2528x128xi32, #tpu.memory_space<hbm>> -> memref<1x128xi32, #tpu.memory_space<hbm>>
        %dma_start3A_141 = tpu.memref_squeeze %dma_start3A_140 : memref<1x128xi32, #tpu.memory_space<hbm>> -> memref<128xi32, #tpu.memory_space<hbm>>
        tpu.enqueue_dma source(%dma_start3A_141 : memref<128xi32, #tpu.memory_space<hbm>>) target(%arg10 : memref<128xi32, #tpu.memory_space<vmem>>) target_semaphore(%arg19 : memref<!tpu.dma_semaphore, #tpu.memory_space<semaphore_mem>>)
        %dma_wait3A_142 = arith.constant 0 : i32
        %dma_wait3A_143 = tpu.memref_slice %arg5[%mul3A_0, %dma_wait3A_142] : memref<2528x128xi32, #tpu.memory_space<hbm>> -> memref<1x128xi32, #tpu.memory_space<hbm>>
        %dma_wait3A_144 = tpu.memref_squeeze %dma_wait3A_143 : memref<1x128xi32, #tpu.memory_space<hbm>> -> memref<128xi32, #tpu.memory_space<hbm>>
        %dma_wait3A_145 = arith.constant 0 : i32
        %dma_wait3A_146 = tpu.memref_slice %arg5[%mul3A_0, %dma_wait3A_145] : memref<2528x128xi32, #tpu.memory_space<hbm>> -> memref<1x128xi32, #tpu.memory_space<hbm>>
        %dma_wait3A_147 = tpu.memref_squeeze %dma_wait3A_146 : memref<1x128xi32, #tpu.memory_space<hbm>> -> memref<128xi32, #tpu.memory_space<hbm>>
        tpu.wait_dma2 semaphore(%arg21 : memref<!tpu.dma_semaphore, #tpu.memory_space<semaphore_mem>>) src(%dma_wait3A_147 : memref<128xi32, #tpu.memory_space<hbm>>) dst(%arg12 : memref<128xi32, #tpu.memory_space<vmem>>)
        "tpu.region"() ({
          %run_scoped3A = tpu.sem_alloc : memref<!tpu.dma_semaphore, #tpu.memory_space<semaphore_mem>>
          %dma_start3A_157 = arith.constant 0 : i32
          %dma_start3A_158 = arith.constant 0 : i32
          %dma_start3A_159 = tpu.memref_slice %arg15[%dma_start3A_157, %dma_start3A_158] : memref<10240x128xf32, #tpu.memory_space<vmem_shared>> -> memref<10240x128xf32, #tpu.memory_space<vmem_shared>>
          tpu.enqueue_indirect_dma source(%arg14 : memref<128x128xf32, #tpu.memory_space<vmem>>) target(%dma_start3A_159 : memref<10240x128xf32, #tpu.memory_space<vmem_shared>>) offsets(%arg12 : memref<128xi32, #tpu.memory_space<vmem>>) semaphore(%run_scoped3A : memref<!tpu.dma_semaphore, #tpu.memory_space<semaphore_mem>>) {add = true}
          %dma_wait3A_160 = arith.constant 0 : i32
          %dma_wait3A_161 = arith.constant 0 : i32
          %dma_wait3A_162 = tpu.memref_slice %arg15[%dma_wait3A_160, %dma_wait3A_161] : memref<10240x128xf32, #tpu.memory_space<vmem_shared>> -> memref<10240x128xf32, #tpu.memory_space<vmem_shared>>
          tpu.wait_indirect_dma semaphore(%run_scoped3A : memref<!tpu.dma_semaphore, #tpu.memory_space<semaphore_mem>>) src(%arg14 : memref<128x128xf32, #tpu.memory_space<vmem>>) dst(%dma_wait3A_162 : memref<10240x128xf32, #tpu.memory_space<vmem_shared>>)
          tpu.yield
        }) : () -> ()
        %add3A_148 = arith.constant 3 : i32
        %add3A_149 = arith.addi %mul3A_84, %add3A_148 : i32
        %add3A_150 = arith.addi %mul3A_0, %add3A_149 : i32
        %dma_start3A_151 = arith.constant 0 : i32
        %dma_start3A_152 = tpu.memref_slice %arg5[%add3A_150, %dma_start3A_151] : memref<2528x128xi32, #tpu.memory_space<hbm>> -> memref<1x128xi32, #tpu.memory_space<hbm>>
        %dma_start3A_153 = tpu.memref_squeeze %dma_start3A_152 : memref<1x128xi32, #tpu.memory_space<hbm>> -> memref<128xi32, #tpu.memory_space<hbm>>
        %dma_start3A_154 = arith.constant 0 : i32
        %dma_start3A_155 = tpu.memref_slice %arg5[%add3A_150, %dma_start3A_154] : memref<2528x128xi32, #tpu.memory_space<hbm>> -> memref<1x128xi32, #tpu.memory_space<hbm>>
        %dma_start3A_156 = tpu.memref_squeeze %dma_start3A_155 : memref<1x128xi32, #tpu.memory_space<hbm>> -> memref<128xi32, #tpu.memory_space<hbm>>
        tpu.enqueue_dma source(%dma_start3A_156 : memref<128xi32, #tpu.memory_space<hbm>>) target(%arg12 : memref<128xi32, #tpu.memory_space<vmem>>) target_semaphore(%arg21 : memref<!tpu.dma_semaphore, #tpu.memory_space<semaphore_mem>>)
      }
      %scan3A_51 = arith.constant 78 : i32
      %dma_wait3A_52 = arith.constant 0 : i32
      %dma_wait3A_53 = arith.constant 0 : i32
      %dma_wait3A_54 = tpu.memref_slice %arg2[%dma_wait3A_52, %dma_wait3A_53] : memref<10000x128xf32, #tpu.memory_space<hbm>> -> memref<10000x128xf32, #tpu.memory_space<hbm>>
      tpu.wait_indirect_dma semaphore(%arg16 : memref<!tpu.dma_semaphore, #tpu.memory_space<semaphore_mem>>) src(%dma_wait3A_54 : memref<10000x128xf32, #tpu.memory_space<hbm>>) dst(%arg13 : memref<128x128xf32, #tpu.memory_space<vmem>>)
      %dma_wait3A_55 = arith.constant 0 : i32
      %dma_wait3A_56 = tpu.memref_slice %arg5[%mul3A_0, %dma_wait3A_55] : memref<2528x128xi32, #tpu.memory_space<hbm>> -> memref<1x128xi32, #tpu.memory_space<hbm>>
      %dma_wait3A_57 = tpu.memref_squeeze %dma_wait3A_56 : memref<1x128xi32, #tpu.memory_space<hbm>> -> memref<128xi32, #tpu.memory_space<hbm>>
      %dma_wait3A_58 = arith.constant 0 : i32
      %dma_wait3A_59 = tpu.memref_slice %arg5[%mul3A_0, %dma_wait3A_58] : memref<2528x128xi32, #tpu.memory_space<hbm>> -> memref<1x128xi32, #tpu.memory_space<hbm>>
      %dma_wait3A_60 = tpu.memref_squeeze %dma_wait3A_59 : memref<1x128xi32, #tpu.memory_space<hbm>> -> memref<128xi32, #tpu.memory_space<hbm>>
      tpu.wait_dma2 semaphore(%arg20 : memref<!tpu.dma_semaphore, #tpu.memory_space<semaphore_mem>>) src(%dma_wait3A_60 : memref<128xi32, #tpu.memory_space<hbm>>) dst(%arg11 : memref<128xi32, #tpu.memory_space<vmem>>)
      "tpu.region"() ({
        %run_scoped3A = tpu.sem_alloc : memref<!tpu.dma_semaphore, #tpu.memory_space<semaphore_mem>>
        %dma_start3A_78 = arith.constant 0 : i32
        %dma_start3A_79 = arith.constant 0 : i32
        %dma_start3A_80 = tpu.memref_slice %arg15[%dma_start3A_78, %dma_start3A_79] : memref<10240x128xf32, #tpu.memory_space<vmem_shared>> -> memref<10240x128xf32, #tpu.memory_space<vmem_shared>>
        tpu.enqueue_indirect_dma source(%arg13 : memref<128x128xf32, #tpu.memory_space<vmem>>) target(%dma_start3A_80 : memref<10240x128xf32, #tpu.memory_space<vmem_shared>>) offsets(%arg11 : memref<128xi32, #tpu.memory_space<vmem>>) semaphore(%run_scoped3A : memref<!tpu.dma_semaphore, #tpu.memory_space<semaphore_mem>>) {add = true}
        %dma_wait3A_81 = arith.constant 0 : i32
        %dma_wait3A_82 = arith.constant 0 : i32
        %dma_wait3A_83 = tpu.memref_slice %arg15[%dma_wait3A_81, %dma_wait3A_82] : memref<10240x128xf32, #tpu.memory_space<vmem_shared>> -> memref<10240x128xf32, #tpu.memory_space<vmem_shared>>
        tpu.wait_indirect_dma semaphore(%run_scoped3A : memref<!tpu.dma_semaphore, #tpu.memory_space<semaphore_mem>>) src(%arg13 : memref<128x128xf32, #tpu.memory_space<vmem>>) dst(%dma_wait3A_83 : memref<10240x128xf32, #tpu.memory_space<vmem_shared>>)
        tpu.yield
      }) : () -> ()
      %dma_wait3A_61 = arith.constant 0 : i32
      %dma_wait3A_62 = tpu.memref_slice %arg4[%mul3A_0, %dma_wait3A_61] : memref<2528x128xi32, #tpu.memory_space<hbm>> -> memref<1x128xi32, #tpu.memory_space<hbm>>
      %dma_wait3A_63 = tpu.memref_squeeze %dma_wait3A_62 : memref<1x128xi32, #tpu.memory_space<hbm>> -> memref<128xi32, #tpu.memory_space<hbm>>
      %dma_wait3A_64 = arith.constant 0 : i32
      %dma_wait3A_65 = tpu.memref_slice %arg4[%mul3A_0, %dma_wait3A_64] : memref<2528x128xi32, #tpu.memory_space<hbm>> -> memref<1x128xi32, #tpu.memory_space<hbm>>
      %dma_wait3A_66 = tpu.memref_squeeze %dma_wait3A_65 : memref<1x128xi32, #tpu.memory_space<hbm>> -> memref<128xi32, #tpu.memory_space<hbm>>
      tpu.wait_dma2 semaphore(%arg19 : memref<!tpu.dma_semaphore, #tpu.memory_space<semaphore_mem>>) src(%dma_wait3A_66 : memref<128xi32, #tpu.memory_space<hbm>>) dst(%arg10 : memref<128xi32, #tpu.memory_space<vmem>>)
      %dma_wait3A_67 = arith.constant 0 : i32
      %dma_wait3A_68 = tpu.memref_slice %arg5[%mul3A_0, %dma_wait3A_67] : memref<2528x128xi32, #tpu.memory_space<hbm>> -> memref<1x128xi32, #tpu.memory_space<hbm>>
      %dma_wait3A_69 = tpu.memref_squeeze %dma_wait3A_68 : memref<1x128xi32, #tpu.memory_space<hbm>> -> memref<128xi32, #tpu.memory_space<hbm>>
      %dma_wait3A_70 = arith.constant 0 : i32
      %dma_wait3A_71 = tpu.memref_slice %arg5[%mul3A_0, %dma_wait3A_70] : memref<2528x128xi32, #tpu.memory_space<hbm>> -> memref<1x128xi32, #tpu.memory_space<hbm>>
      %dma_wait3A_72 = tpu.memref_squeeze %dma_wait3A_71 : memref<1x128xi32, #tpu.memory_space<hbm>> -> memref<128xi32, #tpu.memory_space<hbm>>
      tpu.wait_dma2 semaphore(%arg21 : memref<!tpu.dma_semaphore, #tpu.memory_space<semaphore_mem>>) src(%dma_wait3A_72 : memref<128xi32, #tpu.memory_space<hbm>>) dst(%arg12 : memref<128xi32, #tpu.memory_space<vmem>>)
      %barrier3A_73 = arith.constant 0 : index
      tpu.barrier barrier_id(%barrier3A_73)
      %mul3A_74 = arith.constant 640 : i32
      %mul3A_75 = arith.muli %arg1, %mul3A_74 : i32
      %mul3A_76 = arith.constant 640 : i32
      %mul3A_77 = arith.muli %arg1, %mul3A_76 : i32
      "tpu.region"() ({
        %run_scoped3A = tpu.sem_alloc : memref<!tpu.dma_semaphore, #tpu.memory_space<semaphore_mem>>
        %dma_start3A_78 = arith.constant 0 : i32
        %dma_start3A_79 = tpu.memref_slice %arg7[%mul3A_77, %dma_start3A_78] : memref<10240x128xf32, #tpu.memory_space<hbm>> -> memref<640x128xf32, #tpu.memory_space<hbm>>
        %dma_start3A_80 = arith.constant 0 : i32
        %dma_start3A_81 = tpu.memref_slice %arg15[%mul3A_75, %dma_start3A_80] : memref<10240x128xf32, #tpu.memory_space<vmem_shared>> -> memref<640x128xf32, #tpu.memory_space<vmem_shared>>
        tpu.enqueue_dma source(%dma_start3A_81 : memref<640x128xf32, #tpu.memory_space<vmem_shared>>) target(%dma_start3A_79 : memref<640x128xf32, #tpu.memory_space<hbm>>) target_semaphore(%run_scoped3A : memref<!tpu.dma_semaphore, #tpu.memory_space<semaphore_mem>>)
        %dma_wait3A_82 = arith.constant 0 : i32
        %dma_wait3A_83 = tpu.memref_slice %arg7[%mul3A_77, %dma_wait3A_82] : memref<10240x128xf32, #tpu.memory_space<hbm>> -> memref<640x128xf32, #tpu.memory_space<hbm>>
        %dma_wait3A_84 = arith.constant 0 : i32
        %dma_wait3A_85 = tpu.memref_slice %arg15[%mul3A_75, %dma_wait3A_84] : memref<10240x128xf32, #tpu.memory_space<vmem_shared>> -> memref<640x128xf32, #tpu.memory_space<vmem_shared>>
        tpu.wait_dma2 semaphore(%run_scoped3A : memref<!tpu.dma_semaphore, #tpu.memory_space<semaphore_mem>>) src(%dma_wait3A_85 : memref<640x128xf32, #tpu.memory_space<vmem_shared>>) dst(%dma_wait3A_83 : memref<640x128xf32, #tpu.memory_space<hbm>>)
        tpu.yield
      }) : () -> ()
    } else {
    }
    %eq3A_35 = arith.constant 1 : i32
    %eq3A_36 = arith.cmpi eq, %arg0, %eq3A_35 : i32
    %convert_element_type3A_37 = arith.extui %eq3A_36 : i1 to i32
    %cond3A_38 = arith.constant 0 : i32
    %cond3A_39 = arith.cmpi ne, %convert_element_type3A_37, %cond3A_38 : i32
    scf.if %cond3A_39 {
      %dma_wait3A = arith.constant 0 : i32
      %dma_wait3A_40 = tpu.memref_slice %arg4[%mul3A_0, %dma_wait3A] : memref<2528x128xi32, #tpu.memory_space<hbm>> -> memref<1x128xi32, #tpu.memory_space<hbm>>
      %dma_wait3A_41 = tpu.memref_squeeze %dma_wait3A_40 : memref<1x128xi32, #tpu.memory_space<hbm>> -> memref<128xi32, #tpu.memory_space<hbm>>
      %dma_wait3A_42 = arith.constant 0 : i32
      %dma_wait3A_43 = tpu.memref_slice %arg4[%mul3A_0, %dma_wait3A_42] : memref<2528x128xi32, #tpu.memory_space<hbm>> -> memref<1x128xi32, #tpu.memory_space<hbm>>
      %dma_wait3A_44 = tpu.memref_squeeze %dma_wait3A_43 : memref<1x128xi32, #tpu.memory_space<hbm>> -> memref<128xi32, #tpu.memory_space<hbm>>
      tpu.wait_dma2 semaphore(%arg18 : memref<!tpu.dma_semaphore, #tpu.memory_space<semaphore_mem>>) src(%dma_wait3A_44 : memref<128xi32, #tpu.memory_space<hbm>>) dst(%arg9 : memref<128xi32, #tpu.memory_space<vmem>>)
      %dma_start3A_45 = arith.constant 0 : i32
      %dma_start3A_46 = arith.constant 0 : i32
      %dma_start3A_47 = tpu.memref_slice %arg3[%dma_start3A_45, %dma_start3A_46] : memref<10000x128xf32, #tpu.memory_space<hbm>> -> memref<10000x128xf32, #tpu.memory_space<hbm>>
      tpu.enqueue_indirect_dma source(%dma_start3A_47 : memref<10000x128xf32, #tpu.memory_space<hbm>>) target(%arg13 : memref<128x128xf32, #tpu.memory_space<vmem>>) offsets(%arg9 : memref<128xi32, #tpu.memory_space<vmem>>) semaphore(%arg16 : memref<!tpu.dma_semaphore, #tpu.memory_space<semaphore_mem>>)
      %scan3A = arith.constant 0 : i32
      %scan3A_48 = arith.constant 78 : i32
      %scan3A_49 = arith.addi %scan3A, %scan3A_48 : i32
      %scan3A_50 = arith.constant 1 : i32
      scf.for %scan3A_78 = %scan3A to %scan3A_49 step %scan3A_50  : i32 {
        %mul3A_79 = arith.constant 1 : i32
        %mul3A_80 = arith.muli %scan3A_78, %mul3A_79 : i32
        %add3A_81 = arith.constant 0 : i32
        %add3A_82 = arith.addi %add3A_81, %mul3A_80 : i32
        %mul3A_83 = arith.constant 2 : i32
        %mul3A_84 = arith.muli %mul3A_83, %add3A_82 : i32
        %dma_wait3A_85 = arith.constant 0 : i32
        %dma_wait3A_86 = tpu.memref_slice %arg4[%mul3A_0, %dma_wait3A_85] : memref<2528x128xi32, #tpu.memory_space<hbm>> -> memref<1x128xi32, #tpu.memory_space<hbm>>
        %dma_wait3A_87 = tpu.memref_squeeze %dma_wait3A_86 : memref<1x128xi32, #tpu.memory_space<hbm>> -> memref<128xi32, #tpu.memory_space<hbm>>
        %dma_wait3A_88 = arith.constant 0 : i32
        %dma_wait3A_89 = tpu.memref_slice %arg4[%mul3A_0, %dma_wait3A_88] : memref<2528x128xi32, #tpu.memory_space<hbm>> -> memref<1x128xi32, #tpu.memory_space<hbm>>
        %dma_wait3A_90 = tpu.memref_squeeze %dma_wait3A_89 : memref<1x128xi32, #tpu.memory_space<hbm>> -> memref<128xi32, #tpu.memory_space<hbm>>
        tpu.wait_dma2 semaphore(%arg19 : memref<!tpu.dma_semaphore, #tpu.memory_space<semaphore_mem>>) src(%dma_wait3A_90 : memref<128xi32, #tpu.memory_space<hbm>>) dst(%arg10 : memref<128xi32, #tpu.memory_space<vmem>>)
        %dma_start3A_91 = arith.constant 0 : i32
        %dma_start3A_92 = arith.constant 0 : i32
        %dma_start3A_93 = tpu.memref_slice %arg3[%dma_start3A_91, %dma_start3A_92] : memref<10000x128xf32, #tpu.memory_space<hbm>> -> memref<10000x128xf32, #tpu.memory_space<hbm>>
        tpu.enqueue_indirect_dma source(%dma_start3A_93 : memref<10000x128xf32, #tpu.memory_space<hbm>>) target(%arg14 : memref<128x128xf32, #tpu.memory_space<vmem>>) offsets(%arg10 : memref<128xi32, #tpu.memory_space<vmem>>) semaphore(%arg17 : memref<!tpu.dma_semaphore, #tpu.memory_space<semaphore_mem>>)
        %dma_wait3A_94 = arith.constant 0 : i32
        %dma_wait3A_95 = arith.constant 0 : i32
        %dma_wait3A_96 = tpu.memref_slice %arg3[%dma_wait3A_94, %dma_wait3A_95] : memref<10000x128xf32, #tpu.memory_space<hbm>> -> memref<10000x128xf32, #tpu.memory_space<hbm>>
        tpu.wait_indirect_dma semaphore(%arg16 : memref<!tpu.dma_semaphore, #tpu.memory_space<semaphore_mem>>) src(%dma_wait3A_96 : memref<10000x128xf32, #tpu.memory_space<hbm>>) dst(%arg13 : memref<128x128xf32, #tpu.memory_space<vmem>>)
        %add3A_97 = arith.constant 2 : i32
        %add3A_98 = arith.addi %mul3A_84, %add3A_97 : i32
        %add3A_99 = arith.addi %mul3A_0, %add3A_98 : i32
        %dma_start3A_100 = arith.constant 0 : i32
        %dma_start3A_101 = tpu.memref_slice %arg4[%add3A_99, %dma_start3A_100] : memref<2528x128xi32, #tpu.memory_space<hbm>> -> memref<1x128xi32, #tpu.memory_space<hbm>>
        %dma_start3A_102 = tpu.memref_squeeze %dma_start3A_101 : memref<1x128xi32, #tpu.memory_space<hbm>> -> memref<128xi32, #tpu.memory_space<hbm>>
        %dma_start3A_103 = arith.constant 0 : i32
        %dma_start3A_104 = tpu.memref_slice %arg4[%add3A_99, %dma_start3A_103] : memref<2528x128xi32, #tpu.memory_space<hbm>> -> memref<1x128xi32, #tpu.memory_space<hbm>>
        %dma_start3A_105 = tpu.memref_squeeze %dma_start3A_104 : memref<1x128xi32, #tpu.memory_space<hbm>> -> memref<128xi32, #tpu.memory_space<hbm>>
        tpu.enqueue_dma source(%dma_start3A_105 : memref<128xi32, #tpu.memory_space<hbm>>) target(%arg9 : memref<128xi32, #tpu.memory_space<vmem>>) target_semaphore(%arg18 : memref<!tpu.dma_semaphore, #tpu.memory_space<semaphore_mem>>)
        %dma_wait3A_106 = arith.constant 0 : i32
        %dma_wait3A_107 = tpu.memref_slice %arg5[%mul3A_0, %dma_wait3A_106] : memref<2528x128xi32, #tpu.memory_space<hbm>> -> memref<1x128xi32, #tpu.memory_space<hbm>>
        %dma_wait3A_108 = tpu.memref_squeeze %dma_wait3A_107 : memref<1x128xi32, #tpu.memory_space<hbm>> -> memref<128xi32, #tpu.memory_space<hbm>>
        %dma_wait3A_109 = arith.constant 0 : i32
        %dma_wait3A_110 = tpu.memref_slice %arg5[%mul3A_0, %dma_wait3A_109] : memref<2528x128xi32, #tpu.memory_space<hbm>> -> memref<1x128xi32, #tpu.memory_space<hbm>>
        %dma_wait3A_111 = tpu.memref_squeeze %dma_wait3A_110 : memref<1x128xi32, #tpu.memory_space<hbm>> -> memref<128xi32, #tpu.memory_space<hbm>>
        tpu.wait_dma2 semaphore(%arg20 : memref<!tpu.dma_semaphore, #tpu.memory_space<semaphore_mem>>) src(%dma_wait3A_111 : memref<128xi32, #tpu.memory_space<hbm>>) dst(%arg11 : memref<128xi32, #tpu.memory_space<vmem>>)
        "tpu.region"() ({
          %run_scoped3A = tpu.sem_alloc : memref<!tpu.dma_semaphore, #tpu.memory_space<semaphore_mem>>
          %dma_start3A_157 = arith.constant 0 : i32
          %dma_start3A_158 = arith.constant 0 : i32
          %dma_start3A_159 = tpu.memref_slice %arg15[%dma_start3A_157, %dma_start3A_158] : memref<10240x128xf32, #tpu.memory_space<vmem_shared>> -> memref<10240x128xf32, #tpu.memory_space<vmem_shared>>
          tpu.enqueue_indirect_dma source(%arg13 : memref<128x128xf32, #tpu.memory_space<vmem>>) target(%dma_start3A_159 : memref<10240x128xf32, #tpu.memory_space<vmem_shared>>) offsets(%arg11 : memref<128xi32, #tpu.memory_space<vmem>>) semaphore(%run_scoped3A : memref<!tpu.dma_semaphore, #tpu.memory_space<semaphore_mem>>) {add = true}
          %dma_wait3A_160 = arith.constant 0 : i32
          %dma_wait3A_161 = arith.constant 0 : i32
          %dma_wait3A_162 = tpu.memref_slice %arg15[%dma_wait3A_160, %dma_wait3A_161] : memref<10240x128xf32, #tpu.memory_space<vmem_shared>> -> memref<10240x128xf32, #tpu.memory_space<vmem_shared>>
          tpu.wait_indirect_dma semaphore(%run_scoped3A : memref<!tpu.dma_semaphore, #tpu.memory_space<semaphore_mem>>) src(%arg13 : memref<128x128xf32, #tpu.memory_space<vmem>>) dst(%dma_wait3A_162 : memref<10240x128xf32, #tpu.memory_space<vmem_shared>>)
          tpu.yield
        }) : () -> ()
        %add3A_112 = arith.constant 2 : i32
        %add3A_113 = arith.addi %mul3A_84, %add3A_112 : i32
        %add3A_114 = arith.addi %mul3A_0, %add3A_113 : i32
        %dma_start3A_115 = arith.constant 0 : i32
        %dma_start3A_116 = tpu.memref_slice %arg5[%add3A_114, %dma_start3A_115] : memref<2528x128xi32, #tpu.memory_space<hbm>> -> memref<1x128xi32, #tpu.memory_space<hbm>>
        %dma_start3A_117 = tpu.memref_squeeze %dma_start3A_116 : memref<1x128xi32, #tpu.memory_space<hbm>> -> memref<128xi32, #tpu.memory_space<hbm>>
        %dma_start3A_118 = arith.constant 0 : i32
        %dma_start3A_119 = tpu.memref_slice %arg5[%add3A_114, %dma_start3A_118] : memref<2528x128xi32, #tpu.memory_space<hbm>> -> memref<1x128xi32, #tpu.memory_space<hbm>>
        %dma_start3A_120 = tpu.memref_squeeze %dma_start3A_119 : memref<1x128xi32, #tpu.memory_space<hbm>> -> memref<128xi32, #tpu.memory_space<hbm>>
        tpu.enqueue_dma source(%dma_start3A_120 : memref<128xi32, #tpu.memory_space<hbm>>) target(%arg11 : memref<128xi32, #tpu.memory_space<vmem>>) target_semaphore(%arg20 : memref<!tpu.dma_semaphore, #tpu.memory_space<semaphore_mem>>)
        %dma_wait3A_121 = arith.constant 0 : i32
        %dma_wait3A_122 = tpu.memref_slice %arg4[%mul3A_0, %dma_wait3A_121] : memref<2528x128xi32, #tpu.memory_space<hbm>> -> memref<1x128xi32, #tpu.memory_space<hbm>>
        %dma_wait3A_123 = tpu.memref_squeeze %dma_wait3A_122 : memref<1x128xi32, #tpu.memory_space<hbm>> -> memref<128xi32, #tpu.memory_space<hbm>>
        %dma_wait3A_124 = arith.constant 0 : i32
        %dma_wait3A_125 = tpu.memref_slice %arg4[%mul3A_0, %dma_wait3A_124] : memref<2528x128xi32, #tpu.memory_space<hbm>> -> memref<1x128xi32, #tpu.memory_space<hbm>>
        %dma_wait3A_126 = tpu.memref_squeeze %dma_wait3A_125 : memref<1x128xi32, #tpu.memory_space<hbm>> -> memref<128xi32, #tpu.memory_space<hbm>>
        tpu.wait_dma2 semaphore(%arg18 : memref<!tpu.dma_semaphore, #tpu.memory_space<semaphore_mem>>) src(%dma_wait3A_126 : memref<128xi32, #tpu.memory_space<hbm>>) dst(%arg9 : memref<128xi32, #tpu.memory_space<vmem>>)
        %dma_start3A_127 = arith.constant 0 : i32
        %dma_start3A_128 = arith.constant 0 : i32
        %dma_start3A_129 = tpu.memref_slice %arg3[%dma_start3A_127, %dma_start3A_128] : memref<10000x128xf32, #tpu.memory_space<hbm>> -> memref<10000x128xf32, #tpu.memory_space<hbm>>
        tpu.enqueue_indirect_dma source(%dma_start3A_129 : memref<10000x128xf32, #tpu.memory_space<hbm>>) target(%arg13 : memref<128x128xf32, #tpu.memory_space<vmem>>) offsets(%arg9 : memref<128xi32, #tpu.memory_space<vmem>>) semaphore(%arg16 : memref<!tpu.dma_semaphore, #tpu.memory_space<semaphore_mem>>)
        %dma_wait3A_130 = arith.constant 0 : i32
        %dma_wait3A_131 = arith.constant 0 : i32
        %dma_wait3A_132 = tpu.memref_slice %arg3[%dma_wait3A_130, %dma_wait3A_131] : memref<10000x128xf32, #tpu.memory_space<hbm>> -> memref<10000x128xf32, #tpu.memory_space<hbm>>
        tpu.wait_indirect_dma semaphore(%arg17 : memref<!tpu.dma_semaphore, #tpu.memory_space<semaphore_mem>>) src(%dma_wait3A_132 : memref<10000x128xf32, #tpu.memory_space<hbm>>) dst(%arg14 : memref<128x128xf32, #tpu.memory_space<vmem>>)
        %add3A_133 = arith.constant 3 : i32
        %add3A_134 = arith.addi %mul3A_84, %add3A_133 : i32
        %add3A_135 = arith.addi %mul3A_0, %add3A_134 : i32
        %dma_start3A_136 = arith.constant 0 : i32
        %dma_start3A_137 = tpu.memref_slice %arg4[%add3A_135, %dma_start3A_136] : memref<2528x128xi32, #tpu.memory_space<hbm>> -> memref<1x128xi32, #tpu.memory_space<hbm>>
        %dma_start3A_138 = tpu.memref_squeeze %dma_start3A_137 : memref<1x128xi32, #tpu.memory_space<hbm>> -> memref<128xi32, #tpu.memory_space<hbm>>
        %dma_start3A_139 = arith.constant 0 : i32
        %dma_start3A_140 = tpu.memref_slice %arg4[%add3A_135, %dma_start3A_139] : memref<2528x128xi32, #tpu.memory_space<hbm>> -> memref<1x128xi32, #tpu.memory_space<hbm>>
        %dma_start3A_141 = tpu.memref_squeeze %dma_start3A_140 : memref<1x128xi32, #tpu.memory_space<hbm>> -> memref<128xi32, #tpu.memory_space<hbm>>
        tpu.enqueue_dma source(%dma_start3A_141 : memref<128xi32, #tpu.memory_space<hbm>>) target(%arg10 : memref<128xi32, #tpu.memory_space<vmem>>) target_semaphore(%arg19 : memref<!tpu.dma_semaphore, #tpu.memory_space<semaphore_mem>>)
        %dma_wait3A_142 = arith.constant 0 : i32
        %dma_wait3A_143 = tpu.memref_slice %arg5[%mul3A_0, %dma_wait3A_142] : memref<2528x128xi32, #tpu.memory_space<hbm>> -> memref<1x128xi32, #tpu.memory_space<hbm>>
        %dma_wait3A_144 = tpu.memref_squeeze %dma_wait3A_143 : memref<1x128xi32, #tpu.memory_space<hbm>> -> memref<128xi32, #tpu.memory_space<hbm>>
        %dma_wait3A_145 = arith.constant 0 : i32
        %dma_wait3A_146 = tpu.memref_slice %arg5[%mul3A_0, %dma_wait3A_145] : memref<2528x128xi32, #tpu.memory_space<hbm>> -> memref<1x128xi32, #tpu.memory_space<hbm>>
        %dma_wait3A_147 = tpu.memref_squeeze %dma_wait3A_146 : memref<1x128xi32, #tpu.memory_space<hbm>> -> memref<128xi32, #tpu.memory_space<hbm>>
        tpu.wait_dma2 semaphore(%arg21 : memref<!tpu.dma_semaphore, #tpu.memory_space<semaphore_mem>>) src(%dma_wait3A_147 : memref<128xi32, #tpu.memory_space<hbm>>) dst(%arg12 : memref<128xi32, #tpu.memory_space<vmem>>)
        "tpu.region"() ({
          %run_scoped3A = tpu.sem_alloc : memref<!tpu.dma_semaphore, #tpu.memory_space<semaphore_mem>>
          %dma_start3A_157 = arith.constant 0 : i32
          %dma_start3A_158 = arith.constant 0 : i32
          %dma_start3A_159 = tpu.memref_slice %arg15[%dma_start3A_157, %dma_start3A_158] : memref<10240x128xf32, #tpu.memory_space<vmem_shared>> -> memref<10240x128xf32, #tpu.memory_space<vmem_shared>>
          tpu.enqueue_indirect_dma source(%arg14 : memref<128x128xf32, #tpu.memory_space<vmem>>) target(%dma_start3A_159 : memref<10240x128xf32, #tpu.memory_space<vmem_shared>>) offsets(%arg12 : memref<128xi32, #tpu.memory_space<vmem>>) semaphore(%run_scoped3A : memref<!tpu.dma_semaphore, #tpu.memory_space<semaphore_mem>>) {add = true}
          %dma_wait3A_160 = arith.constant 0 : i32
          %dma_wait3A_161 = arith.constant 0 : i32
          %dma_wait3A_162 = tpu.memref_slice %arg15[%dma_wait3A_160, %dma_wait3A_161] : memref<10240x128xf32, #tpu.memory_space<vmem_shared>> -> memref<10240x128xf32, #tpu.memory_space<vmem_shared>>
          tpu.wait_indirect_dma semaphore(%run_scoped3A : memref<!tpu.dma_semaphore, #tpu.memory_space<semaphore_mem>>) src(%arg14 : memref<128x128xf32, #tpu.memory_space<vmem>>) dst(%dma_wait3A_162 : memref<10240x128xf32, #tpu.memory_space<vmem_shared>>)
          tpu.yield
        }) : () -> ()
        %add3A_148 = arith.constant 3 : i32
        %add3A_149 = arith.addi %mul3A_84, %add3A_148 : i32
        %add3A_150 = arith.addi %mul3A_0, %add3A_149 : i32
        %dma_start3A_151 = arith.constant 0 : i32
        %dma_start3A_152 = tpu.memref_slice %arg5[%add3A_150, %dma_start3A_151] : memref<2528x128xi32, #tpu.memory_space<hbm>> -> memref<1x128xi32, #tpu.memory_space<hbm>>
        %dma_start3A_153 = tpu.memref_squeeze %dma_start3A_152 : memref<1x128xi32, #tpu.memory_space<hbm>> -> memref<128xi32, #tpu.memory_space<hbm>>
        %dma_start3A_154 = arith.constant 0 : i32
        %dma_start3A_155 = tpu.memref_slice %arg5[%add3A_150, %dma_start3A_154] : memref<2528x128xi32, #tpu.memory_space<hbm>> -> memref<1x128xi32, #tpu.memory_space<hbm>>
        %dma_start3A_156 = tpu.memref_squeeze %dma_start3A_155 : memref<1x128xi32, #tpu.memory_space<hbm>> -> memref<128xi32, #tpu.memory_space<hbm>>
        tpu.enqueue_dma source(%dma_start3A_156 : memref<128xi32, #tpu.memory_space<hbm>>) target(%arg12 : memref<128xi32, #tpu.memory_space<vmem>>) target_semaphore(%arg21 : memref<!tpu.dma_semaphore, #tpu.memory_space<semaphore_mem>>)
      }
      %scan3A_51 = arith.constant 78 : i32
      %dma_wait3A_52 = arith.constant 0 : i32
      %dma_wait3A_53 = arith.constant 0 : i32
      %dma_wait3A_54 = tpu.memref_slice %arg3[%dma_wait3A_52, %dma_wait3A_53] : memref<10000x128xf32, #tpu.memory_space<hbm>> -> memref<10000x128xf32, #tpu.memory_space<hbm>>
      tpu.wait_indirect_dma semaphore(%arg16 : memref<!tpu.dma_semaphore, #tpu.memory_space<semaphore_mem>>) src(%dma_wait3A_54 : memref<10000x128xf32, #tpu.memory_space<hbm>>) dst(%arg13 : memref<128x128xf32, #tpu.memory_space<vmem>>)
      %dma_wait3A_55 = arith.constant 0 : i32
      %dma_wait3A_56 = tpu.memref_slice %arg5[%mul3A_0, %dma_wait3A_55] : memref<2528x128xi32, #tpu.memory_space<hbm>> -> memref<1x128xi32, #tpu.memory_space<hbm>>
      %dma_wait3A_57 = tpu.memref_squeeze %dma_wait3A_56 : memref<1x128xi32, #tpu.memory_space<hbm>> -> memref<128xi32, #tpu.memory_space<hbm>>
      %dma_wait3A_58 = arith.constant 0 : i32
      %dma_wait3A_59 = tpu.memref_slice %arg5[%mul3A_0, %dma_wait3A_58] : memref<2528x128xi32, #tpu.memory_space<hbm>> -> memref<1x128xi32, #tpu.memory_space<hbm>>
      %dma_wait3A_60 = tpu.memref_squeeze %dma_wait3A_59 : memref<1x128xi32, #tpu.memory_space<hbm>> -> memref<128xi32, #tpu.memory_space<hbm>>
      tpu.wait_dma2 semaphore(%arg20 : memref<!tpu.dma_semaphore, #tpu.memory_space<semaphore_mem>>) src(%dma_wait3A_60 : memref<128xi32, #tpu.memory_space<hbm>>) dst(%arg11 : memref<128xi32, #tpu.memory_space<vmem>>)
      "tpu.region"() ({
        %run_scoped3A = tpu.sem_alloc : memref<!tpu.dma_semaphore, #tpu.memory_space<semaphore_mem>>
        %dma_start3A_78 = arith.constant 0 : i32
        %dma_start3A_79 = arith.constant 0 : i32
        %dma_start3A_80 = tpu.memref_slice %arg15[%dma_start3A_78, %dma_start3A_79] : memref<10240x128xf32, #tpu.memory_space<vmem_shared>> -> memref<10240x128xf32, #tpu.memory_space<vmem_shared>>
        tpu.enqueue_indirect_dma source(%arg13 : memref<128x128xf32, #tpu.memory_space<vmem>>) target(%dma_start3A_80 : memref<10240x128xf32, #tpu.memory_space<vmem_shared>>) offsets(%arg11 : memref<128xi32, #tpu.memory_space<vmem>>) semaphore(%run_scoped3A : memref<!tpu.dma_semaphore, #tpu.memory_space<semaphore_mem>>) {add = true}
        %dma_wait3A_81 = arith.constant 0 : i32
        %dma_wait3A_82 = arith.constant 0 : i32
        %dma_wait3A_83 = tpu.memref_slice %arg15[%dma_wait3A_81, %dma_wait3A_82] : memref<10240x128xf32, #tpu.memory_space<vmem_shared>> -> memref<10240x128xf32, #tpu.memory_space<vmem_shared>>
        tpu.wait_indirect_dma semaphore(%run_scoped3A : memref<!tpu.dma_semaphore, #tpu.memory_space<semaphore_mem>>) src(%arg13 : memref<128x128xf32, #tpu.memory_space<vmem>>) dst(%dma_wait3A_83 : memref<10240x128xf32, #tpu.memory_space<vmem_shared>>)
        tpu.yield
      }) : () -> ()
      %dma_wait3A_61 = arith.constant 0 : i32
      %dma_wait3A_62 = tpu.memref_slice %arg4[%mul3A_0, %dma_wait3A_61] : memref<2528x128xi32, #tpu.memory_space<hbm>> -> memref<1x128xi32, #tpu.memory_space<hbm>>
      %dma_wait3A_63 = tpu.memref_squeeze %dma_wait3A_62 : memref<1x128xi32, #tpu.memory_space<hbm>> -> memref<128xi32, #tpu.memory_space<hbm>>
      %dma_wait3A_64 = arith.constant 0 : i32
      %dma_wait3A_65 = tpu.memref_slice %arg4[%mul3A_0, %dma_wait3A_64] : memref<2528x128xi32, #tpu.memory_space<hbm>> -> memref<1x128xi32, #tpu.memory_space<hbm>>
      %dma_wait3A_66 = tpu.memref_squeeze %dma_wait3A_65 : memref<1x128xi32, #tpu.memory_space<hbm>> -> memref<128xi32, #tpu.memory_space<hbm>>
      tpu.wait_dma2 semaphore(%arg19 : memref<!tpu.dma_semaphore, #tpu.memory_space<semaphore_mem>>) src(%dma_wait3A_66 : memref<128xi32, #tpu.memory_space<hbm>>) dst(%arg10 : memref<128xi32, #tpu.memory_space<vmem>>)
      %dma_wait3A_67 = arith.constant 0 : i32
      %dma_wait3A_68 = tpu.memref_slice %arg5[%mul3A_0, %dma_wait3A_67] : memref<2528x128xi32, #tpu.memory_space<hbm>> -> memref<1x128xi32, #tpu.memory_space<hbm>>
      %dma_wait3A_69 = tpu.memref_squeeze %dma_wait3A_68 : memref<1x128xi32, #tpu.memory_space<hbm>> -> memref<128xi32, #tpu.memory_space<hbm>>
      %dma_wait3A_70 = arith.constant 0 : i32
      %dma_wait3A_71 = tpu.memref_slice %arg5[%mul3A_0, %dma_wait3A_70] : memref<2528x128xi32, #tpu.memory_space<hbm>> -> memref<1x128xi32, #tpu.memory_space<hbm>>
      %dma_wait3A_72 = tpu.memref_squeeze %dma_wait3A_71 : memref<1x128xi32, #tpu.memory_space<hbm>> -> memref<128xi32, #tpu.memory_space<hbm>>
      tpu.wait_dma2 semaphore(%arg21 : memref<!tpu.dma_semaphore, #tpu.memory_space<semaphore_mem>>) src(%dma_wait3A_72 : memref<128xi32, #tpu.memory_space<hbm>>) dst(%arg12 : memref<128xi32, #tpu.memory_space<vmem>>)
      %barrier3A_73 = arith.constant 0 : index
      tpu.barrier barrier_id(%barrier3A_73)
      %mul3A_74 = arith.constant 640 : i32
      %mul3A_75 = arith.muli %arg1, %mul3A_74 : i32
      %mul3A_76 = arith.constant 640 : i32
      %mul3A_77 = arith.muli %arg1, %mul3A_76 : i32
      "tpu.region"() ({
        %run_scoped3A = tpu.sem_alloc : memref<!tpu.dma_semaphore, #tpu.memory_space<semaphore_mem>>
        %dma_start3A_78 = arith.constant 0 : i32
        %dma_start3A_79 = tpu.memref_slice %arg8[%mul3A_77, %dma_start3A_78] : memref<10240x128xf32, #tpu.memory_space<hbm>> -> memref<640x128xf32, #tpu.memory_space<hbm>>
        %dma_start3A_80 = arith.constant 0 : i32
        %dma_start3A_81 = tpu.memref_slice %arg15[%mul3A_75, %dma_start3A_80] : memref<10240x128xf32, #tpu.memory_space<vmem_shared>> -> memref<640x128xf32, #tpu.memory_space<vmem_shared>>
        tpu.enqueue_dma source(%dma_start3A_81 : memref<640x128xf32, #tpu.memory_space<vmem_shared>>) target(%dma_start3A_79 : memref<640x128xf32, #tpu.memory_space<hbm>>) target_semaphore(%run_scoped3A : memref<!tpu.dma_semaphore, #tpu.memory_space<semaphore_mem>>)
        %dma_wait3A_82 = arith.constant 0 : i32
        %dma_wait3A_83 = tpu.memref_slice %arg8[%mul3A_77, %dma_wait3A_82] : memref<10240x128xf32, #tpu.memory_space<hbm>> -> memref<640x128xf32, #tpu.memory_space<hbm>>
        %dma_wait3A_84 = arith.constant 0 : i32
        %dma_wait3A_85 = tpu.memref_slice %arg15[%mul3A_75, %dma_wait3A_84] : memref<10240x128xf32, #tpu.memory_space<vmem_shared>> -> memref<640x128xf32, #tpu.memory_space<vmem_shared>>
        tpu.wait_dma2 semaphore(%run_scoped3A : memref<!tpu.dma_semaphore, #tpu.memory_space<semaphore_mem>>) src(%dma_wait3A_85 : memref<640x128xf32, #tpu.memory_space<vmem_shared>>) dst(%dma_wait3A_83 : memref<640x128xf32, #tpu.memory_space<hbm>>)
        tpu.yield
      }) : () -> ()
    } else {
    }
    return
  }
}

#map = affine_map<(d0, d1) -> (0, 0)>
module attributes {stable_mosaic.version = 14 : i64} {
  func.func @_sc_segment_sum(%arg0: i32, %arg1: i32, %arg2: memref<10000x128xf32, #tpu.memory_space<hbm>>, %arg3: memref<10000x128xf32, #tpu.memory_space<hbm>>, %arg4: memref<2528x128xi32, #tpu.memory_space<hbm>>, %arg5: memref<2528x128xi32, #tpu.memory_space<hbm>>, %arg6: memref<640x128xf32, #tpu.memory_space<hbm>>, %arg7: memref<10240x128xf32, #tpu.memory_space<hbm>>, %arg8: memref<10240x128xf32, #tpu.memory_space<hbm>>, %arg9: memref<128xi32, #tpu.memory_space<vmem>>, %arg10: memref<128xi32, #tpu.memory_space<vmem>>, %arg11: memref<128xi32, #tpu.memory_space<vmem>>, %arg12: memref<128xi32, #tpu.memory_space<vmem>>, %arg13: memref<128x128xf32, #tpu.memory_space<vmem>>, %arg14: memref<128x128xf32, #tpu.memory_space<vmem>>, %arg15: memref<10240x128xf32, #tpu.memory_space<vmem_shared>>, %arg16: memref<!tpu.dma_semaphore, #tpu.memory_space<semaphore_mem>>, %arg17: memref<!tpu.dma_semaphore, #tpu.memory_space<semaphore_mem>>, %arg18: memref<!tpu.dma_semaphore, #tpu.memory_space<semaphore_mem>>, %arg19: memref<!tpu.dma_semaphore, #tpu.memory_space<semaphore_mem>>, %arg20: memref<!tpu.dma_semaphore, #tpu.memory_space<semaphore_mem>>, %arg21: memref<!tpu.dma_semaphore, #tpu.memory_space<semaphore_mem>>) attributes {dimension_semantics = [#tpu.dimension_semantics<core_parallel>, #tpu.dimension_semantics<subcore_parallel>], iteration_bounds = array<i64: 2, 16>, scalar_prefetch = 0 : i64, scratch_operands = 13 : i64, tpu.core_type = #tpu.core_type<sc_vector_subcore>, window_params = [{transform_indices = #map}, {transform_indices = #map}, {transform_indices = #map}, {transform_indices = #map}, {transform_indices = #map}, {transform_indices = #map}, {transform_indices = #map}]} {
    %mul3A = arith.constant 158 : i32
    %mul3A_0 = arith.muli %arg1, %mul3A : i32
    %add3A = arith.constant 0 : i32
    %add3A_1 = arith.addi %mul3A_0, %add3A : i32
    %dma_start3A = arith.constant 0 : i32
    %dma_start3A_2 = tpu.memref_slice %arg4[%add3A_1, %dma_start3A] : memref<2528x128xi32, #tpu.memory_space<hbm>> -> memref<1x128xi32, #tpu.memory_space<hbm>>
    %dma_start3A_3 = tpu.memref_squeeze %dma_start3A_2 : memref<1x128xi32, #tpu.memory_space<hbm>> -> memref<128xi32, #tpu.memory_space<hbm>>
    %dma_start3A_4 = arith.constant 0 : i32
    %dma_start3A_5 = tpu.memref_slice %arg4[%add3A_1, %dma_start3A_4] : memref<2528x128xi32, #tpu.memory_space<hbm>> -> memref<1x128xi32, #tpu.memory_space<hbm>>
    %dma_start3A_6 = tpu.memref_squeeze %dma_start3A_5 : memref<1x128xi32, #tpu.memory_space<hbm>> -> memref<128xi32, #tpu.memory_space<hbm>>
    tpu.enqueue_dma source(%dma_start3A_6 : memref<128xi32, #tpu.memory_space<hbm>>) target(%arg9 : memref<128xi32, #tpu.memory_space<vmem>>) target_semaphore(%arg18 : memref<!tpu.dma_semaphore, #tpu.memory_space<semaphore_mem>>)
    %add3A_7 = arith.constant 0 : i32
    %add3A_8 = arith.addi %mul3A_0, %add3A_7 : i32
    %dma_start3A_9 = arith.constant 0 : i32
    %dma_start3A_10 = tpu.memref_slice %arg5[%add3A_8, %dma_start3A_9] : memref<2528x128xi32, #tpu.memory_space<hbm>> -> memref<1x128xi32, #tpu.memory_space<hbm>>
    %dma_start3A_11 = tpu.memref_squeeze %dma_start3A_10 : memref<1x128xi32, #tpu.memory_space<hbm>> -> memref<128xi32, #tpu.memory_space<hbm>>
    %dma_start3A_12 = arith.constant 0 : i32
    %dma_start3A_13 = tpu.memref_slice %arg5[%add3A_8, %dma_start3A_12] : memref<2528x128xi32, #tpu.memory_space<hbm>> -> memref<1x128xi32, #tpu.memory_space<hbm>>
    %dma_start3A_14 = tpu.memref_squeeze %dma_start3A_13 : memref<1x128xi32, #tpu.memory_space<hbm>> -> memref<128xi32, #tpu.memory_space<hbm>>
    tpu.enqueue_dma source(%dma_start3A_14 : memref<128xi32, #tpu.memory_space<hbm>>) target(%arg11 : memref<128xi32, #tpu.memory_space<vmem>>) target_semaphore(%arg20 : memref<!tpu.dma_semaphore, #tpu.memory_space<semaphore_mem>>)
    %add3A_15 = arith.constant 1 : i32
    %add3A_16 = arith.addi %mul3A_0, %add3A_15 : i32
    %dma_start3A_17 = arith.constant 0 : i32
    %dma_start3A_18 = tpu.memref_slice %arg4[%add3A_16, %dma_start3A_17] : memref<2528x128xi32, #tpu.memory_space<hbm>> -> memref<1x128xi32, #tpu.memory_space<hbm>>
    %dma_start3A_19 = tpu.memref_squeeze %dma_start3A_18 : memref<1x128xi32, #tpu.memory_space<hbm>> -> memref<128xi32, #tpu.memory_space<hbm>>
    %dma_start3A_20 = arith.constant 0 : i32
    %dma_start3A_21 = tpu.memref_slice %arg4[%add3A_16, %dma_start3A_20] : memref<2528x128xi32, #tpu.memory_space<hbm>> -> memref<1x128xi32, #tpu.memory_space<hbm>>
    %dma_start3A_22 = tpu.memref_squeeze %dma_start3A_21 : memref<1x128xi32, #tpu.memory_space<hbm>> -> memref<128xi32, #tpu.memory_space<hbm>>
    tpu.enqueue_dma source(%dma_start3A_22 : memref<128xi32, #tpu.memory_space<hbm>>) target(%arg10 : memref<128xi32, #tpu.memory_space<vmem>>) target_semaphore(%arg19 : memref<!tpu.dma_semaphore, #tpu.memory_space<semaphore_mem>>)
    %add3A_23 = arith.constant 1 : i32
    %add3A_24 = arith.addi %mul3A_0, %add3A_23 : i32
    %dma_start3A_25 = arith.constant 0 : i32
    %dma_start3A_26 = tpu.memref_slice %arg5[%add3A_24, %dma_start3A_25] : memref<2528x128xi32, #tpu.memory_space<hbm>> -> memref<1x128xi32, #tpu.memory_space<hbm>>
    %dma_start3A_27 = tpu.memref_squeeze %dma_start3A_26 : memref<1x128xi32, #tpu.memory_space<hbm>> -> memref<128xi32, #tpu.memory_space<hbm>>
    %dma_start3A_28 = arith.constant 0 : i32
    %dma_start3A_29 = tpu.memref_slice %arg5[%add3A_24, %dma_start3A_28] : memref<2528x128xi32, #tpu.memory_space<hbm>> -> memref<1x128xi32, #tpu.memory_space<hbm>>
    %dma_start3A_30 = tpu.memref_squeeze %dma_start3A_29 : memref<1x128xi32, #tpu.memory_space<hbm>> -> memref<128xi32, #tpu.memory_space<hbm>>
    tpu.enqueue_dma source(%dma_start3A_30 : memref<128xi32, #tpu.memory_space<hbm>>) target(%arg12 : memref<128xi32, #tpu.memory_space<vmem>>) target_semaphore(%arg21 : memref<!tpu.dma_semaphore, #tpu.memory_space<semaphore_mem>>)
    %mul3A_31 = arith.constant 640 : i32
    %mul3A_32 = arith.muli %arg1, %mul3A_31 : i32
    "tpu.region"() ({
      %run_scoped3A = tpu.sem_alloc : memref<!tpu.dma_semaphore, #tpu.memory_space<semaphore_mem>>
      %dma_start3A_40 = arith.constant 0 : i32
      %dma_start3A_41 = tpu.memref_slice %arg15[%mul3A_32, %dma_start3A_40] : memref<10240x128xf32, #tpu.memory_space<vmem_shared>> -> memref<640x128xf32, #tpu.memory_space<vmem_shared>>
      tpu.enqueue_dma source(%arg6 : memref<640x128xf32, #tpu.memory_space<hbm>>) target(%dma_start3A_41 : memref<640x128xf32, #tpu.memory_space<vmem_shared>>) target_semaphore(%run_scoped3A : memref<!tpu.dma_semaphore, #tpu.memory_space<semaphore_mem>>)
      %dma_wait3A = arith.constant 0 : i32
      %dma_wait3A_42 = tpu.memref_slice %arg15[%mul3A_32, %dma_wait3A] : memref<10240x128xf32, #tpu.memory_space<vmem_shared>> -> memref<640x128xf32, #tpu.memory_space<vmem_shared>>
      tpu.wait_dma2 semaphore(%run_scoped3A : memref<!tpu.dma_semaphore, #tpu.memory_space<semaphore_mem>>) src(%arg6 : memref<640x128xf32, #tpu.memory_space<hbm>>) dst(%dma_wait3A_42 : memref<640x128xf32, #tpu.memory_space<vmem_shared>>)
      tpu.yield
    }) : () -> ()
    %barrier3A = arith.constant 0 : index
    tpu.barrier barrier_id(%barrier3A)
    %eq3A = arith.constant 0 : i32
    %eq3A_33 = arith.cmpi eq, %arg0, %eq3A : i32
    %convert_element_type3A = arith.extui %eq3A_33 : i1 to i32
    %cond3A = arith.constant 0 : i32
    %cond3A_34 = arith.cmpi ne, %convert_element_type3A, %cond3A : i32
    scf.if %cond3A_34 {
      %dma_wait3A = arith.constant 0 : i32
      %dma_wait3A_40 = tpu.memref_slice %arg4[%mul3A_0, %dma_wait3A] : memref<2528x128xi32, #tpu.memory_space<hbm>> -> memref<1x128xi32, #tpu.memory_space<hbm>>
      %dma_wait3A_41 = tpu.memref_squeeze %dma_wait3A_40 : memref<1x128xi32, #tpu.memory_space<hbm>> -> memref<128xi32, #tpu.memory_space<hbm>>
      %dma_wait3A_42 = arith.constant 0 : i32
      %dma_wait3A_43 = tpu.memref_slice %arg4[%mul3A_0, %dma_wait3A_42] : memref<2528x128xi32, #tpu.memory_space<hbm>> -> memref<1x128xi32, #tpu.memory_space<hbm>>
      %dma_wait3A_44 = tpu.memref_squeeze %dma_wait3A_43 : memref<1x128xi32, #tpu.memory_space<hbm>> -> memref<128xi32, #tpu.memory_space<hbm>>
      tpu.wait_dma2 semaphore(%arg18 : memref<!tpu.dma_semaphore, #tpu.memory_space<semaphore_mem>>) src(%dma_wait3A_44 : memref<128xi32, #tpu.memory_space<hbm>>) dst(%arg9 : memref<128xi32, #tpu.memory_space<vmem>>)
      %dma_start3A_45 = arith.constant 0 : i32
      %dma_start3A_46 = arith.constant 0 : i32
      %dma_start3A_47 = tpu.memref_slice %arg2[%dma_start3A_45, %dma_start3A_46] : memref<10000x128xf32, #tpu.memory_space<hbm>> -> memref<10000x128xf32, #tpu.memory_space<hbm>>
      tpu.enqueue_indirect_dma source(%dma_start3A_47 : memref<10000x128xf32, #tpu.memory_space<hbm>>) target(%arg13 : memref<128x128xf32, #tpu.memory_space<vmem>>) offsets(%arg9 : memref<128xi32, #tpu.memory_space<vmem>>) semaphore(%arg16 : memref<!tpu.dma_semaphore, #tpu.memory_space<semaphore_mem>>)
      %scan3A = arith.constant 0 : i32
      %scan3A_48 = arith.constant 78 : i32
      %scan3A_49 = arith.addi %scan3A, %scan3A_48 : i32
      %scan3A_50 = arith.constant 1 : i32
      scf.for %scan3A_78 = %scan3A to %scan3A_49 step %scan3A_50  : i32 {
        %mul3A_79 = arith.constant 1 : i32
        %mul3A_80 = arith.muli %scan3A_78, %mul3A_79 : i32
        %add3A_81 = arith.constant 0 : i32
        %add3A_82 = arith.addi %add3A_81, %mul3A_80 : i32
        %mul3A_83 = arith.constant 2 : i32
        %mul3A_84 = arith.muli %mul3A_83, %add3A_82 : i32
        %dma_wait3A_85 = arith.constant 0 : i32
        %dma_wait3A_86 = tpu.memref_slice %arg4[%mul3A_0, %dma_wait3A_85] : memref<2528x128xi32, #tpu.memory_space<hbm>> -> memref<1x128xi32, #tpu.memory_space<hbm>>
        %dma_wait3A_87 = tpu.memref_squeeze %dma_wait3A_86 : memref<1x128xi32, #tpu.memory_space<hbm>> -> memref<128xi32, #tpu.memory_space<hbm>>
        %dma_wait3A_88 = arith.constant 0 : i32
        %dma_wait3A_89 = tpu.memref_slice %arg4[%mul3A_0, %dma_wait3A_88] : memref<2528x128xi32, #tpu.memory_space<hbm>> -> memref<1x128xi32, #tpu.memory_space<hbm>>
        %dma_wait3A_90 = tpu.memref_squeeze %dma_wait3A_89 : memref<1x128xi32, #tpu.memory_space<hbm>> -> memref<128xi32, #tpu.memory_space<hbm>>
        tpu.wait_dma2 semaphore(%arg19 : memref<!tpu.dma_semaphore, #tpu.memory_space<semaphore_mem>>) src(%dma_wait3A_90 : memref<128xi32, #tpu.memory_space<hbm>>) dst(%arg10 : memref<128xi32, #tpu.memory_space<vmem>>)
        %dma_start3A_91 = arith.constant 0 : i32
        %dma_start3A_92 = arith.constant 0 : i32
        %dma_start3A_93 = tpu.memref_slice %arg2[%dma_start3A_91, %dma_start3A_92] : memref<10000x128xf32, #tpu.memory_space<hbm>> -> memref<10000x128xf32, #tpu.memory_space<hbm>>
        tpu.enqueue_indirect_dma source(%dma_start3A_93 : memref<10000x128xf32, #tpu.memory_space<hbm>>) target(%arg14 : memref<128x128xf32, #tpu.memory_space<vmem>>) offsets(%arg10 : memref<128xi32, #tpu.memory_space<vmem>>) semaphore(%arg17 : memref<!tpu.dma_semaphore, #tpu.memory_space<semaphore_mem>>)
        %dma_wait3A_94 = arith.constant 0 : i32
        %dma_wait3A_95 = arith.constant 0 : i32
        %dma_wait3A_96 = tpu.memref_slice %arg2[%dma_wait3A_94, %dma_wait3A_95] : memref<10000x128xf32, #tpu.memory_space<hbm>> -> memref<10000x128xf32, #tpu.memory_space<hbm>>
        tpu.wait_indirect_dma semaphore(%arg16 : memref<!tpu.dma_semaphore, #tpu.memory_space<semaphore_mem>>) src(%dma_wait3A_96 : memref<10000x128xf32, #tpu.memory_space<hbm>>) dst(%arg13 : memref<128x128xf32, #tpu.memory_space<vmem>>)
        %add3A_97 = arith.constant 2 : i32
        %add3A_98 = arith.addi %mul3A_84, %add3A_97 : i32
        %add3A_99 = arith.addi %mul3A_0, %add3A_98 : i32
        %dma_start3A_100 = arith.constant 0 : i32
        %dma_start3A_101 = tpu.memref_slice %arg4[%add3A_99, %dma_start3A_100] : memref<2528x128xi32, #tpu.memory_space<hbm>> -> memref<1x128xi32, #tpu.memory_space<hbm>>
        %dma_start3A_102 = tpu.memref_squeeze %dma_start3A_101 : memref<1x128xi32, #tpu.memory_space<hbm>> -> memref<128xi32, #tpu.memory_space<hbm>>
        %dma_start3A_103 = arith.constant 0 : i32
        %dma_start3A_104 = tpu.memref_slice %arg4[%add3A_99, %dma_start3A_103] : memref<2528x128xi32, #tpu.memory_space<hbm>> -> memref<1x128xi32, #tpu.memory_space<hbm>>
        %dma_start3A_105 = tpu.memref_squeeze %dma_start3A_104 : memref<1x128xi32, #tpu.memory_space<hbm>> -> memref<128xi32, #tpu.memory_space<hbm>>
        tpu.enqueue_dma source(%dma_start3A_105 : memref<128xi32, #tpu.memory_space<hbm>>) target(%arg9 : memref<128xi32, #tpu.memory_space<vmem>>) target_semaphore(%arg18 : memref<!tpu.dma_semaphore, #tpu.memory_space<semaphore_mem>>)
        %dma_wait3A_106 = arith.constant 0 : i32
        %dma_wait3A_107 = tpu.memref_slice %arg5[%mul3A_0, %dma_wait3A_106] : memref<2528x128xi32, #tpu.memory_space<hbm>> -> memref<1x128xi32, #tpu.memory_space<hbm>>
        %dma_wait3A_108 = tpu.memref_squeeze %dma_wait3A_107 : memref<1x128xi32, #tpu.memory_space<hbm>> -> memref<128xi32, #tpu.memory_space<hbm>>
        %dma_wait3A_109 = arith.constant 0 : i32
        %dma_wait3A_110 = tpu.memref_slice %arg5[%mul3A_0, %dma_wait3A_109] : memref<2528x128xi32, #tpu.memory_space<hbm>> -> memref<1x128xi32, #tpu.memory_space<hbm>>
        %dma_wait3A_111 = tpu.memref_squeeze %dma_wait3A_110 : memref<1x128xi32, #tpu.memory_space<hbm>> -> memref<128xi32, #tpu.memory_space<hbm>>
        tpu.wait_dma2 semaphore(%arg20 : memref<!tpu.dma_semaphore, #tpu.memory_space<semaphore_mem>>) src(%dma_wait3A_111 : memref<128xi32, #tpu.memory_space<hbm>>) dst(%arg11 : memref<128xi32, #tpu.memory_space<vmem>>)
        "tpu.region"() ({
          %run_scoped3A = tpu.sem_alloc : memref<!tpu.dma_semaphore, #tpu.memory_space<semaphore_mem>>
          %dma_start3A_157 = arith.constant 0 : i32
          %dma_start3A_158 = arith.constant 0 : i32
          %dma_start3A_159 = tpu.memref_slice %arg15[%dma_start3A_157, %dma_start3A_158] : memref<10240x128xf32, #tpu.memory_space<vmem_shared>> -> memref<10240x128xf32, #tpu.memory_space<vmem_shared>>
          tpu.enqueue_indirect_dma source(%arg13 : memref<128x128xf32, #tpu.memory_space<vmem>>) target(%dma_start3A_159 : memref<10240x128xf32, #tpu.memory_space<vmem_shared>>) offsets(%arg11 : memref<128xi32, #tpu.memory_space<vmem>>) semaphore(%run_scoped3A : memref<!tpu.dma_semaphore, #tpu.memory_space<semaphore_mem>>) {add = true}
          %dma_wait3A_160 = arith.constant 0 : i32
          %dma_wait3A_161 = arith.constant 0 : i32
          %dma_wait3A_162 = tpu.memref_slice %arg15[%dma_wait3A_160, %dma_wait3A_161] : memref<10240x128xf32, #tpu.memory_space<vmem_shared>> -> memref<10240x128xf32, #tpu.memory_space<vmem_shared>>
          tpu.wait_indirect_dma semaphore(%run_scoped3A : memref<!tpu.dma_semaphore, #tpu.memory_space<semaphore_mem>>) src(%arg13 : memref<128x128xf32, #tpu.memory_space<vmem>>) dst(%dma_wait3A_162 : memref<10240x128xf32, #tpu.memory_space<vmem_shared>>)
          tpu.yield
        }) : () -> ()
        %add3A_112 = arith.constant 2 : i32
        %add3A_113 = arith.addi %mul3A_84, %add3A_112 : i32
        %add3A_114 = arith.addi %mul3A_0, %add3A_113 : i32
        %dma_start3A_115 = arith.constant 0 : i32
        %dma_start3A_116 = tpu.memref_slice %arg5[%add3A_114, %dma_start3A_115] : memref<2528x128xi32, #tpu.memory_space<hbm>> -> memref<1x128xi32, #tpu.memory_space<hbm>>
        %dma_start3A_117 = tpu.memref_squeeze %dma_start3A_116 : memref<1x128xi32, #tpu.memory_space<hbm>> -> memref<128xi32, #tpu.memory_space<hbm>>
        %dma_start3A_118 = arith.constant 0 : i32
        %dma_start3A_119 = tpu.memref_slice %arg5[%add3A_114, %dma_start3A_118] : memref<2528x128xi32, #tpu.memory_space<hbm>> -> memref<1x128xi32, #tpu.memory_space<hbm>>
        %dma_start3A_120 = tpu.memref_squeeze %dma_start3A_119 : memref<1x128xi32, #tpu.memory_space<hbm>> -> memref<128xi32, #tpu.memory_space<hbm>>
        tpu.enqueue_dma source(%dma_start3A_120 : memref<128xi32, #tpu.memory_space<hbm>>) target(%arg11 : memref<128xi32, #tpu.memory_space<vmem>>) target_semaphore(%arg20 : memref<!tpu.dma_semaphore, #tpu.memory_space<semaphore_mem>>)
        %dma_wait3A_121 = arith.constant 0 : i32
        %dma_wait3A_122 = tpu.memref_slice %arg4[%mul3A_0, %dma_wait3A_121] : memref<2528x128xi32, #tpu.memory_space<hbm>> -> memref<1x128xi32, #tpu.memory_space<hbm>>
        %dma_wait3A_123 = tpu.memref_squeeze %dma_wait3A_122 : memref<1x128xi32, #tpu.memory_space<hbm>> -> memref<128xi32, #tpu.memory_space<hbm>>
        %dma_wait3A_124 = arith.constant 0 : i32
        %dma_wait3A_125 = tpu.memref_slice %arg4[%mul3A_0, %dma_wait3A_124] : memref<2528x128xi32, #tpu.memory_space<hbm>> -> memref<1x128xi32, #tpu.memory_space<hbm>>
        %dma_wait3A_126 = tpu.memref_squeeze %dma_wait3A_125 : memref<1x128xi32, #tpu.memory_space<hbm>> -> memref<128xi32, #tpu.memory_space<hbm>>
        tpu.wait_dma2 semaphore(%arg18 : memref<!tpu.dma_semaphore, #tpu.memory_space<semaphore_mem>>) src(%dma_wait3A_126 : memref<128xi32, #tpu.memory_space<hbm>>) dst(%arg9 : memref<128xi32, #tpu.memory_space<vmem>>)
        %dma_start3A_127 = arith.constant 0 : i32
        %dma_start3A_128 = arith.constant 0 : i32
        %dma_start3A_129 = tpu.memref_slice %arg2[%dma_start3A_127, %dma_start3A_128] : memref<10000x128xf32, #tpu.memory_space<hbm>> -> memref<10000x128xf32, #tpu.memory_space<hbm>>
        tpu.enqueue_indirect_dma source(%dma_start3A_129 : memref<10000x128xf32, #tpu.memory_space<hbm>>) target(%arg13 : memref<128x128xf32, #tpu.memory_space<vmem>>) offsets(%arg9 : memref<128xi32, #tpu.memory_space<vmem>>) semaphore(%arg16 : memref<!tpu.dma_semaphore, #tpu.memory_space<semaphore_mem>>)
        %dma_wait3A_130 = arith.constant 0 : i32
        %dma_wait3A_131 = arith.constant 0 : i32
        %dma_wait3A_132 = tpu.memref_slice %arg2[%dma_wait3A_130, %dma_wait3A_131] : memref<10000x128xf32, #tpu.memory_space<hbm>> -> memref<10000x128xf32, #tpu.memory_space<hbm>>
        tpu.wait_indirect_dma semaphore(%arg17 : memref<!tpu.dma_semaphore, #tpu.memory_space<semaphore_mem>>) src(%dma_wait3A_132 : memref<10000x128xf32, #tpu.memory_space<hbm>>) dst(%arg14 : memref<128x128xf32, #tpu.memory_space<vmem>>)
        %add3A_133 = arith.constant 3 : i32
        %add3A_134 = arith.addi %mul3A_84, %add3A_133 : i32
        %add3A_135 = arith.addi %mul3A_0, %add3A_134 : i32
        %dma_start3A_136 = arith.constant 0 : i32
        %dma_start3A_137 = tpu.memref_slice %arg4[%add3A_135, %dma_start3A_136] : memref<2528x128xi32, #tpu.memory_space<hbm>> -> memref<1x128xi32, #tpu.memory_space<hbm>>
        %dma_start3A_138 = tpu.memref_squeeze %dma_start3A_137 : memref<1x128xi32, #tpu.memory_space<hbm>> -> memref<128xi32, #tpu.memory_space<hbm>>
        %dma_start3A_139 = arith.constant 0 : i32
        %dma_start3A_140 = tpu.memref_slice %arg4[%add3A_135, %dma_start3A_139] : memref<2528x128xi32, #tpu.memory_space<hbm>> -> memref<1x128xi32, #tpu.memory_space<hbm>>
        %dma_start3A_141 = tpu.memref_squeeze %dma_start3A_140 : memref<1x128xi32, #tpu.memory_space<hbm>> -> memref<128xi32, #tpu.memory_space<hbm>>
        tpu.enqueue_dma source(%dma_start3A_141 : memref<128xi32, #tpu.memory_space<hbm>>) target(%arg10 : memref<128xi32, #tpu.memory_space<vmem>>) target_semaphore(%arg19 : memref<!tpu.dma_semaphore, #tpu.memory_space<semaphore_mem>>)
        %dma_wait3A_142 = arith.constant 0 : i32
        %dma_wait3A_143 = tpu.memref_slice %arg5[%mul3A_0, %dma_wait3A_142] : memref<2528x128xi32, #tpu.memory_space<hbm>> -> memref<1x128xi32, #tpu.memory_space<hbm>>
        %dma_wait3A_144 = tpu.memref_squeeze %dma_wait3A_143 : memref<1x128xi32, #tpu.memory_space<hbm>> -> memref<128xi32, #tpu.memory_space<hbm>>
        %dma_wait3A_145 = arith.constant 0 : i32
        %dma_wait3A_146 = tpu.memref_slice %arg5[%mul3A_0, %dma_wait3A_145] : memref<2528x128xi32, #tpu.memory_space<hbm>> -> memref<1x128xi32, #tpu.memory_space<hbm>>
        %dma_wait3A_147 = tpu.memref_squeeze %dma_wait3A_146 : memref<1x128xi32, #tpu.memory_space<hbm>> -> memref<128xi32, #tpu.memory_space<hbm>>
        tpu.wait_dma2 semaphore(%arg21 : memref<!tpu.dma_semaphore, #tpu.memory_space<semaphore_mem>>) src(%dma_wait3A_147 : memref<128xi32, #tpu.memory_space<hbm>>) dst(%arg12 : memref<128xi32, #tpu.memory_space<vmem>>)
        "tpu.region"() ({
          %run_scoped3A = tpu.sem_alloc : memref<!tpu.dma_semaphore, #tpu.memory_space<semaphore_mem>>
          %dma_start3A_157 = arith.constant 0 : i32
          %dma_start3A_158 = arith.constant 0 : i32
          %dma_start3A_159 = tpu.memref_slice %arg15[%dma_start3A_157, %dma_start3A_158] : memref<10240x128xf32, #tpu.memory_space<vmem_shared>> -> memref<10240x128xf32, #tpu.memory_space<vmem_shared>>
          tpu.enqueue_indirect_dma source(%arg14 : memref<128x128xf32, #tpu.memory_space<vmem>>) target(%dma_start3A_159 : memref<10240x128xf32, #tpu.memory_space<vmem_shared>>) offsets(%arg12 : memref<128xi32, #tpu.memory_space<vmem>>) semaphore(%run_scoped3A : memref<!tpu.dma_semaphore, #tpu.memory_space<semaphore_mem>>) {add = true}
          %dma_wait3A_160 = arith.constant 0 : i32
          %dma_wait3A_161 = arith.constant 0 : i32
          %dma_wait3A_162 = tpu.memref_slice %arg15[%dma_wait3A_160, %dma_wait3A_161] : memref<10240x128xf32, #tpu.memory_space<vmem_shared>> -> memref<10240x128xf32, #tpu.memory_space<vmem_shared>>
          tpu.wait_indirect_dma semaphore(%run_scoped3A : memref<!tpu.dma_semaphore, #tpu.memory_space<semaphore_mem>>) src(%arg14 : memref<128x128xf32, #tpu.memory_space<vmem>>) dst(%dma_wait3A_162 : memref<10240x128xf32, #tpu.memory_space<vmem_shared>>)
          tpu.yield
        }) : () -> ()
        %add3A_148 = arith.constant 3 : i32
        %add3A_149 = arith.addi %mul3A_84, %add3A_148 : i32
        %add3A_150 = arith.addi %mul3A_0, %add3A_149 : i32
        %dma_start3A_151 = arith.constant 0 : i32
        %dma_start3A_152 = tpu.memref_slice %arg5[%add3A_150, %dma_start3A_151] : memref<2528x128xi32, #tpu.memory_space<hbm>> -> memref<1x128xi32, #tpu.memory_space<hbm>>
        %dma_start3A_153 = tpu.memref_squeeze %dma_start3A_152 : memref<1x128xi32, #tpu.memory_space<hbm>> -> memref<128xi32, #tpu.memory_space<hbm>>
        %dma_start3A_154 = arith.constant 0 : i32
        %dma_start3A_155 = tpu.memref_slice %arg5[%add3A_150, %dma_start3A_154] : memref<2528x128xi32, #tpu.memory_space<hbm>> -> memref<1x128xi32, #tpu.memory_space<hbm>>
        %dma_start3A_156 = tpu.memref_squeeze %dma_start3A_155 : memref<1x128xi32, #tpu.memory_space<hbm>> -> memref<128xi32, #tpu.memory_space<hbm>>
        tpu.enqueue_dma source(%dma_start3A_156 : memref<128xi32, #tpu.memory_space<hbm>>) target(%arg12 : memref<128xi32, #tpu.memory_space<vmem>>) target_semaphore(%arg21 : memref<!tpu.dma_semaphore, #tpu.memory_space<semaphore_mem>>)
      }
      %scan3A_51 = arith.constant 78 : i32
      %dma_wait3A_52 = arith.constant 0 : i32
      %dma_wait3A_53 = arith.constant 0 : i32
      %dma_wait3A_54 = tpu.memref_slice %arg2[%dma_wait3A_52, %dma_wait3A_53] : memref<10000x128xf32, #tpu.memory_space<hbm>> -> memref<10000x128xf32, #tpu.memory_space<hbm>>
      tpu.wait_indirect_dma semaphore(%arg16 : memref<!tpu.dma_semaphore, #tpu.memory_space<semaphore_mem>>) src(%dma_wait3A_54 : memref<10000x128xf32, #tpu.memory_space<hbm>>) dst(%arg13 : memref<128x128xf32, #tpu.memory_space<vmem>>)
      %dma_wait3A_55 = arith.constant 0 : i32
      %dma_wait3A_56 = tpu.memref_slice %arg5[%mul3A_0, %dma_wait3A_55] : memref<2528x128xi32, #tpu.memory_space<hbm>> -> memref<1x128xi32, #tpu.memory_space<hbm>>
      %dma_wait3A_57 = tpu.memref_squeeze %dma_wait3A_56 : memref<1x128xi32, #tpu.memory_space<hbm>> -> memref<128xi32, #tpu.memory_space<hbm>>
      %dma_wait3A_58 = arith.constant 0 : i32
      %dma_wait3A_59 = tpu.memref_slice %arg5[%mul3A_0, %dma_wait3A_58] : memref<2528x128xi32, #tpu.memory_space<hbm>> -> memref<1x128xi32, #tpu.memory_space<hbm>>
      %dma_wait3A_60 = tpu.memref_squeeze %dma_wait3A_59 : memref<1x128xi32, #tpu.memory_space<hbm>> -> memref<128xi32, #tpu.memory_space<hbm>>
      tpu.wait_dma2 semaphore(%arg20 : memref<!tpu.dma_semaphore, #tpu.memory_space<semaphore_mem>>) src(%dma_wait3A_60 : memref<128xi32, #tpu.memory_space<hbm>>) dst(%arg11 : memref<128xi32, #tpu.memory_space<vmem>>)
      "tpu.region"() ({
        %run_scoped3A = tpu.sem_alloc : memref<!tpu.dma_semaphore, #tpu.memory_space<semaphore_mem>>
        %dma_start3A_78 = arith.constant 0 : i32
        %dma_start3A_79 = arith.constant 0 : i32
        %dma_start3A_80 = tpu.memref_slice %arg15[%dma_start3A_78, %dma_start3A_79] : memref<10240x128xf32, #tpu.memory_space<vmem_shared>> -> memref<10240x128xf32, #tpu.memory_space<vmem_shared>>
        tpu.enqueue_indirect_dma source(%arg13 : memref<128x128xf32, #tpu.memory_space<vmem>>) target(%dma_start3A_80 : memref<10240x128xf32, #tpu.memory_space<vmem_shared>>) offsets(%arg11 : memref<128xi32, #tpu.memory_space<vmem>>) semaphore(%run_scoped3A : memref<!tpu.dma_semaphore, #tpu.memory_space<semaphore_mem>>) {add = true}
        %dma_wait3A_81 = arith.constant 0 : i32
        %dma_wait3A_82 = arith.constant 0 : i32
        %dma_wait3A_83 = tpu.memref_slice %arg15[%dma_wait3A_81, %dma_wait3A_82] : memref<10240x128xf32, #tpu.memory_space<vmem_shared>> -> memref<10240x128xf32, #tpu.memory_space<vmem_shared>>
        tpu.wait_indirect_dma semaphore(%run_scoped3A : memref<!tpu.dma_semaphore, #tpu.memory_space<semaphore_mem>>) src(%arg13 : memref<128x128xf32, #tpu.memory_space<vmem>>) dst(%dma_wait3A_83 : memref<10240x128xf32, #tpu.memory_space<vmem_shared>>)
        tpu.yield
      }) : () -> ()
      %dma_wait3A_61 = arith.constant 0 : i32
      %dma_wait3A_62 = tpu.memref_slice %arg4[%mul3A_0, %dma_wait3A_61] : memref<2528x128xi32, #tpu.memory_space<hbm>> -> memref<1x128xi32, #tpu.memory_space<hbm>>
      %dma_wait3A_63 = tpu.memref_squeeze %dma_wait3A_62 : memref<1x128xi32, #tpu.memory_space<hbm>> -> memref<128xi32, #tpu.memory_space<hbm>>
      %dma_wait3A_64 = arith.constant 0 : i32
      %dma_wait3A_65 = tpu.memref_slice %arg4[%mul3A_0, %dma_wait3A_64] : memref<2528x128xi32, #tpu.memory_space<hbm>> -> memref<1x128xi32, #tpu.memory_space<hbm>>
      %dma_wait3A_66 = tpu.memref_squeeze %dma_wait3A_65 : memref<1x128xi32, #tpu.memory_space<hbm>> -> memref<128xi32, #tpu.memory_space<hbm>>
      tpu.wait_dma2 semaphore(%arg19 : memref<!tpu.dma_semaphore, #tpu.memory_space<semaphore_mem>>) src(%dma_wait3A_66 : memref<128xi32, #tpu.memory_space<hbm>>) dst(%arg10 : memref<128xi32, #tpu.memory_space<vmem>>)
      %dma_wait3A_67 = arith.constant 0 : i32
      %dma_wait3A_68 = tpu.memref_slice %arg5[%mul3A_0, %dma_wait3A_67] : memref<2528x128xi32, #tpu.memory_space<hbm>> -> memref<1x128xi32, #tpu.memory_space<hbm>>
      %dma_wait3A_69 = tpu.memref_squeeze %dma_wait3A_68 : memref<1x128xi32, #tpu.memory_space<hbm>> -> memref<128xi32, #tpu.memory_space<hbm>>
      %dma_wait3A_70 = arith.constant 0 : i32
      %dma_wait3A_71 = tpu.memref_slice %arg5[%mul3A_0, %dma_wait3A_70] : memref<2528x128xi32, #tpu.memory_space<hbm>> -> memref<1x128xi32, #tpu.memory_space<hbm>>
      %dma_wait3A_72 = tpu.memref_squeeze %dma_wait3A_71 : memref<1x128xi32, #tpu.memory_space<hbm>> -> memref<128xi32, #tpu.memory_space<hbm>>
      tpu.wait_dma2 semaphore(%arg21 : memref<!tpu.dma_semaphore, #tpu.memory_space<semaphore_mem>>) src(%dma_wait3A_72 : memref<128xi32, #tpu.memory_space<hbm>>) dst(%arg12 : memref<128xi32, #tpu.memory_space<vmem>>)
      %barrier3A_73 = arith.constant 0 : index
      tpu.barrier barrier_id(%barrier3A_73)
      %mul3A_74 = arith.constant 640 : i32
      %mul3A_75 = arith.muli %arg1, %mul3A_74 : i32
      %mul3A_76 = arith.constant 640 : i32
      %mul3A_77 = arith.muli %arg1, %mul3A_76 : i32
      "tpu.region"() ({
        %run_scoped3A = tpu.sem_alloc : memref<!tpu.dma_semaphore, #tpu.memory_space<semaphore_mem>>
        %dma_start3A_78 = arith.constant 0 : i32
        %dma_start3A_79 = tpu.memref_slice %arg7[%mul3A_77, %dma_start3A_78] : memref<10240x128xf32, #tpu.memory_space<hbm>> -> memref<640x128xf32, #tpu.memory_space<hbm>>
        %dma_start3A_80 = arith.constant 0 : i32
        %dma_start3A_81 = tpu.memref_slice %arg15[%mul3A_75, %dma_start3A_80] : memref<10240x128xf32, #tpu.memory_space<vmem_shared>> -> memref<640x128xf32, #tpu.memory_space<vmem_shared>>
        tpu.enqueue_dma source(%dma_start3A_81 : memref<640x128xf32, #tpu.memory_space<vmem_shared>>) target(%dma_start3A_79 : memref<640x128xf32, #tpu.memory_space<hbm>>) target_semaphore(%run_scoped3A : memref<!tpu.dma_semaphore, #tpu.memory_space<semaphore_mem>>)
        %dma_wait3A_82 = arith.constant 0 : i32
        %dma_wait3A_83 = tpu.memref_slice %arg7[%mul3A_77, %dma_wait3A_82] : memref<10240x128xf32, #tpu.memory_space<hbm>> -> memref<640x128xf32, #tpu.memory_space<hbm>>
        %dma_wait3A_84 = arith.constant 0 : i32
        %dma_wait3A_85 = tpu.memref_slice %arg15[%mul3A_75, %dma_wait3A_84] : memref<10240x128xf32, #tpu.memory_space<vmem_shared>> -> memref<640x128xf32, #tpu.memory_space<vmem_shared>>
        tpu.wait_dma2 semaphore(%run_scoped3A : memref<!tpu.dma_semaphore, #tpu.memory_space<semaphore_mem>>) src(%dma_wait3A_85 : memref<640x128xf32, #tpu.memory_space<vmem_shared>>) dst(%dma_wait3A_83 : memref<640x128xf32, #tpu.memory_space<hbm>>)
        tpu.yield
      }) : () -> ()
    } else {
    }
    %eq3A_35 = arith.constant 1 : i32
    %eq3A_36 = arith.cmpi eq, %arg0, %eq3A_35 : i32
    %convert_element_type3A_37 = arith.extui %eq3A_36 : i1 to i32
    %cond3A_38 = arith.constant 0 : i32
    %cond3A_39 = arith.cmpi ne, %convert_element_type3A_37, %cond3A_38 : i32
    scf.if %cond3A_39 {
      %dma_wait3A = arith.constant 0 : i32
      %dma_wait3A_40 = tpu.memref_slice %arg4[%mul3A_0, %dma_wait3A] : memref<2528x128xi32, #tpu.memory_space<hbm>> -> memref<1x128xi32, #tpu.memory_space<hbm>>
      %dma_wait3A_41 = tpu.memref_squeeze %dma_wait3A_40 : memref<1x128xi32, #tpu.memory_space<hbm>> -> memref<128xi32, #tpu.memory_space<hbm>>
      %dma_wait3A_42 = arith.constant 0 : i32
      %dma_wait3A_43 = tpu.memref_slice %arg4[%mul3A_0, %dma_wait3A_42] : memref<2528x128xi32, #tpu.memory_space<hbm>> -> memref<1x128xi32, #tpu.memory_space<hbm>>
      %dma_wait3A_44 = tpu.memref_squeeze %dma_wait3A_43 : memref<1x128xi32, #tpu.memory_space<hbm>> -> memref<128xi32, #tpu.memory_space<hbm>>
      tpu.wait_dma2 semaphore(%arg18 : memref<!tpu.dma_semaphore, #tpu.memory_space<semaphore_mem>>) src(%dma_wait3A_44 : memref<128xi32, #tpu.memory_space<hbm>>) dst(%arg9 : memref<128xi32, #tpu.memory_space<vmem>>)
      %dma_start3A_45 = arith.constant 0 : i32
      %dma_start3A_46 = arith.constant 0 : i32
      %dma_start3A_47 = tpu.memref_slice %arg3[%dma_start3A_45, %dma_start3A_46] : memref<10000x128xf32, #tpu.memory_space<hbm>> -> memref<10000x128xf32, #tpu.memory_space<hbm>>
      tpu.enqueue_indirect_dma source(%dma_start3A_47 : memref<10000x128xf32, #tpu.memory_space<hbm>>) target(%arg13 : memref<128x128xf32, #tpu.memory_space<vmem>>) offsets(%arg9 : memref<128xi32, #tpu.memory_space<vmem>>) semaphore(%arg16 : memref<!tpu.dma_semaphore, #tpu.memory_space<semaphore_mem>>)
      %scan3A = arith.constant 0 : i32
      %scan3A_48 = arith.constant 78 : i32
      %scan3A_49 = arith.addi %scan3A, %scan3A_48 : i32
      %scan3A_50 = arith.constant 1 : i32
      scf.for %scan3A_78 = %scan3A to %scan3A_49 step %scan3A_50  : i32 {
        %mul3A_79 = arith.constant 1 : i32
        %mul3A_80 = arith.muli %scan3A_78, %mul3A_79 : i32
        %add3A_81 = arith.constant 0 : i32
        %add3A_82 = arith.addi %add3A_81, %mul3A_80 : i32
        %mul3A_83 = arith.constant 2 : i32
        %mul3A_84 = arith.muli %mul3A_83, %add3A_82 : i32
        %dma_wait3A_85 = arith.constant 0 : i32
        %dma_wait3A_86 = tpu.memref_slice %arg4[%mul3A_0, %dma_wait3A_85] : memref<2528x128xi32, #tpu.memory_space<hbm>> -> memref<1x128xi32, #tpu.memory_space<hbm>>
        %dma_wait3A_87 = tpu.memref_squeeze %dma_wait3A_86 : memref<1x128xi32, #tpu.memory_space<hbm>> -> memref<128xi32, #tpu.memory_space<hbm>>
        %dma_wait3A_88 = arith.constant 0 : i32
        %dma_wait3A_89 = tpu.memref_slice %arg4[%mul3A_0, %dma_wait3A_88] : memref<2528x128xi32, #tpu.memory_space<hbm>> -> memref<1x128xi32, #tpu.memory_space<hbm>>
        %dma_wait3A_90 = tpu.memref_squeeze %dma_wait3A_89 : memref<1x128xi32, #tpu.memory_space<hbm>> -> memref<128xi32, #tpu.memory_space<hbm>>
        tpu.wait_dma2 semaphore(%arg19 : memref<!tpu.dma_semaphore, #tpu.memory_space<semaphore_mem>>) src(%dma_wait3A_90 : memref<128xi32, #tpu.memory_space<hbm>>) dst(%arg10 : memref<128xi32, #tpu.memory_space<vmem>>)
        %dma_start3A_91 = arith.constant 0 : i32
        %dma_start3A_92 = arith.constant 0 : i32
        %dma_start3A_93 = tpu.memref_slice %arg3[%dma_start3A_91, %dma_start3A_92] : memref<10000x128xf32, #tpu.memory_space<hbm>> -> memref<10000x128xf32, #tpu.memory_space<hbm>>
        tpu.enqueue_indirect_dma source(%dma_start3A_93 : memref<10000x128xf32, #tpu.memory_space<hbm>>) target(%arg14 : memref<128x128xf32, #tpu.memory_space<vmem>>) offsets(%arg10 : memref<128xi32, #tpu.memory_space<vmem>>) semaphore(%arg17 : memref<!tpu.dma_semaphore, #tpu.memory_space<semaphore_mem>>)
        %dma_wait3A_94 = arith.constant 0 : i32
        %dma_wait3A_95 = arith.constant 0 : i32
        %dma_wait3A_96 = tpu.memref_slice %arg3[%dma_wait3A_94, %dma_wait3A_95] : memref<10000x128xf32, #tpu.memory_space<hbm>> -> memref<10000x128xf32, #tpu.memory_space<hbm>>
        tpu.wait_indirect_dma semaphore(%arg16 : memref<!tpu.dma_semaphore, #tpu.memory_space<semaphore_mem>>) src(%dma_wait3A_96 : memref<10000x128xf32, #tpu.memory_space<hbm>>) dst(%arg13 : memref<128x128xf32, #tpu.memory_space<vmem>>)
        %add3A_97 = arith.constant 2 : i32
        %add3A_98 = arith.addi %mul3A_84, %add3A_97 : i32
        %add3A_99 = arith.addi %mul3A_0, %add3A_98 : i32
        %dma_start3A_100 = arith.constant 0 : i32
        %dma_start3A_101 = tpu.memref_slice %arg4[%add3A_99, %dma_start3A_100] : memref<2528x128xi32, #tpu.memory_space<hbm>> -> memref<1x128xi32, #tpu.memory_space<hbm>>
        %dma_start3A_102 = tpu.memref_squeeze %dma_start3A_101 : memref<1x128xi32, #tpu.memory_space<hbm>> -> memref<128xi32, #tpu.memory_space<hbm>>
        %dma_start3A_103 = arith.constant 0 : i32
        %dma_start3A_104 = tpu.memref_slice %arg4[%add3A_99, %dma_start3A_103] : memref<2528x128xi32, #tpu.memory_space<hbm>> -> memref<1x128xi32, #tpu.memory_space<hbm>>
        %dma_start3A_105 = tpu.memref_squeeze %dma_start3A_104 : memref<1x128xi32, #tpu.memory_space<hbm>> -> memref<128xi32, #tpu.memory_space<hbm>>
        tpu.enqueue_dma source(%dma_start3A_105 : memref<128xi32, #tpu.memory_space<hbm>>) target(%arg9 : memref<128xi32, #tpu.memory_space<vmem>>) target_semaphore(%arg18 : memref<!tpu.dma_semaphore, #tpu.memory_space<semaphore_mem>>)
        %dma_wait3A_106 = arith.constant 0 : i32
        %dma_wait3A_107 = tpu.memref_slice %arg5[%mul3A_0, %dma_wait3A_106] : memref<2528x128xi32, #tpu.memory_space<hbm>> -> memref<1x128xi32, #tpu.memory_space<hbm>>
        %dma_wait3A_108 = tpu.memref_squeeze %dma_wait3A_107 : memref<1x128xi32, #tpu.memory_space<hbm>> -> memref<128xi32, #tpu.memory_space<hbm>>
        %dma_wait3A_109 = arith.constant 0 : i32
        %dma_wait3A_110 = tpu.memref_slice %arg5[%mul3A_0, %dma_wait3A_109] : memref<2528x128xi32, #tpu.memory_space<hbm>> -> memref<1x128xi32, #tpu.memory_space<hbm>>
        %dma_wait3A_111 = tpu.memref_squeeze %dma_wait3A_110 : memref<1x128xi32, #tpu.memory_space<hbm>> -> memref<128xi32, #tpu.memory_space<hbm>>
        tpu.wait_dma2 semaphore(%arg20 : memref<!tpu.dma_semaphore, #tpu.memory_space<semaphore_mem>>) src(%dma_wait3A_111 : memref<128xi32, #tpu.memory_space<hbm>>) dst(%arg11 : memref<128xi32, #tpu.memory_space<vmem>>)
        "tpu.region"() ({
          %run_scoped3A = tpu.sem_alloc : memref<!tpu.dma_semaphore, #tpu.memory_space<semaphore_mem>>
          %dma_start3A_157 = arith.constant 0 : i32
          %dma_start3A_158 = arith.constant 0 : i32
          %dma_start3A_159 = tpu.memref_slice %arg15[%dma_start3A_157, %dma_start3A_158] : memref<10240x128xf32, #tpu.memory_space<vmem_shared>> -> memref<10240x128xf32, #tpu.memory_space<vmem_shared>>
          tpu.enqueue_indirect_dma source(%arg13 : memref<128x128xf32, #tpu.memory_space<vmem>>) target(%dma_start3A_159 : memref<10240x128xf32, #tpu.memory_space<vmem_shared>>) offsets(%arg11 : memref<128xi32, #tpu.memory_space<vmem>>) semaphore(%run_scoped3A : memref<!tpu.dma_semaphore, #tpu.memory_space<semaphore_mem>>) {add = true}
          %dma_wait3A_160 = arith.constant 0 : i32
          %dma_wait3A_161 = arith.constant 0 : i32
          %dma_wait3A_162 = tpu.memref_slice %arg15[%dma_wait3A_160, %dma_wait3A_161] : memref<10240x128xf32, #tpu.memory_space<vmem_shared>> -> memref<10240x128xf32, #tpu.memory_space<vmem_shared>>
          tpu.wait_indirect_dma semaphore(%run_scoped3A : memref<!tpu.dma_semaphore, #tpu.memory_space<semaphore_mem>>) src(%arg13 : memref<128x128xf32, #tpu.memory_space<vmem>>) dst(%dma_wait3A_162 : memref<10240x128xf32, #tpu.memory_space<vmem_shared>>)
          tpu.yield
        }) : () -> ()
        %add3A_112 = arith.constant 2 : i32
        %add3A_113 = arith.addi %mul3A_84, %add3A_112 : i32
        %add3A_114 = arith.addi %mul3A_0, %add3A_113 : i32
        %dma_start3A_115 = arith.constant 0 : i32
        %dma_start3A_116 = tpu.memref_slice %arg5[%add3A_114, %dma_start3A_115] : memref<2528x128xi32, #tpu.memory_space<hbm>> -> memref<1x128xi32, #tpu.memory_space<hbm>>
        %dma_start3A_117 = tpu.memref_squeeze %dma_start3A_116 : memref<1x128xi32, #tpu.memory_space<hbm>> -> memref<128xi32, #tpu.memory_space<hbm>>
        %dma_start3A_118 = arith.constant 0 : i32
        %dma_start3A_119 = tpu.memref_slice %arg5[%add3A_114, %dma_start3A_118] : memref<2528x128xi32, #tpu.memory_space<hbm>> -> memref<1x128xi32, #tpu.memory_space<hbm>>
        %dma_start3A_120 = tpu.memref_squeeze %dma_start3A_119 : memref<1x128xi32, #tpu.memory_space<hbm>> -> memref<128xi32, #tpu.memory_space<hbm>>
        tpu.enqueue_dma source(%dma_start3A_120 : memref<128xi32, #tpu.memory_space<hbm>>) target(%arg11 : memref<128xi32, #tpu.memory_space<vmem>>) target_semaphore(%arg20 : memref<!tpu.dma_semaphore, #tpu.memory_space<semaphore_mem>>)
        %dma_wait3A_121 = arith.constant 0 : i32
        %dma_wait3A_122 = tpu.memref_slice %arg4[%mul3A_0, %dma_wait3A_121] : memref<2528x128xi32, #tpu.memory_space<hbm>> -> memref<1x128xi32, #tpu.memory_space<hbm>>
        %dma_wait3A_123 = tpu.memref_squeeze %dma_wait3A_122 : memref<1x128xi32, #tpu.memory_space<hbm>> -> memref<128xi32, #tpu.memory_space<hbm>>
        %dma_wait3A_124 = arith.constant 0 : i32
        %dma_wait3A_125 = tpu.memref_slice %arg4[%mul3A_0, %dma_wait3A_124] : memref<2528x128xi32, #tpu.memory_space<hbm>> -> memref<1x128xi32, #tpu.memory_space<hbm>>
        %dma_wait3A_126 = tpu.memref_squeeze %dma_wait3A_125 : memref<1x128xi32, #tpu.memory_space<hbm>> -> memref<128xi32, #tpu.memory_space<hbm>>
        tpu.wait_dma2 semaphore(%arg18 : memref<!tpu.dma_semaphore, #tpu.memory_space<semaphore_mem>>) src(%dma_wait3A_126 : memref<128xi32, #tpu.memory_space<hbm>>) dst(%arg9 : memref<128xi32, #tpu.memory_space<vmem>>)
        %dma_start3A_127 = arith.constant 0 : i32
        %dma_start3A_128 = arith.constant 0 : i32
        %dma_start3A_129 = tpu.memref_slice %arg3[%dma_start3A_127, %dma_start3A_128] : memref<10000x128xf32, #tpu.memory_space<hbm>> -> memref<10000x128xf32, #tpu.memory_space<hbm>>
        tpu.enqueue_indirect_dma source(%dma_start3A_129 : memref<10000x128xf32, #tpu.memory_space<hbm>>) target(%arg13 : memref<128x128xf32, #tpu.memory_space<vmem>>) offsets(%arg9 : memref<128xi32, #tpu.memory_space<vmem>>) semaphore(%arg16 : memref<!tpu.dma_semaphore, #tpu.memory_space<semaphore_mem>>)
        %dma_wait3A_130 = arith.constant 0 : i32
        %dma_wait3A_131 = arith.constant 0 : i32
        %dma_wait3A_132 = tpu.memref_slice %arg3[%dma_wait3A_130, %dma_wait3A_131] : memref<10000x128xf32, #tpu.memory_space<hbm>> -> memref<10000x128xf32, #tpu.memory_space<hbm>>
        tpu.wait_indirect_dma semaphore(%arg17 : memref<!tpu.dma_semaphore, #tpu.memory_space<semaphore_mem>>) src(%dma_wait3A_132 : memref<10000x128xf32, #tpu.memory_space<hbm>>) dst(%arg14 : memref<128x128xf32, #tpu.memory_space<vmem>>)
        %add3A_133 = arith.constant 3 : i32
        %add3A_134 = arith.addi %mul3A_84, %add3A_133 : i32
        %add3A_135 = arith.addi %mul3A_0, %add3A_134 : i32
        %dma_start3A_136 = arith.constant 0 : i32
        %dma_start3A_137 = tpu.memref_slice %arg4[%add3A_135, %dma_start3A_136] : memref<2528x128xi32, #tpu.memory_space<hbm>> -> memref<1x128xi32, #tpu.memory_space<hbm>>
        %dma_start3A_138 = tpu.memref_squeeze %dma_start3A_137 : memref<1x128xi32, #tpu.memory_space<hbm>> -> memref<128xi32, #tpu.memory_space<hbm>>
        %dma_start3A_139 = arith.constant 0 : i32
        %dma_start3A_140 = tpu.memref_slice %arg4[%add3A_135, %dma_start3A_139] : memref<2528x128xi32, #tpu.memory_space<hbm>> -> memref<1x128xi32, #tpu.memory_space<hbm>>
        %dma_start3A_141 = tpu.memref_squeeze %dma_start3A_140 : memref<1x128xi32, #tpu.memory_space<hbm>> -> memref<128xi32, #tpu.memory_space<hbm>>
        tpu.enqueue_dma source(%dma_start3A_141 : memref<128xi32, #tpu.memory_space<hbm>>) target(%arg10 : memref<128xi32, #tpu.memory_space<vmem>>) target_semaphore(%arg19 : memref<!tpu.dma_semaphore, #tpu.memory_space<semaphore_mem>>)
        %dma_wait3A_142 = arith.constant 0 : i32
        %dma_wait3A_143 = tpu.memref_slice %arg5[%mul3A_0, %dma_wait3A_142] : memref<2528x128xi32, #tpu.memory_space<hbm>> -> memref<1x128xi32, #tpu.memory_space<hbm>>
        %dma_wait3A_144 = tpu.memref_squeeze %dma_wait3A_143 : memref<1x128xi32, #tpu.memory_space<hbm>> -> memref<128xi32, #tpu.memory_space<hbm>>
        %dma_wait3A_145 = arith.constant 0 : i32
        %dma_wait3A_146 = tpu.memref_slice %arg5[%mul3A_0, %dma_wait3A_145] : memref<2528x128xi32, #tpu.memory_space<hbm>> -> memref<1x128xi32, #tpu.memory_space<hbm>>
        %dma_wait3A_147 = tpu.memref_squeeze %dma_wait3A_146 : memref<1x128xi32, #tpu.memory_space<hbm>> -> memref<128xi32, #tpu.memory_space<hbm>>
        tpu.wait_dma2 semaphore(%arg21 : memref<!tpu.dma_semaphore, #tpu.memory_space<semaphore_mem>>) src(%dma_wait3A_147 : memref<128xi32, #tpu.memory_space<hbm>>) dst(%arg12 : memref<128xi32, #tpu.memory_space<vmem>>)
        "tpu.region"() ({
          %run_scoped3A = tpu.sem_alloc : memref<!tpu.dma_semaphore, #tpu.memory_space<semaphore_mem>>
          %dma_start3A_157 = arith.constant 0 : i32
          %dma_start3A_158 = arith.constant 0 : i32
          %dma_start3A_159 = tpu.memref_slice %arg15[%dma_start3A_157, %dma_start3A_158] : memref<10240x128xf32, #tpu.memory_space<vmem_shared>> -> memref<10240x128xf32, #tpu.memory_space<vmem_shared>>
          tpu.enqueue_indirect_dma source(%arg14 : memref<128x128xf32, #tpu.memory_space<vmem>>) target(%dma_start3A_159 : memref<10240x128xf32, #tpu.memory_space<vmem_shared>>) offsets(%arg12 : memref<128xi32, #tpu.memory_space<vmem>>) semaphore(%run_scoped3A : memref<!tpu.dma_semaphore, #tpu.memory_space<semaphore_mem>>) {add = true}
          %dma_wait3A_160 = arith.constant 0 : i32
          %dma_wait3A_161 = arith.constant 0 : i32
          %dma_wait3A_162 = tpu.memref_slice %arg15[%dma_wait3A_160, %dma_wait3A_161] : memref<10240x128xf32, #tpu.memory_space<vmem_shared>> -> memref<10240x128xf32, #tpu.memory_space<vmem_shared>>
          tpu.wait_indirect_dma semaphore(%run_scoped3A : memref<!tpu.dma_semaphore, #tpu.memory_space<semaphore_mem>>) src(%arg14 : memref<128x128xf32, #tpu.memory_space<vmem>>) dst(%dma_wait3A_162 : memref<10240x128xf32, #tpu.memory_space<vmem_shared>>)
          tpu.yield
        }) : () -> ()
        %add3A_148 = arith.constant 3 : i32
        %add3A_149 = arith.addi %mul3A_84, %add3A_148 : i32
        %add3A_150 = arith.addi %mul3A_0, %add3A_149 : i32
        %dma_start3A_151 = arith.constant 0 : i32
        %dma_start3A_152 = tpu.memref_slice %arg5[%add3A_150, %dma_start3A_151] : memref<2528x128xi32, #tpu.memory_space<hbm>> -> memref<1x128xi32, #tpu.memory_space<hbm>>
        %dma_start3A_153 = tpu.memref_squeeze %dma_start3A_152 : memref<1x128xi32, #tpu.memory_space<hbm>> -> memref<128xi32, #tpu.memory_space<hbm>>
        %dma_start3A_154 = arith.constant 0 : i32
        %dma_start3A_155 = tpu.memref_slice %arg5[%add3A_150, %dma_start3A_154] : memref<2528x128xi32, #tpu.memory_space<hbm>> -> memref<1x128xi32, #tpu.memory_space<hbm>>
        %dma_start3A_156 = tpu.memref_squeeze %dma_start3A_155 : memref<1x128xi32, #tpu.memory_space<hbm>> -> memref<128xi32, #tpu.memory_space<hbm>>
        tpu.enqueue_dma source(%dma_start3A_156 : memref<128xi32, #tpu.memory_space<hbm>>) target(%arg12 : memref<128xi32, #tpu.memory_space<vmem>>) target_semaphore(%arg21 : memref<!tpu.dma_semaphore, #tpu.memory_space<semaphore_mem>>)
      }
      %scan3A_51 = arith.constant 78 : i32
      %dma_wait3A_52 = arith.constant 0 : i32
      %dma_wait3A_53 = arith.constant 0 : i32
      %dma_wait3A_54 = tpu.memref_slice %arg3[%dma_wait3A_52, %dma_wait3A_53] : memref<10000x128xf32, #tpu.memory_space<hbm>> -> memref<10000x128xf32, #tpu.memory_space<hbm>>
      tpu.wait_indirect_dma semaphore(%arg16 : memref<!tpu.dma_semaphore, #tpu.memory_space<semaphore_mem>>) src(%dma_wait3A_54 : memref<10000x128xf32, #tpu.memory_space<hbm>>) dst(%arg13 : memref<128x128xf32, #tpu.memory_space<vmem>>)
      %dma_wait3A_55 = arith.constant 0 : i32
      %dma_wait3A_56 = tpu.memref_slice %arg5[%mul3A_0, %dma_wait3A_55] : memref<2528x128xi32, #tpu.memory_space<hbm>> -> memref<1x128xi32, #tpu.memory_space<hbm>>
      %dma_wait3A_57 = tpu.memref_squeeze %dma_wait3A_56 : memref<1x128xi32, #tpu.memory_space<hbm>> -> memref<128xi32, #tpu.memory_space<hbm>>
      %dma_wait3A_58 = arith.constant 0 : i32
      %dma_wait3A_59 = tpu.memref_slice %arg5[%mul3A_0, %dma_wait3A_58] : memref<2528x128xi32, #tpu.memory_space<hbm>> -> memref<1x128xi32, #tpu.memory_space<hbm>>
      %dma_wait3A_60 = tpu.memref_squeeze %dma_wait3A_59 : memref<1x128xi32, #tpu.memory_space<hbm>> -> memref<128xi32, #tpu.memory_space<hbm>>
      tpu.wait_dma2 semaphore(%arg20 : memref<!tpu.dma_semaphore, #tpu.memory_space<semaphore_mem>>) src(%dma_wait3A_60 : memref<128xi32, #tpu.memory_space<hbm>>) dst(%arg11 : memref<128xi32, #tpu.memory_space<vmem>>)
      "tpu.region"() ({
        %run_scoped3A = tpu.sem_alloc : memref<!tpu.dma_semaphore, #tpu.memory_space<semaphore_mem>>
        %dma_start3A_78 = arith.constant 0 : i32
        %dma_start3A_79 = arith.constant 0 : i32
        %dma_start3A_80 = tpu.memref_slice %arg15[%dma_start3A_78, %dma_start3A_79] : memref<10240x128xf32, #tpu.memory_space<vmem_shared>> -> memref<10240x128xf32, #tpu.memory_space<vmem_shared>>
        tpu.enqueue_indirect_dma source(%arg13 : memref<128x128xf32, #tpu.memory_space<vmem>>) target(%dma_start3A_80 : memref<10240x128xf32, #tpu.memory_space<vmem_shared>>) offsets(%arg11 : memref<128xi32, #tpu.memory_space<vmem>>) semaphore(%run_scoped3A : memref<!tpu.dma_semaphore, #tpu.memory_space<semaphore_mem>>) {add = true}
        %dma_wait3A_81 = arith.constant 0 : i32
        %dma_wait3A_82 = arith.constant 0 : i32
        %dma_wait3A_83 = tpu.memref_slice %arg15[%dma_wait3A_81, %dma_wait3A_82] : memref<10240x128xf32, #tpu.memory_space<vmem_shared>> -> memref<10240x128xf32, #tpu.memory_space<vmem_shared>>
        tpu.wait_indirect_dma semaphore(%run_scoped3A : memref<!tpu.dma_semaphore, #tpu.memory_space<semaphore_mem>>) src(%arg13 : memref<128x128xf32, #tpu.memory_space<vmem>>) dst(%dma_wait3A_83 : memref<10240x128xf32, #tpu.memory_space<vmem_shared>>)
        tpu.yield
      }) : () -> ()
      %dma_wait3A_61 = arith.constant 0 : i32
      %dma_wait3A_62 = tpu.memref_slice %arg4[%mul3A_0, %dma_wait3A_61] : memref<2528x128xi32, #tpu.memory_space<hbm>> -> memref<1x128xi32, #tpu.memory_space<hbm>>
      %dma_wait3A_63 = tpu.memref_squeeze %dma_wait3A_62 : memref<1x128xi32, #tpu.memory_space<hbm>> -> memref<128xi32, #tpu.memory_space<hbm>>
      %dma_wait3A_64 = arith.constant 0 : i32
      %dma_wait3A_65 = tpu.memref_slice %arg4[%mul3A_0, %dma_wait3A_64] : memref<2528x128xi32, #tpu.memory_space<hbm>> -> memref<1x128xi32, #tpu.memory_space<hbm>>
      %dma_wait3A_66 = tpu.memref_squeeze %dma_wait3A_65 : memref<1x128xi32, #tpu.memory_space<hbm>> -> memref<128xi32, #tpu.memory_space<hbm>>
      tpu.wait_dma2 semaphore(%arg19 : memref<!tpu.dma_semaphore, #tpu.memory_space<semaphore_mem>>) src(%dma_wait3A_66 : memref<128xi32, #tpu.memory_space<hbm>>) dst(%arg10 : memref<128xi32, #tpu.memory_space<vmem>>)
      %dma_wait3A_67 = arith.constant 0 : i32
      %dma_wait3A_68 = tpu.memref_slice %arg5[%mul3A_0, %dma_wait3A_67] : memref<2528x128xi32, #tpu.memory_space<hbm>> -> memref<1x128xi32, #tpu.memory_space<hbm>>
      %dma_wait3A_69 = tpu.memref_squeeze %dma_wait3A_68 : memref<1x128xi32, #tpu.memory_space<hbm>> -> memref<128xi32, #tpu.memory_space<hbm>>
      %dma_wait3A_70 = arith.constant 0 : i32
      %dma_wait3A_71 = tpu.memref_slice %arg5[%mul3A_0, %dma_wait3A_70] : memref<2528x128xi32, #tpu.memory_space<hbm>> -> memref<1x128xi32, #tpu.memory_space<hbm>>
      %dma_wait3A_72 = tpu.memref_squeeze %dma_wait3A_71 : memref<1x128xi32, #tpu.memory_space<hbm>> -> memref<128xi32, #tpu.memory_space<hbm>>
      tpu.wait_dma2 semaphore(%arg21 : memref<!tpu.dma_semaphore, #tpu.memory_space<semaphore_mem>>) src(%dma_wait3A_72 : memref<128xi32, #tpu.memory_space<hbm>>) dst(%arg12 : memref<128xi32, #tpu.memory_space<vmem>>)
      %barrier3A_73 = arith.constant 0 : index
      tpu.barrier barrier_id(%barrier3A_73)
      %mul3A_74 = arith.constant 640 : i32
      %mul3A_75 = arith.muli %arg1, %mul3A_74 : i32
      %mul3A_76 = arith.constant 640 : i32
      %mul3A_77 = arith.muli %arg1, %mul3A_76 : i32
      "tpu.region"() ({
        %run_scoped3A = tpu.sem_alloc : memref<!tpu.dma_semaphore, #tpu.memory_space<semaphore_mem>>
        %dma_start3A_78 = arith.constant 0 : i32
        %dma_start3A_79 = tpu.memref_slice %arg8[%mul3A_77, %dma_start3A_78] : memref<10240x128xf32, #tpu.memory_space<hbm>> -> memref<640x128xf32, #tpu.memory_space<hbm>>
        %dma_start3A_80 = arith.constant 0 : i32
        %dma_start3A_81 = tpu.memref_slice %arg15[%mul3A_75, %dma_start3A_80] : memref<10240x128xf32, #tpu.memory_space<vmem_shared>> -> memref<640x128xf32, #tpu.memory_space<vmem_shared>>
        tpu.enqueue_dma source(%dma_start3A_81 : memref<640x128xf32, #tpu.memory_space<vmem_shared>>) target(%dma_start3A_79 : memref<640x128xf32, #tpu.memory_space<hbm>>) target_semaphore(%run_scoped3A : memref<!tpu.dma_semaphore, #tpu.memory_space<semaphore_mem>>)
        %dma_wait3A_82 = arith.constant 0 : i32
        %dma_wait3A_83 = tpu.memref_slice %arg8[%mul3A_77, %dma_wait3A_82] : memref<10240x128xf32, #tpu.memory_space<hbm>> -> memref<640x128xf32, #tpu.memory_space<hbm>>
        %dma_wait3A_84 = arith.constant 0 : i32
        %dma_wait3A_85 = tpu.memref_slice %arg15[%mul3A_75, %dma_wait3A_84] : memref<10240x128xf32, #tpu.memory_space<vmem_shared>> -> memref<640x128xf32, #tpu.memory_space<vmem_shared>>
        tpu.wait_dma2 semaphore(%run_scoped3A : memref<!tpu.dma_semaphore, #tpu.memory_space<semaphore_mem>>) src(%dma_wait3A_85 : memref<640x128xf32, #tpu.memory_space<vmem_shared>>) dst(%dma_wait3A_83 : memref<640x128xf32, #tpu.memory_space<hbm>>)
        tpu.yield
      }) : () -> ()
    } else {
    }
    return
  }
}

#map = affine_map<(d0, d1) -> (0, 0, 0)>
#map1 = affine_map<(d0, d1) -> (0, 0)>
module attributes {stable_mosaic.version = 14 : i64} {
  func.func @_sc_degree(%arg0: i32, %arg1: i32, %arg2: memref<32x79x128xi32, #tpu.memory_space<hbm>>, %arg3: memref<640x128xf32, #tpu.memory_space<hbm>>, %arg4: memref<128x128xf32, #tpu.memory_space<hbm>>, %arg5: memref<20480x128xf32, #tpu.memory_space<hbm>>, %arg6: memref<79x128xi32, #tpu.memory_space<vmem>>, %arg7: memref<128x128xf32, #tpu.memory_space<vmem>>, %arg8: memref<10240x128xf32, #tpu.memory_space<vmem_shared>>) attributes {dimension_semantics = [#tpu.dimension_semantics<core_parallel>, #tpu.dimension_semantics<subcore_parallel>], iteration_bounds = array<i64: 2, 16>, scalar_prefetch = 0 : i64, scratch_operands = 3 : i64, tpu.core_type = #tpu.core_type<sc_vector_subcore>, window_params = [{transform_indices = #map}, {transform_indices = #map1}, {transform_indices = #map1}, {transform_indices = #map1}]} {
    "tpu.region"() ({
      %run_scoped3A = tpu.sem_alloc : memref<!tpu.dma_semaphore, #tpu.memory_space<semaphore_mem>>
      tpu.enqueue_dma source(%arg4 : memref<128x128xf32, #tpu.memory_space<hbm>>) target(%arg7 : memref<128x128xf32, #tpu.memory_space<vmem>>) target_semaphore(%run_scoped3A : memref<!tpu.dma_semaphore, #tpu.memory_space<semaphore_mem>>)
      tpu.wait_dma2 semaphore(%run_scoped3A : memref<!tpu.dma_semaphore, #tpu.memory_space<semaphore_mem>>) src(%arg4 : memref<128x128xf32, #tpu.memory_space<hbm>>) dst(%arg7 : memref<128x128xf32, #tpu.memory_space<vmem>>)
      tpu.yield
    }) : () -> ()
    %mul3A = arith.constant 16 : i32
    %mul3A_0 = arith.muli %arg0, %mul3A : i32
    %add3A = arith.addi %mul3A_0, %arg1 : i32
    "tpu.region"() ({
      %run_scoped3A = tpu.sem_alloc : memref<!tpu.dma_semaphore, #tpu.memory_space<semaphore_mem>>
      %dma_start3A = arith.constant 0 : i32
      %dma_start3A_15 = arith.constant 0 : i32
      %dma_start3A_16 = tpu.memref_slice %arg2[%add3A, %dma_start3A, %dma_start3A_15] : memref<32x79x128xi32, #tpu.memory_space<hbm>> -> memref<1x79x128xi32, #tpu.memory_space<hbm>>
      %dma_start3A_17 = tpu.memref_squeeze %dma_start3A_16 : memref<1x79x128xi32, #tpu.memory_space<hbm>> -> memref<79x128xi32, #tpu.memory_space<hbm>>
      %dma_start3A_18 = arith.constant 0 : i32
      %dma_start3A_19 = arith.constant 0 : i32
      %dma_start3A_20 = tpu.memref_slice %arg2[%add3A, %dma_start3A_18, %dma_start3A_19] : memref<32x79x128xi32, #tpu.memory_space<hbm>> -> memref<1x79x128xi32, #tpu.memory_space<hbm>>
      %dma_start3A_21 = tpu.memref_squeeze %dma_start3A_20 : memref<1x79x128xi32, #tpu.memory_space<hbm>> -> memref<79x128xi32, #tpu.memory_space<hbm>>
      tpu.enqueue_dma source(%dma_start3A_21 : memref<79x128xi32, #tpu.memory_space<hbm>>) target(%arg6 : memref<79x128xi32, #tpu.memory_space<vmem>>) target_semaphore(%run_scoped3A : memref<!tpu.dma_semaphore, #tpu.memory_space<semaphore_mem>>)
      %dma_wait3A = arith.constant 0 : i32
      %dma_wait3A_22 = arith.constant 0 : i32
      %dma_wait3A_23 = tpu.memref_slice %arg2[%add3A, %dma_wait3A, %dma_wait3A_22] : memref<32x79x128xi32, #tpu.memory_space<hbm>> -> memref<1x79x128xi32, #tpu.memory_space<hbm>>
      %dma_wait3A_24 = tpu.memref_squeeze %dma_wait3A_23 : memref<1x79x128xi32, #tpu.memory_space<hbm>> -> memref<79x128xi32, #tpu.memory_space<hbm>>
      %dma_wait3A_25 = arith.constant 0 : i32
      %dma_wait3A_26 = arith.constant 0 : i32
      %dma_wait3A_27 = tpu.memref_slice %arg2[%add3A, %dma_wait3A_25, %dma_wait3A_26] : memref<32x79x128xi32, #tpu.memory_space<hbm>> -> memref<1x79x128xi32, #tpu.memory_space<hbm>>
      %dma_wait3A_28 = tpu.memref_squeeze %dma_wait3A_27 : memref<1x79x128xi32, #tpu.memory_space<hbm>> -> memref<79x128xi32, #tpu.memory_space<hbm>>
      tpu.wait_dma2 semaphore(%run_scoped3A : memref<!tpu.dma_semaphore, #tpu.memory_space<semaphore_mem>>) src(%dma_wait3A_28 : memref<79x128xi32, #tpu.memory_space<hbm>>) dst(%arg6 : memref<79x128xi32, #tpu.memory_space<vmem>>)
      tpu.yield
    }) : () -> ()
    %mul3A_1 = arith.constant 640 : i32
    %mul3A_2 = arith.muli %arg1, %mul3A_1 : i32
    "tpu.region"() ({
      %run_scoped3A = tpu.sem_alloc : memref<!tpu.dma_semaphore, #tpu.memory_space<semaphore_mem>>
      %dma_start3A = arith.constant 0 : i32
      %dma_start3A_15 = tpu.memref_slice %arg8[%mul3A_2, %dma_start3A] : memref<10240x128xf32, #tpu.memory_space<vmem_shared>> -> memref<640x128xf32, #tpu.memory_space<vmem_shared>>
      tpu.enqueue_dma source(%arg3 : memref<640x128xf32, #tpu.memory_space<hbm>>) target(%dma_start3A_15 : memref<640x128xf32, #tpu.memory_space<vmem_shared>>) target_semaphore(%run_scoped3A : memref<!tpu.dma_semaphore, #tpu.memory_space<semaphore_mem>>)
      %dma_wait3A = arith.constant 0 : i32
      %dma_wait3A_16 = tpu.memref_slice %arg8[%mul3A_2, %dma_wait3A] : memref<10240x128xf32, #tpu.memory_space<vmem_shared>> -> memref<640x128xf32, #tpu.memory_space<vmem_shared>>
      tpu.wait_dma2 semaphore(%run_scoped3A : memref<!tpu.dma_semaphore, #tpu.memory_space<semaphore_mem>>) src(%arg3 : memref<640x128xf32, #tpu.memory_space<hbm>>) dst(%dma_wait3A_16 : memref<640x128xf32, #tpu.memory_space<vmem_shared>>)
      tpu.yield
    }) : () -> ()
    %barrier3A = arith.constant 0 : index
    tpu.barrier barrier_id(%barrier3A)
    %scan3A = arith.constant 0 : i32
    %scan3A_3 = arith.constant 79 : i32
    %scan3A_4 = arith.addi %scan3A, %scan3A_3 : i32
    %scan3A_5 = arith.constant 1 : i32
    scf.for %scan3A_15 = %scan3A to %scan3A_4 step %scan3A_5  : i32 {
      %mul3A_16 = arith.constant 1 : i32
      %mul3A_17 = arith.muli %scan3A_15, %mul3A_16 : i32
      %add3A_18 = arith.constant 0 : i32
      %add3A_19 = arith.addi %add3A_18, %mul3A_17 : i32
      "tpu.region"() ({
        %run_scoped3A = tpu.sem_alloc : memref<!tpu.dma_semaphore, #tpu.memory_space<semaphore_mem>>
        %dma_start3A = arith.constant 0 : i32
        %dma_start3A_20 = tpu.memref_slice %arg6[%add3A_19, %dma_start3A] : memref<79x128xi32, #tpu.memory_space<vmem>> -> memref<1x128xi32, #tpu.memory_space<vmem>>
        %dma_start3A_21 = tpu.memref_squeeze %dma_start3A_20 : memref<1x128xi32, #tpu.memory_space<vmem>> -> memref<128xi32, #tpu.memory_space<vmem>>
        %dma_start3A_22 = arith.constant 0 : i32
        %dma_start3A_23 = arith.constant 0 : i32
        %dma_start3A_24 = tpu.memref_slice %arg8[%dma_start3A_22, %dma_start3A_23] : memref<10240x128xf32, #tpu.memory_space<vmem_shared>> -> memref<10240x128xf32, #tpu.memory_space<vmem_shared>>
        tpu.enqueue_indirect_dma source(%arg7 : memref<128x128xf32, #tpu.memory_space<vmem>>) target(%dma_start3A_24 : memref<10240x128xf32, #tpu.memory_space<vmem_shared>>) offsets(%dma_start3A_21 : memref<128xi32, #tpu.memory_space<vmem>>) semaphore(%run_scoped3A : memref<!tpu.dma_semaphore, #tpu.memory_space<semaphore_mem>>) {add = true}
        %dma_wait3A = arith.constant 0 : i32
        %dma_wait3A_25 = tpu.memref_slice %arg6[%add3A_19, %dma_wait3A] : memref<79x128xi32, #tpu.memory_space<vmem>> -> memref<1x128xi32, #tpu.memory_space<vmem>>
        %dma_wait3A_26 = tpu.memref_squeeze %dma_wait3A_25 : memref<1x128xi32, #tpu.memory_space<vmem>> -> memref<128xi32, #tpu.memory_space<vmem>>
        %dma_wait3A_27 = arith.constant 0 : i32
        %dma_wait3A_28 = arith.constant 0 : i32
        %dma_wait3A_29 = tpu.memref_slice %arg8[%dma_wait3A_27, %dma_wait3A_28] : memref<10240x128xf32, #tpu.memory_space<vmem_shared>> -> memref<10240x128xf32, #tpu.memory_space<vmem_shared>>
        tpu.wait_indirect_dma semaphore(%run_scoped3A : memref<!tpu.dma_semaphore, #tpu.memory_space<semaphore_mem>>) src(%arg7 : memref<128x128xf32, #tpu.memory_space<vmem>>) dst(%dma_wait3A_29 : memref<10240x128xf32, #tpu.memory_space<vmem_shared>>)
        tpu.yield
      }) : () -> ()
    }
    %scan3A_6 = arith.constant 79 : i32
    %barrier3A_7 = arith.constant 0 : index
    tpu.barrier barrier_id(%barrier3A_7)
    %mul3A_8 = arith.constant 640 : i32
    %mul3A_9 = arith.muli %arg1, %mul3A_8 : i32
    %mul3A_10 = arith.constant 10240 : i32
    %mul3A_11 = arith.muli %arg0, %mul3A_10 : i32
    %mul3A_12 = arith.constant 640 : i32
    %mul3A_13 = arith.muli %arg1, %mul3A_12 : i32
    %add3A_14 = arith.addi %mul3A_11, %mul3A_13 : i32
    "tpu.region"() ({
      %run_scoped3A = tpu.sem_alloc : memref<!tpu.dma_semaphore, #tpu.memory_space<semaphore_mem>>
      %dma_start3A = arith.constant 0 : i32
      %dma_start3A_15 = tpu.memref_slice %arg5[%add3A_14, %dma_start3A] : memref<20480x128xf32, #tpu.memory_space<hbm>> -> memref<640x128xf32, #tpu.memory_space<hbm>>
      %dma_start3A_16 = arith.constant 0 : i32
      %dma_start3A_17 = tpu.memref_slice %arg8[%mul3A_9, %dma_start3A_16] : memref<10240x128xf32, #tpu.memory_space<vmem_shared>> -> memref<640x128xf32, #tpu.memory_space<vmem_shared>>
      tpu.enqueue_dma source(%dma_start3A_17 : memref<640x128xf32, #tpu.memory_space<vmem_shared>>) target(%dma_start3A_15 : memref<640x128xf32, #tpu.memory_space<hbm>>) target_semaphore(%run_scoped3A : memref<!tpu.dma_semaphore, #tpu.memory_space<semaphore_mem>>)
      %dma_wait3A = arith.constant 0 : i32
      %dma_wait3A_18 = tpu.memref_slice %arg5[%add3A_14, %dma_wait3A] : memref<20480x128xf32, #tpu.memory_space<hbm>> -> memref<640x128xf32, #tpu.memory_space<hbm>>
      %dma_wait3A_19 = arith.constant 0 : i32
      %dma_wait3A_20 = tpu.memref_slice %arg8[%mul3A_9, %dma_wait3A_19] : memref<10240x128xf32, #tpu.memory_space<vmem_shared>> -> memref<640x128xf32, #tpu.memory_space<vmem_shared>>
      tpu.wait_dma2 semaphore(%run_scoped3A : memref<!tpu.dma_semaphore, #tpu.memory_space<semaphore_mem>>) src(%dma_wait3A_20 : memref<640x128xf32, #tpu.memory_space<vmem_shared>>) dst(%dma_wait3A_18 : memref<640x128xf32, #tpu.memory_space<hbm>>)
      tpu.yield
    }) : () -> ()
    return
  }
}

module attributes {stable_mosaic.version = 14 : i64} {
  func.func @_proj_body(%arg0: memref<10000x128xf32, #tpu.memory_space<vmem>>, %arg1: memref<128x256xf32, #tpu.memory_space<vmem>>, %arg2: memref<1x256xf32, #tpu.memory_space<vmem>>, %arg3: memref<10000x128xf32, #tpu.memory_space<vmem>>, %arg4: memref<10000x128xf32, #tpu.memory_space<vmem>>) attributes {dimension_semantics = [], scalar_prefetch = 0 : i64, scratch_operands = 0 : i64, tpu.core_type = #tpu.core_type<tc>} {
    %get3A = arith.constant 0 : index
    %get3A_0 = arith.constant 0 : index
    %get3A_1 = vector.load %arg0[%get3A, %get3A_0] : memref<10000x128xf32, #tpu.memory_space<vmem>>, vector<10000x128xf32>
    %get3A_2 = arith.constant 0 : index
    %get3A_3 = arith.constant 0 : index
    %get3A_4 = vector.load %arg1[%get3A_2, %get3A_3] : memref<128x256xf32, #tpu.memory_space<vmem>>, vector<128x256xf32>
    %dot_general3A = arith.constant dense<0.000000e+00> : vector<10000x256xf32>
    %dot_general3A_5 = tpu.matmul %get3A_1, %get3A_4, %dot_general3A {dimension_numbers = #tpu.dot_dimension_numbers<[1], [0], [0], [1], [0, 0, 1, 1], [], []>, transpose_lhs_hint = false} : vector<10000x128xf32>, vector<128x256xf32>, vector<10000x256xf32> -> vector<10000x256xf32>
    %get3A_6 = arith.constant 0 : index
    %get3A_7 = arith.constant 0 : index
    %get3A_8 = vector.load %arg2[%get3A_6, %get3A_7] : memref<1x256xf32, #tpu.memory_space<vmem>>, vector<1x256xf32>
    %add3A = vector.broadcast %get3A_8 : vector<1x256xf32> to vector<10000x256xf32>
    %add3A_9 = arith.addf %dot_general3A_5, %add3A : vector<10000x256xf32>
    %slice3A = vector.extract_strided_slice %add3A_9 {offsets = [0, 0], sizes = [10000, 128], strides = [1, 1]} : vector<10000x256xf32> to vector<10000x128xf32>
    %swap3A = arith.constant 0 : index
    %swap3A_10 = arith.constant 0 : index
    %swap3A_11 = vector.load %arg3[%swap3A, %swap3A_10] : memref<10000x128xf32, #tpu.memory_space<vmem>>, vector<10000x128xf32>
    tpu.vector_store %arg3[%swap3A, %swap3A_10], %slice3A {strides = array<i32>} : memref<10000x128xf32, #tpu.memory_space<vmem>>, vector<10000x128xf32>,
    %slice3A_12 = vector.extract_strided_slice %add3A_9 {offsets = [0, 128], sizes = [10000, 128], strides = [1, 1]} : vector<10000x256xf32> to vector<10000x128xf32>
    %swap3A_13 = arith.constant 0 : index
    %swap3A_14 = arith.constant 0 : index
    %swap3A_15 = vector.load %arg4[%swap3A_13, %swap3A_14] : memref<10000x128xf32, #tpu.memory_space<vmem>>, vector<10000x128xf32>
    tpu.vector_store %arg4[%swap3A_13, %swap3A_14], %slice3A_12 {strides = array<i32>} : memref<10000x128xf32, #tpu.memory_space<vmem>>, vector<10000x128xf32>,
    return
  }
}

module attributes {stable_mosaic.version = 14 : i64} {
  func.func @_layer_body(%arg0: memref<10240x128xf32, #tpu.memory_space<vmem>>, %arg1: memref<10240x128xf32, #tpu.memory_space<vmem>>, %arg2: memref<10000x128xf32, #tpu.memory_space<vmem>>, %arg3: memref<10000x128xf32, #tpu.memory_space<vmem>>, %arg4: memref<20480x128xf32, #tpu.memory_space<vmem>>, %arg5: memref<256x256xf32, #tpu.memory_space<vmem>>, %arg6: memref<1x256xf32, #tpu.memory_space<vmem>>, %arg7: memref<256x256xf32, #tpu.memory_space<vmem>>, %arg8: memref<1x256xf32, #tpu.memory_space<vmem>>, %arg9: memref<1x256xf32, #tpu.memory_space<vmem>>, %arg10: memref<10000x128xf32, #tpu.memory_space<vmem>>, %arg11: memref<10000x128xf32, #tpu.memory_space<vmem>>) attributes {dimension_semantics = [], scalar_prefetch = 0 : i64, scratch_operands = 0 : i64, tpu.core_type = #tpu.core_type<tc>} {
    %get3A = arith.constant 0 : index
    %get3A_0 = arith.constant 0 : index
    %get3A_1 = vector.load %arg4[%get3A, %get3A_0] : memref<20480x128xf32, #tpu.memory_space<vmem>>, vector<10000x1xf32>
    %get3A_2 = arith.constant 10240 : index
    %get3A_3 = arith.constant 0 : index
    %get3A_4 = vector.load %arg4[%get3A_2, %get3A_3] : memref<20480x128xf32, #tpu.memory_space<vmem>>, vector<10000x1xf32>
    %add3A = arith.addf %get3A_1, %get3A_4 : vector<10000x1xf32>
    %max3A = arith.constant 1.000000e+00 : f32
    %max3A_5 = vector.broadcast %max3A : f32 to vector<10000x1xf32>
    %max3A_6 = arith.maximumf %add3A, %max3A_5 : vector<10000x1xf32>
    %get3A_7 = arith.constant 0 : index
    %get3A_8 = arith.constant 0 : index
    %get3A_9 = vector.load %arg2[%get3A_7, %get3A_8] : memref<10000x128xf32, #tpu.memory_space<vmem>>, vector<10000x128xf32>
    %get3A_10 = arith.constant 0 : index
    %get3A_11 = arith.constant 0 : index
    %get3A_12 = vector.load %arg3[%get3A_10, %get3A_11] : memref<10000x128xf32, #tpu.memory_space<vmem>>, vector<10000x128xf32>
    %concatenate3A = tpu.concatenate %get3A_9, %get3A_12 in 1 : vector<10000x128xf32>, vector<10000x128xf32> -> vector<10000x256xf32>
    %get3A_13 = arith.constant 0 : index
    %get3A_14 = arith.constant 0 : index
    %get3A_15 = vector.load %arg0[%get3A_13, %get3A_14] : memref<10240x128xf32, #tpu.memory_space<vmem>>, vector<10000x128xf32>
    %div3A = vector.broadcast %max3A_6 : vector<10000x1xf32> to vector<10000x128xf32>
    %div3A_16 = arith.divf %get3A_15, %div3A : vector<10000x128xf32>
    %get3A_17 = arith.constant 0 : index
    %get3A_18 = arith.constant 0 : index
    %get3A_19 = vector.load %arg1[%get3A_17, %get3A_18] : memref<10240x128xf32, #tpu.memory_space<vmem>>, vector<10000x128xf32>
    %div3A_20 = vector.broadcast %max3A_6 : vector<10000x1xf32> to vector<10000x128xf32>
    %div3A_21 = arith.divf %get3A_19, %div3A_20 : vector<10000x128xf32>
    %concatenate3A_22 = tpu.concatenate %div3A_16, %div3A_21 in 1 : vector<10000x128xf32>, vector<10000x128xf32> -> vector<10000x256xf32>
    %get3A_23 = arith.constant 0 : index
    %get3A_24 = arith.constant 0 : index
    %get3A_25 = vector.load %arg5[%get3A_23, %get3A_24] : memref<256x256xf32, #tpu.memory_space<vmem>>, vector<256x256xf32>
    %dot_general3A = arith.constant dense<0.000000e+00> : vector<10000x256xf32>
    %dot_general3A_26 = tpu.matmul %concatenate3A_22, %get3A_25, %dot_general3A {dimension_numbers = #tpu.dot_dimension_numbers<[1], [0], [0], [1], [0, 0, 1, 1], [], []>, transpose_lhs_hint = false} : vector<10000x256xf32>, vector<256x256xf32>, vector<10000x256xf32> -> vector<10000x256xf32>
    %get3A_27 = arith.constant 0 : index
    %get3A_28 = arith.constant 0 : index
    %get3A_29 = vector.load %arg6[%get3A_27, %get3A_28] : memref<1x256xf32, #tpu.memory_space<vmem>>, vector<1x256xf32>
    %add3A_30 = vector.broadcast %get3A_29 : vector<1x256xf32> to vector<10000x256xf32>
    %add3A_31 = arith.addf %dot_general3A_26, %add3A_30 : vector<10000x256xf32>
    %get3A_32 = arith.constant 0 : index
    %get3A_33 = arith.constant 0 : index
    %get3A_34 = vector.load %arg7[%get3A_32, %get3A_33] : memref<256x256xf32, #tpu.memory_space<vmem>>, vector<256x256xf32>
    %dot_general3A_35 = arith.constant dense<0.000000e+00> : vector<10000x256xf32>
    %dot_general3A_36 = tpu.matmul %concatenate3A, %get3A_34, %dot_general3A_35 {dimension_numbers = #tpu.dot_dimension_numbers<[1], [0], [0], [1], [0, 0, 1, 1], [], []>, transpose_lhs_hint = false} : vector<10000x256xf32>, vector<256x256xf32>, vector<10000x256xf32> -> vector<10000x256xf32>
    %add3A_37 = arith.addf %add3A_31, %dot_general3A_36 : vector<10000x256xf32>
    %reduce_sum3A = arith.constant dense<0.000000e+00> : vector<256xf32>
    %reduce_sum3A_38 = vector.multi_reduction <add>, %add3A_37, %reduce_sum3A [0] : vector<10000x256xf32> to vector<256xf32>
    %broadcast_in_dim3A = vector.shape_cast %reduce_sum3A_38 : vector<256xf32> to vector<1x256xf32>
    %div3A_39 = arith.constant 1.000000e+04 : f32
    %div3A_40 = vector.broadcast %div3A_39 : f32 to vector<1x256xf32>
    %div3A_41 = arith.divf %broadcast_in_dim3A, %div3A_40 : vector<1x256xf32>
    %sub3A = vector.broadcast %div3A_41 : vector<1x256xf32> to vector<10000x256xf32>
    %sub3A_42 = arith.subf %add3A_37, %sub3A : vector<10000x256xf32>
    %integer_pow3A = arith.mulf %sub3A_42, %sub3A_42 : vector<10000x256xf32>
    %reduce_sum3A_43 = arith.constant dense<0.000000e+00> : vector<256xf32>
    %reduce_sum3A_44 = vector.multi_reduction <add>, %integer_pow3A, %reduce_sum3A_43 [0] : vector<10000x256xf32> to vector<256xf32>
    %broadcast_in_dim3A_45 = vector.shape_cast %reduce_sum3A_44 : vector<256xf32> to vector<1x256xf32>
    %div3A_46 = arith.constant 1.000000e+04 : f32
    %div3A_47 = vector.broadcast %div3A_46 : f32 to vector<1x256xf32>
    %div3A_48 = arith.divf %broadcast_in_dim3A_45, %div3A_47 : vector<1x256xf32>
    %sub3A_49 = vector.broadcast %div3A_41 : vector<1x256xf32> to vector<10000x256xf32>
    %sub3A_50 = arith.subf %add3A_37, %sub3A_49 : vector<10000x256xf32>
    %add3A_51 = arith.constant 9.99999974E-6 : f32
    %add3A_52 = vector.broadcast %add3A_51 : f32 to vector<1x256xf32>
    %add3A_53 = arith.addf %div3A_48, %add3A_52 : vector<1x256xf32>
    %rsqrt3A = math.rsqrt %add3A_53 : vector<1x256xf32>
    %mul3A = vector.broadcast %rsqrt3A : vector<1x256xf32> to vector<10000x256xf32>
    %mul3A_54 = arith.mulf %sub3A_50, %mul3A : vector<10000x256xf32>
    %get3A_55 = arith.constant 0 : index
    %get3A_56 = arith.constant 0 : index
    %get3A_57 = vector.load %arg8[%get3A_55, %get3A_56] : memref<1x256xf32, #tpu.memory_space<vmem>>, vector<1x256xf32>
    %mul3A_58 = vector.broadcast %get3A_57 : vector<1x256xf32> to vector<10000x256xf32>
    %mul3A_59 = arith.mulf %mul3A_54, %mul3A_58 : vector<10000x256xf32>
    %get3A_60 = arith.constant 0 : index
    %get3A_61 = arith.constant 0 : index
    %get3A_62 = vector.load %arg9[%get3A_60, %get3A_61] : memref<1x256xf32, #tpu.memory_space<vmem>>, vector<1x256xf32>
    %add3A_63 = vector.broadcast %get3A_62 : vector<1x256xf32> to vector<10000x256xf32>
    %add3A_64 = arith.addf %mul3A_59, %add3A_63 : vector<10000x256xf32>
    %max3A_65 = arith.constant 0.000000e+00 : f32
    %max3A_66 = vector.broadcast %max3A_65 : f32 to vector<10000x256xf32>
    %max3A_67 = arith.maximumf %add3A_64, %max3A_66 : vector<10000x256xf32>
    %add3A_68 = arith.addf %max3A_67, %concatenate3A : vector<10000x256xf32>
    %slice3A = vector.extract_strided_slice %add3A_68 {offsets = [0, 0], sizes = [10000, 128], strides = [1, 1]} : vector<10000x256xf32> to vector<10000x128xf32>
    %swap3A = arith.constant 0 : index
    %swap3A_69 = arith.constant 0 : index
    %swap3A_70 = vector.load %arg10[%swap3A, %swap3A_69] : memref<10000x128xf32, #tpu.memory_space<vmem>>, vector<10000x128xf32>
    tpu.vector_store %arg10[%swap3A, %swap3A_69], %slice3A {strides = array<i32>} : memref<10000x128xf32, #tpu.memory_space<vmem>>, vector<10000x128xf32>,
    %slice3A_71 = vector.extract_strided_slice %add3A_68 {offsets = [0, 128], sizes = [10000, 128], strides = [1, 1]} : vector<10000x256xf32> to vector<10000x128xf32>
    %swap3A_72 = arith.constant 0 : index
    %swap3A_73 = arith.constant 0 : index
    %swap3A_74 = vector.load %arg11[%swap3A_72, %swap3A_73] : memref<10000x128xf32, #tpu.memory_space<vmem>>, vector<10000x128xf32>
    tpu.vector_store %arg11[%swap3A_72, %swap3A_73], %slice3A_71 {strides = array<i32>} : memref<10000x128xf32, #tpu.memory_space<vmem>>, vector<10000x128xf32>,
    return
  }
}

module attributes {stable_mosaic.version = 14 : i64} {
  func.func @_final_body(%arg0: memref<10240x128xf32, #tpu.memory_space<vmem>>, %arg1: memref<10240x128xf32, #tpu.memory_space<vmem>>, %arg2: memref<10000x128xf32, #tpu.memory_space<vmem>>, %arg3: memref<10000x128xf32, #tpu.memory_space<vmem>>, %arg4: memref<20480x128xf32, #tpu.memory_space<vmem>>, %arg5: memref<256x256xf32, #tpu.memory_space<vmem>>, %arg6: memref<1x256xf32, #tpu.memory_space<vmem>>, %arg7: memref<256x256xf32, #tpu.memory_space<vmem>>, %arg8: memref<1x256xf32, #tpu.memory_space<vmem>>, %arg9: memref<1x256xf32, #tpu.memory_space<vmem>>, %arg10: memref<256x128xf32, #tpu.memory_space<vmem>>, %arg11: memref<1x128xf32, #tpu.memory_space<vmem>>, %arg12: memref<128x8xf32, #tpu.memory_space<vmem>>, %arg13: memref<1x8xf32, #tpu.memory_space<vmem>>, %arg14: memref<10000x8xf32, #tpu.memory_space<vmem>>) attributes {dimension_semantics = [], scalar_prefetch = 0 : i64, scratch_operands = 0 : i64, tpu.core_type = #tpu.core_type<tc>} {
    %get3A = arith.constant 0 : index
    %get3A_0 = arith.constant 0 : index
    %get3A_1 = vector.load %arg4[%get3A, %get3A_0] : memref<20480x128xf32, #tpu.memory_space<vmem>>, vector<10000x1xf32>
    %get3A_2 = arith.constant 10240 : index
    %get3A_3 = arith.constant 0 : index
    %get3A_4 = vector.load %arg4[%get3A_2, %get3A_3] : memref<20480x128xf32, #tpu.memory_space<vmem>>, vector<10000x1xf32>
    %add3A = arith.addf %get3A_1, %get3A_4 : vector<10000x1xf32>
    %max3A = arith.constant 1.000000e+00 : f32
    %max3A_5 = vector.broadcast %max3A : f32 to vector<10000x1xf32>
    %max3A_6 = arith.maximumf %add3A, %max3A_5 : vector<10000x1xf32>
    %get3A_7 = arith.constant 0 : index
    %get3A_8 = arith.constant 0 : index
    %get3A_9 = vector.load %arg2[%get3A_7, %get3A_8] : memref<10000x128xf32, #tpu.memory_space<vmem>>, vector<10000x128xf32>
    %get3A_10 = arith.constant 0 : index
    %get3A_11 = arith.constant 0 : index
    %get3A_12 = vector.load %arg3[%get3A_10, %get3A_11] : memref<10000x128xf32, #tpu.memory_space<vmem>>, vector<10000x128xf32>
    %concatenate3A = tpu.concatenate %get3A_9, %get3A_12 in 1 : vector<10000x128xf32>, vector<10000x128xf32> -> vector<10000x256xf32>
    %get3A_13 = arith.constant 0 : index
    %get3A_14 = arith.constant 0 : index
    %get3A_15 = vector.load %arg0[%get3A_13, %get3A_14] : memref<10240x128xf32, #tpu.memory_space<vmem>>, vector<10000x128xf32>
    %div3A = vector.broadcast %max3A_6 : vector<10000x1xf32> to vector<10000x128xf32>
    %div3A_16 = arith.divf %get3A_15, %div3A : vector<10000x128xf32>
    %get3A_17 = arith.constant 0 : index
    %get3A_18 = arith.constant 0 : index
    %get3A_19 = vector.load %arg1[%get3A_17, %get3A_18] : memref<10240x128xf32, #tpu.memory_space<vmem>>, vector<10000x128xf32>
    %div3A_20 = vector.broadcast %max3A_6 : vector<10000x1xf32> to vector<10000x128xf32>
    %div3A_21 = arith.divf %get3A_19, %div3A_20 : vector<10000x128xf32>
    %concatenate3A_22 = tpu.concatenate %div3A_16, %div3A_21 in 1 : vector<10000x128xf32>, vector<10000x128xf32> -> vector<10000x256xf32>
    %get3A_23 = arith.constant 0 : index
    %get3A_24 = arith.constant 0 : index
    %get3A_25 = vector.load %arg5[%get3A_23, %get3A_24] : memref<256x256xf32, #tpu.memory_space<vmem>>, vector<256x256xf32>
    %dot_general3A = arith.constant dense<0.000000e+00> : vector<10000x256xf32>
    %dot_general3A_26 = tpu.matmul %concatenate3A_22, %get3A_25, %dot_general3A {dimension_numbers = #tpu.dot_dimension_numbers<[1], [0], [0], [1], [0, 0, 1, 1], [], []>, transpose_lhs_hint = false} : vector<10000x256xf32>, vector<256x256xf32>, vector<10000x256xf32> -> vector<10000x256xf32>
    %get3A_27 = arith.constant 0 : index
    %get3A_28 = arith.constant 0 : index
    %get3A_29 = vector.load %arg6[%get3A_27, %get3A_28] : memref<1x256xf32, #tpu.memory_space<vmem>>, vector<1x256xf32>
    %add3A_30 = vector.broadcast %get3A_29 : vector<1x256xf32> to vector<10000x256xf32>
    %add3A_31 = arith.addf %dot_general3A_26, %add3A_30 : vector<10000x256xf32>
    %get3A_32 = arith.constant 0 : index
    %get3A_33 = arith.constant 0 : index
    %get3A_34 = vector.load %arg7[%get3A_32, %get3A_33] : memref<256x256xf32, #tpu.memory_space<vmem>>, vector<256x256xf32>
    %dot_general3A_35 = arith.constant dense<0.000000e+00> : vector<10000x256xf32>
    %dot_general3A_36 = tpu.matmul %concatenate3A, %get3A_34, %dot_general3A_35 {dimension_numbers = #tpu.dot_dimension_numbers<[1], [0], [0], [1], [0, 0, 1, 1], [], []>, transpose_lhs_hint = false} : vector<10000x256xf32>, vector<256x256xf32>, vector<10000x256xf32> -> vector<10000x256xf32>
    %add3A_37 = arith.addf %add3A_31, %dot_general3A_36 : vector<10000x256xf32>
    %reduce_sum3A = arith.constant dense<0.000000e+00> : vector<256xf32>
    %reduce_sum3A_38 = vector.multi_reduction <add>, %add3A_37, %reduce_sum3A [0] : vector<10000x256xf32> to vector<256xf32>
    %broadcast_in_dim3A = vector.shape_cast %reduce_sum3A_38 : vector<256xf32> to vector<1x256xf32>
    %div3A_39 = arith.constant 1.000000e+04 : f32
    %div3A_40 = vector.broadcast %div3A_39 : f32 to vector<1x256xf32>
    %div3A_41 = arith.divf %broadcast_in_dim3A, %div3A_40 : vector<1x256xf32>
    %sub3A = vector.broadcast %div3A_41 : vector<1x256xf32> to vector<10000x256xf32>
    %sub3A_42 = arith.subf %add3A_37, %sub3A : vector<10000x256xf32>
    %integer_pow3A = arith.mulf %sub3A_42, %sub3A_42 : vector<10000x256xf32>
    %reduce_sum3A_43 = arith.constant dense<0.000000e+00> : vector<256xf32>
    %reduce_sum3A_44 = vector.multi_reduction <add>, %integer_pow3A, %reduce_sum3A_43 [0] : vector<10000x256xf32> to vector<256xf32>
    %broadcast_in_dim3A_45 = vector.shape_cast %reduce_sum3A_44 : vector<256xf32> to vector<1x256xf32>
    %div3A_46 = arith.constant 1.000000e+04 : f32
    %div3A_47 = vector.broadcast %div3A_46 : f32 to vector<1x256xf32>
    %div3A_48 = arith.divf %broadcast_in_dim3A_45, %div3A_47 : vector<1x256xf32>
    %sub3A_49 = vector.broadcast %div3A_41 : vector<1x256xf32> to vector<10000x256xf32>
    %sub3A_50 = arith.subf %add3A_37, %sub3A_49 : vector<10000x256xf32>
    %add3A_51 = arith.constant 9.99999974E-6 : f32
    %add3A_52 = vector.broadcast %add3A_51 : f32 to vector<1x256xf32>
    %add3A_53 = arith.addf %div3A_48, %add3A_52 : vector<1x256xf32>
    %rsqrt3A = math.rsqrt %add3A_53 : vector<1x256xf32>
    %mul3A = vector.broadcast %rsqrt3A : vector<1x256xf32> to vector<10000x256xf32>
    %mul3A_54 = arith.mulf %sub3A_50, %mul3A : vector<10000x256xf32>
    %get3A_55 = arith.constant 0 : index
    %get3A_56 = arith.constant 0 : index
    %get3A_57 = vector.load %arg8[%get3A_55, %get3A_56] : memref<1x256xf32, #tpu.memory_space<vmem>>, vector<1x256xf32>
    %mul3A_58 = vector.broadcast %get3A_57 : vector<1x256xf32> to vector<10000x256xf32>
    %mul3A_59 = arith.mulf %mul3A_54, %mul3A_58 : vector<10000x256xf32>
    %get3A_60 = arith.constant 0 : index
    %get3A_61 = arith.constant 0 : index
    %get3A_62 = vector.load %arg9[%get3A_60, %get3A_61] : memref<1x256xf32, #tpu.memory_space<vmem>>, vector<1x256xf32>
    %add3A_63 = vector.broadcast %get3A_62 : vector<1x256xf32> to vector<10000x256xf32>
    %add3A_64 = arith.addf %mul3A_59, %add3A_63 : vector<10000x256xf32>
    %max3A_65 = arith.constant 0.000000e+00 : f32
    %max3A_66 = vector.broadcast %max3A_65 : f32 to vector<10000x256xf32>
    %max3A_67 = arith.maximumf %add3A_64, %max3A_66 : vector<10000x256xf32>
    %add3A_68 = arith.addf %max3A_67, %concatenate3A : vector<10000x256xf32>
    %get3A_69 = arith.constant 0 : index
    %get3A_70 = arith.constant 0 : index
    %get3A_71 = vector.load %arg10[%get3A_69, %get3A_70] : memref<256x128xf32, #tpu.memory_space<vmem>>, vector<256x128xf32>
    %dot_general3A_72 = arith.constant dense<0.000000e+00> : vector<10000x128xf32>
    %dot_general3A_73 = tpu.matmul %add3A_68, %get3A_71, %dot_general3A_72 {dimension_numbers = #tpu.dot_dimension_numbers<[1], [0], [0], [1], [0, 0, 1, 1], [], []>, transpose_lhs_hint = false} : vector<10000x256xf32>, vector<256x128xf32>, vector<10000x128xf32> -> vector<10000x128xf32>
    %get3A_74 = arith.constant 0 : index
    %get3A_75 = arith.constant 0 : index
    %get3A_76 = vector.load %arg11[%get3A_74, %get3A_75] : memref<1x128xf32, #tpu.memory_space<vmem>>, vector<1x128xf32>
    %add3A_77 = vector.broadcast %get3A_76 : vector<1x128xf32> to vector<10000x128xf32>
    %add3A_78 = arith.addf %dot_general3A_73, %add3A_77 : vector<10000x128xf32>
    %max3A_79 = arith.constant 0.000000e+00 : f32
    %max3A_80 = vector.broadcast %max3A_79 : f32 to vector<10000x128xf32>
    %max3A_81 = arith.maximumf %add3A_78, %max3A_80 : vector<10000x128xf32>
    %get3A_82 = arith.constant 0 : index
    %get3A_83 = arith.constant 0 : index
    %get3A_84 = vector.load %arg12[%get3A_82, %get3A_83] : memref<128x8xf32, #tpu.memory_space<vmem>>, vector<128x8xf32>
    %dot_general3A_85 = arith.constant dense<0.000000e+00> : vector<10000x8xf32>
    %dot_general3A_86 = tpu.matmul %max3A_81, %get3A_84, %dot_general3A_85 {dimension_numbers = #tpu.dot_dimension_numbers<[1], [0], [0], [1], [0, 0, 1, 1], [], []>, transpose_lhs_hint = false} : vector<10000x128xf32>, vector<128x8xf32>, vector<10000x8xf32> -> vector<10000x8xf32>
    %get3A_87 = arith.constant 0 : index
    %get3A_88 = arith.constant 0 : index
    %get3A_89 = vector.load %arg13[%get3A_87, %get3A_88] : memref<1x8xf32, #tpu.memory_space<vmem>>, vector<1x8xf32>
    %add3A_90 = vector.broadcast %get3A_89 : vector<1x8xf32> to vector<10000x8xf32>
    %add3A_91 = arith.addf %dot_general3A_86, %add3A_90 : vector<10000x8xf32>
    %swap3A = arith.constant 0 : index
    %swap3A_92 = arith.constant 0 : index
    %swap3A_93 = vector.load %arg14[%swap3A, %swap3A_92] : memref<10000x8xf32, #tpu.memory_space<vmem>>, vector<10000x8xf32>
    tpu.vector_store %arg14[%swap3A, %swap3A_92], %add3A_91 {strides = array<i32>} : memref<10000x8xf32, #tpu.memory_space<vmem>>, vector<10000x8xf32>,
    return
  }
}

</mosaic_0001>

<sc_bundles>
// kernel: kernel.10.cloned.1.call-start
scs
__scs_entry_jumppad:
0x0: {  	(pc) =	sbr.rel $0x88, $3  }
0x1: {  	(tag) =	ssettag $0x0;
	lr =	simm.s32 $0x1  }
0x2: {  	[smem:$0x3F8A] =	sst lr;
	_ =	strace $0xD0000000  }
0x3: {  	_ = 	snop  }
0x4: {  	_ = 	snop  }
0x5: {  	_ = 	snop  }
0x6: {  	_ = 	snop  }
0x7: {  	_ = 	snop  }
__scs_overlays_trampoline_lowered:
0x8: {  	[smem:$0x3F99] =	sst s0  }
0x9: {  	[smem:$0x3F9A] =	sst s1  }
0xa: {  	[smem:$0x3F9B] =	sst s2  }
0xb: {  	[smem:$0x3F9C] =	sst s3  }
0xc: {  	[smem:$0x3F9D] =	sst s4  }
0xd: {  	[smem:$0x3F9E] =	sst s5  }
0xe: {  	[smem:$0x3F9F] =	sst s6  }
0xf: {  	[smem:$0x3FA0] =	sst s7  }
0x10: {  	[smem:$0x3FA1] =	sst s8  }
0x11: {  	[smem:$0x3FA2] =	sst s9;
	s0 =	simm.s32 @!p0 $0x0  }
0x12: {  	s1 =	sld [smem:$0x3F88];
	s0 =	simm.s32 @p0 $0x1  }
0x13: {  	[smem:$0x3FA3] =	sst s0;
	s0 =	simm.s32 @!p1 $0x0  }
0x14: {  	s2 =	sld [smem:$0x3F87];
	s0 =	simm.s32 @p1 $0x1  }
0x15: {  	[smem:$0x3FA4] =	sst s0;
	s0 =	simm.s32 @!p2 $0x0  }
0x16: {  	s3 =	sld [smem:$0x3FDB];
	s0 =	simm.s32 @p2 $0x1  }
0x17: {  	s4 =	simm.s32 $0x1BF5;
	[smem:$0x3FA6] =	sst s0  }
0x18: {  	s0 =	sld [smem:$0x3F89];
	_ =	swait.ge [sflag:s4], $0x0  }
0x19: {  	s7 =	sld [smem:$0x3F8A]  }
0x1a: {  	s8 =	sadd.s32 $0xFFFFE003, lr  }
0x1b: {  	s9 =	sadd.s32 $0xFFFFFEF7, lr;
	s5 =	simm.s32 $0xFFFFFFFF;
	p2 =	slt.u32 s8, $0xFFFFF086  }
0x1c: {  	p1 =	slt.u32 s9, $0xF7A;
	s5 =	simm.s32 @!p2 $0x0  }
0x1d: {  	s5 =	simm.s32 @p1 $0x1;
	p0 =	seq.s32 s7, s2  }
0x1e: {  	s7 =	smul.u32 @!p0 $0xF7A, s2;
	p2 =	seq.s32 @!p0 s5, $0x0  }
0x1f: {  	s9 =	smul.u32 $0xF7A, s1;
	s8 =	simm.s32 @!p0 $0x1BF5;
	p2 =	por !p2, p0  }
0x20: {  	[sflag:s8] =	ssyncset.s32 @!p0 $0xFFFFF086;
	s6 =	sadd.s32 @!p0 s3, s7;
	s7 =	simm.s32 @!p0 $0x108  }
0x21: {  	s3 =	sadd.s32 s3, s9;
	s6 =	sadd.s32 @!p0 $0x88, s6;
	s7 =	simm.s32 @p2 $0x1082  }
0x22: {  	[simem:s7], [sflag:s8] =	dma.local @!p0 [hbm:s6], $0xF7A  }
0x23: {  	s9 =	sor.u32 $0xD0000000, s2;
	s6 =	simm.s32 $0x108;
	_ =	swait.ge @!p0 [sflag:s8], $0x0  }
0x24: {  	s3 =	sadd.s32 $0x88, s3;
	s6 =	simm.s32 @!p1 $0x1082;
	[sflag:s4] =	ssyncset.s32 $0xFFFFF086  }
0x25: {  	[simem:s6], [sflag:s4] =	dma.local [hbm:s3], $0xF7A  }
0x26: {  	[smem:$0x3F8A] =	sst s1;
	(tag) =	ssettag s2;
	_ =	strace s9  }
0x27: {  	s1 =	sld [smem:$0x3F9A]  }
0x28: {  	s2 =	sld [smem:$0x3F9B]  }
0x29: {  	s4 =	sld [smem:$0x3F9D]  }
0x2a: {  	p0 =	seq.s32 s5, $0x0;
	s5 =	sld [smem:$0x3F9E]  }
0x2b: {  	s6 =	sld [smem:$0x3F9F]  }
0x2c: {  	s7 =	sld [smem:$0x3FA0]  }
0x2d: {  	s3 =	simm.s32 $0x108;
	s8 =	sld [smem:$0x3FA1]  }
0x2e: {  	s3 =	simm.s32 @!p0 $0x1082;
	s9 =	sld [smem:$0x3FA2]  }
0x2f: {  	lr =	sadd.s32 s0, s3;
	s0 =	sld [smem:$0x3F99]  }
0x30: {  	s3 =	sld [smem:$0x3F9C]  }
0x31: {  	[smem:$0x3FA5] =	sst s10  }
0x32: {  	s10 =	sld [smem:$0x3FA3];
	_ =	sdelay $0x3  }
0x33: {  	p0 =	seq.s32 s10, $0x1;
	s10 =	sld [smem:$0x3FA5];
	_ =	sdelay $0x3  }
0x34: {  	[smem:$0x3FA5] =	sst s10  }
0x35: {  	s10 =	sld [smem:$0x3FA4];
	_ =	sdelay $0x3  }
0x36: {  	p1 =	seq.s32 s10, $0x1;
	s10 =	sld [smem:$0x3FA5];
	_ =	sdelay $0x3  }
0x37: {  	[smem:$0x3FA5] =	sst s10  }
0x38: {  	s10 =	sld [smem:$0x3FA6]  }
0x39: {  	_ = 	snop;
	(pc) =	sbr.ind lr, $3  }
0x3a: {  	_ = 	snop  }
0x3b: {  	_ = 	snop  }
0x3c: {  	p2 =	seq.s32 s10, $0x1;
	s10 =	sld [smem:$0x3FA5]  }
0x3d: {  	_ =	shalt  }
0x3e: {  	_ =	shalt  }
0x3f: {  	_ =	shalt  }
0x40: {  	_ =	shalt  }
0x41: {  	_ =	shalt  }
0x42: {  	_ =	shalt  }
0x43: {  	_ =	shalt  }
0x44: {  	_ =	shalt  }
0x45: {  	_ =	shalt  }
0x46: {  	_ =	shalt  }
0x47: {  	_ =	shalt  }
0x48: {  	_ =	shalt  }
0x49: {  	_ =	shalt  }
0x4a: {  	_ =	shalt  }
0x4b: {  	_ =	shalt  }
0x4c: {  	_ =	shalt  }
0x4d: {  	_ =	shalt  }
0x4e: {  	_ =	shalt  }
0x4f: {  	_ =	shalt  }
0x50: {  	_ =	shalt  }
0x51: {  	_ =	shalt  }
0x52: {  	_ =	shalt  }
0x53: {  	_ =	shalt  }
0x54: {  	_ =	shalt  }
0x55: {  	_ =	shalt  }
0x56: {  	_ =	shalt  }
0x57: {  	_ =	shalt  }
0x58: {  	_ =	shalt  }
0x59: {  	_ =	shalt  }
0x5a: {  	_ =	shalt  }
0x5b: {  	_ =	shalt  }
0x5c: {  	_ =	shalt  }
0x5d: {  	_ =	shalt  }
0x5e: {  	_ =	shalt  }
0x5f: {  	_ =	shalt  }
0x60: {  	_ =	shalt  }
0x61: {  	_ =	shalt  }
0x62: {  	_ =	shalt  }
0x63: {  	_ =	shalt  }
0x64: {  	_ =	shalt  }
0x65: {  	_ =	shalt  }
0x66: {  	_ =	shalt  }
0x67: {  	_ =	shalt  }
0x68: {  	_ =	shalt  }
0x69: {  	_ =	shalt  }
0x6a: {  	_ =	shalt  }
0x6b: {  	_ =	shalt  }
0x6c: {  	_ =	shalt  }
0x6d: {  	_ =	shalt  }
0x6e: {  	_ =	shalt  }
0x6f: {  	_ =	shalt  }
0x70: {  	_ =	shalt  }
0x71: {  	_ =	shalt  }
0x72: {  	_ =	shalt  }
0x73: {  	_ =	shalt  }
0x74: {  	_ =	shalt  }
0x75: {  	_ =	shalt  }
0x76: {  	_ =	shalt  }
0x77: {  	_ =	shalt  }
0x78: {  	_ =	shalt  }
0x79: {  	_ =	shalt  }
0x7a: {  	_ =	shalt  }
0x7b: {  	_ =	shalt  }
0x7c: {  	_ =	shalt  }
0x7d: {  	_ =	shalt  }
0x7e: {  	_ =	shalt  }
0x7f: {  	_ =	shalt  }
0x80: {  	_ =	shalt  }
0x81: {  	_ =	shalt  }
0x82: {  	_ =	shalt  }
0x83: {  	_ =	shalt  }
0x84: {  	_ =	shalt  }
0x85: {  	_ =	shalt  }
0x86: {  	_ =	shalt  }
0x87: {  	_ =	shalt  }
.Lfunc_end0:
.L_simem_size_0:
called_computation_lowered:
.L_overlay_start_0:
0x88: {  	s2 =	sld [smem:$0x3FD9]  }
0x89: {  	s3 =	sld [smem:$0x3FFE];
	_ =	sdelay $0x1  }
0x8a: {  	s1 =	srdreg.scid  }
0x8b: {  	s0 =	sand.u32 $0x1, s1  }
0x8c: {  	s17 =	sshll.u32 s0, $0xA;
	s2 =	sadd.s32 s3, s2  }
0x8d: {  	s2 =	sadd.s32 s2, s17  }
0x8e: {  	[smem:$0x3FB1] =	sst s2  }
0x8f: {  	_ = 	snop  }
0x90: {  	s18 =	sld [smem:$0x3FD0];
	(tm) =	ssettm $0x1  }
0x91: {  	s19 =	sld [smem:$0x3FFB];
	_ =	sdelay $0x3  }
0x92: {  	_ =	strace s19  }
0x93: {  	s2 =	sld [smem:$0x3FFC];
	_ =	sdelay $0x3  }
0x94: {  	_ =	strace s2  }
0x95: {  	s2 =	sld [smem:$0x3FFD];
	_ =	sdelay $0x3  }
0x96: {  	_ =	strace s2  }
0x97: {  	_ =	strace $0x8FFFFFFF  }
0x98: {  	s20 =	sld [smem:$0x3FDB];
	_ =	sdelay $0x1  }
0x99: {  	s4 =	simm.s32 $_scs_section_size  }
0x9a: {  	s5 =	simm.s32 $_size__tile_overlayer_lowered;
	s6 =	simm.s32 $_tile_overlayer_lowered  }
0x9b: {  	s7 =	simm.s32 $0x1BFF;
	s21 =	sshll.u32 s6, $0x1;
	s4 =	sadd.s32 s4, s20  }
0x9c: {  	s22 =	simm.s32 $0x0;
	s5 =	sshll.u32 s5, $0x1;
	s6 =	sadd.s32 s21, s4  }
0x9d: {  	[timem:s22], [sflag:s7] =	dma.local [hbm:s6], s5  }
0x9e: {  	_ =	swait.ge [sflag:s7], s5  }
0x9f: {  	s5 =	ssub.s32 $0x0, s5;
	[sflag:s7] =	ssyncset.done $0x0  }
0xa0: {  	[sflag:s7] =	ssyncadd.s32 s5;
	_ =	sdelay $0x1  }
0xa1: {  	s23 =	simm.s32 $0x1B8B  }
0xa2: {  	_ =	swait.ge [sflag:s23], $0x1  }
0xa3: {  	[sflag:s23] =	ssyncset.done $0x0  }
0xa4: {  	[sflag:s23] =	ssyncadd.s32 $0xFFFFFFFF  }
0xa5: {  	s5 =	sld [smem:$0x0]  }
0xa6: {  	s6 =	sand.u32 $0xFFFFFFFE, s1  }
0xa7: {  	p0 =	sne.s32 s1, s6  }
0xa8: {  	s6 =	sshll.u32 @p0 s6, $0xE  }
0xa9: {  	s6 =	sadd.s32 @p0 $0x11B8D, s6;
	s7 =	sshll.u32 @p0 s5, $0x11  }
0xaa: {  	s6 =	sor.u32 @p0 s7, s6  }
0xab: {  	[sflag:s6] =	ssyncadd.remote.s32 @p0 $0x1;
	_ =	sdelay $0x1  }
0xac: {  	s6 =	simm.s32 @p0 $0x1B8D  }
0xad: {  	_ =	swait.eq @p0 [sflag:s6], $0x1  }
0xae: {  	[sflag:s6] =	ssyncadd.s32 @p0 $0xFFFFFFFF  }
0xaf: {  	s7 =	sshll.u32 @!p0 s1, $0xE  }
0xb0: {  	s7 =	sor.u32 @!p0 $0x4000, s7;
	s6 =	simm.s32 @!p0 $0x1B8D  }
0xb1: {  	s5 =	sshll.u32 @!p0 s5, $0x11;
	s7 =	sadd.s32 @!p0 $0x11B8D, s7;
	_ =	swait.eq @!p0 [sflag:s6], $0x1  }
0xb2: {  	s5 =	sor.u32 @!p0 s5, s7;
	[sflag:s6] =	ssyncadd.s32 @!p0 $0xFFFFFFFF  }
0xb3: {  	s25 =	simm.s32 $0x1B8E;
	s24 =	sld [smem:$0x3FFE];
	[sflag:s5] =	ssyncadd.remote.s32 @!p0 $0x1  }
0xb4: {  	s26 =	simm.s32 $execute0_lowered;
	[smem:$0x3FD2] =	sst s25  }
0xb5: {  	s6 =	sshll.u32 s26, $0x1;
	_ =	strace $0x80000049;
	[dreg:$0x1] =	wrdreg $0xFFFFFFFF  }
0xb6: {  	s28 =	simm.s32 $_size_execute0_lowered;
	s4 =	sadd.s32 s4, s6;
	[dreg:$0x0] =	wrdreg $0x0  }
0xb7: {  	s6 =	sshll.u32 s28, $0x1;
	[dreg:$0x2] =	wrdreg s4  }
0xb8: {  	[dreg:$0x3] =	wrdreg s6  }
0xb9: {  	[dreg:$0x4] =	wrdreg $0xC0  }
0xba: {  	_ =	task [dreg:s22], $0x5FFFF  }
0xbb: {  	[dreg:$0x1] =	wrdreg $0xFFFFFFFF  }
0xbc: {  	[dreg:$0x0] =	wrdreg $0x60  }
0xbd: {  	[dreg:$0x2] =	wrdreg s24  }
0xbe: {  	[dreg:$0x3] =	wrdreg s18  }
0xbf: {  	[dreg:$0x4] =	wrdreg $0x68000  }
0xc0: {  	[dreg:$0x5] =	wrdreg $0x9  }
0xc1: {  	_ =	task.clear_ibuf [dreg:s22], $0x6FFFF;
	_ =	strace $0x90000049  }
0xc2: {  	s29 =	simm.s32 $0x9;
	_ =	strace $0x8000004B  }
0xc3: {  	_ =	swait.ge [sflag:s29], $0x1  }
0xc4: {  	[sflag:s29] =	ssyncadd.s32 $0xFFFFFFFF  }
0xc5: {  	_ =	strace $0x9000004B  }
0xc6: {  	_ =	sfence  }
0xc7: {  	s30 =	sld [smem:$0x0];
	_ =	sdelay $0x2  }
0xc8: {  	s31 =	sshll.u32 s1, $0xD;
	s1 =	sshrl.u32 s1, $0x2  }
0xc9: {  	s4 =	sand.u32 $0x4000, s31;
	s1 =	sadd.s32 s1, s30  }
0xca: {  	s0 =	sor.u32 s4, s0;
	s1 =	sshll.u32 s1, $0x11  }
0xcb: {  	s0 =	sor.u32 s1, s0  }
0xcc: {  	s0 =	sadd.s32 $0x8F2B, s0  }
0xcd: {  	[sflag:s0] =	ssyncadd.remote.s32 $0x1  }
0xce: {  	_ =	sfence.sel $0xFFFF  }
0xcf: {  	[dreg:$0x0] =	wrdreg $0xFFFFFFFF;
	(pc) =	sbr.abs _section_cstart, $3  }
0xd0: {  	[dreg:$0x1] =	wrdreg $0xFFFFFFFF  }
0xd1: {  	_ =	task.clear_ibuf [dreg:s22], $0x2FFFF;
	_ =	strace $0x9FFFFFFF  }
0xd2: {  	(tm) =	ssettm $0x7FFFFFFF  }
0xd3: {  	_ =	shalt  }
tec
execute0_lowered:
.L_overlay_start_1:
0x0: {  	(tag) =	ssettag $0x1  }
0x1: {  	s0 =	srdreg.scid;
	s7 =	rddreg [dreg:$0x0]  }
0x2: {  	s2 =	rddreg [dreg:$0x1];
	s6 =	sand.u32 $0x1, s0;
	s0 =	stileid.u32  }
0x3: {  	s3 =	rddreg [dreg:$0x2];
	s4 =	simm.s32 $0x0;
	s8 =	smul.u32 $0x2800, s0  }
0x4: {  	s13 =	simm.s32 $0x80;
	s14 =	simm.s32 $0x0;
	s9 =	smul.u32 $0x28000, s6  }
0x5: {  	[smem:$0x7FF] =	sst s4;
	s1 =	sshll.u32 s6, $0x4;
	s11 =	smul.u32 $0x50000, s0  }
0x6: {  	s6 =	ssub.s32 $0x2, s6;
	s31 =	sshll.u32 s0, $0x6;
	s1 =	sor.u32 s0, s1  }
0x7: {  	s29 =	sshrl.u32 s6, $0x1;
	s5 =	smul.u32 $0x500, s1;
	s1 =	rddreg [dreg:$0x3]  }
0x8: {  	_ =	strace $0x8000004A;
	s8 =	sadd.s32 s8, s9;
	s30 =	sshrl.u32 s11, $0x2  }
0x9: {  	s9 =	simm.s32 $0x2800;
	s11 =	sor.u32 $0x1C01, s31;
	s12 =	sadd.s32 s30, s3  }
0xa: {  	s10 =	sadd.s32 s5, s7;
	s5 =	sadd.s32 $0x6AA00, s7;
	s7 =	sadd.s32 s8, s7  }
0xb: {  	s8 =	ssub.s32 s6, s29;
	s12 =	sshrl.u32 s12, $0x3;
	s6 =	sadd.s32 $0xBD200, s10  }
0xc: {  	s7 =	sadd.s32 $0xC7200, s7;
	s8 =	smax.u32 s8, $0x1;
	s10 =	simm.s32 $0x1  }
.LBB2_1:
0xd: {  	[tilespmem:s9], [sflag:$0x1] =	stream.linear.gather [hbm4b:s2+s4], $0x4000, $0x38;
	[tilespmem:$0x1A800] =	vst v63  }
0xe: {  	_ =	swait.ge [sflag:s10], $0x4000  }
0xf: {  	[sflag:s10] =	ssyncset.done $0x0  }
0x10: {  	[sflag:s10] =	ssyncadd.s32 $0xFFFFC000  }
0x11: {  	[tilespmem:s4], [sflag:$0x1] =	stream.linear.gather [hbm4b:s6+s4], $0x2780, $0x38;
	[tilespmem:$0x1A800] =	vst v63  }
0x12: {  	_ =	swait.ge [sflag:s10], $0x2780  }
0x13: {  	[sflag:s10] =	ssyncset.done $0x0  }
0x14: {  	[sflag:s10] =	ssyncadd.s32 $0xFFFFD880  }
0x15: {  	[spmem:s12], [sflag:s11] =	dma.local [hbm:s5], $0x2800  }
0x16: {  	_ =	swait.ge [sflag:s10], $0x2800  }
0x17: {  	[sflag:s10] =	ssyncset.done $0x0  }
0x18: {  	[sflag:s10] =	ssyncadd.s32 $0xFFFFD800  }
0x19: {  	s15 =	simm.s32 $0x0;
	[bflag:$0x0] =	sbarrier.arrive $0xFFFF  }
0x1a: {  	[spmem:s3] =	stream.indirect.scatter.add.f32 [tilespmem:s9], [sflag:$0x1], $0x80, s15, s13, $0xb8;
	[tilespmem:$0x1A800] =	vst v63  }
0x1b: {  	_ =	swait.ge [sflag:s10], $0x4000  }
0x1c: {  	s15 =	simm.s32 $0x200;
	[sflag:s10] =	ssyncset.done $0x0  }
.LBB2_2:
0x1d: {  	s16 =	sshra.s32 s15, $0x2;
	[sflag:s10] =	ssyncadd.s32 $0xFFFFC000;
	p0 =	sne.s32 s15, $0x9C00  }
0x1e: {  	[spmem:s3] =	stream.indirect.scatter.add.f32 [tilespmem:s9], [sflag:$0x1], $0x80, s16, s13, $0xb8;
	[tilespmem:$0x1A800] =	vst v63  }
.Ltmp0:
0x1f: {  	_ = 	snop;
	(pc) =	sbr.rel @p0 .LBB2_2-.Ltmp0, $4  }
0x20: {  	_ = 	snop  }
0x21: {  	s15 =	sadd.s32 $0x200, s15  }
0x22: {  	_ =	swait.ge [sflag:s10], $0x4000  }
0x23: {  	[sflag:s10] =	ssyncset.done $0x0  }
0x24: {  	s14 =	sadd.s32 $0x1, s14  }
0x25: {  	[sflag:s10] =	ssyncadd.s32 $0xFFFFC000;
	p0 =	sne.s32 s14, s8  }
.Ltmp1:
0x26: {  	[bflag:$0x0] =	sbarrier.arrive $0xFFFF;
	(pc) =	sbr.rel @p0 .LBB2_1-.Ltmp1, $4  }
0x27: {  	[hbm:s7], [sflag:s11] =	dma.local [spmem:s12], $0x2800  }
0x28: {  	_ =	swait.ge [sflag:s10], $0x2800  }
0x29: {  	[sflag:s10] =	ssyncset.done $0x0  }
0x2a: {  	[sflag:s10] =	ssyncadd.s32 $0xFFFFD800  }
0x2b: {  	_ =	sfence.sel $0x180000  }
0x2c: {  	[bflag:$0x0] =	sbarrier.arrive $0xFFFF  }
0x2d: {  	p0 =	sne.s32 s0, $0x0;
	_ =	strace $0x9000004A  }
0x2e: {  	s0 =	sadd.s32 @!p0 $0x100000, s1;
	[bflag:$0x2] =	sbarrier.arrive $0xFFFF  }
0x2f: {  	[sflag:s0] =	ssyncadd.tile.s32 @!p0 $0x1;
	_ =	shalt  }
.Lfunc_end2:
_tile_overlayer_lowered:
.L_overlay_start_2:
0x30: {  	(tag) =	ssettag $0x2  }
0x31: {  	s0 =	rddreg [dreg:$0x0];
	s2 =	stileid.u32  }
0x32: {  	s1 =	rddreg [dreg:$0x1];
	p0 =	sne.s32 s2, $0x0  }
0x33: {  	s3 =	rddreg [dreg:$0x2];
	[bflag:$0x3] =	sbarrier.arrive $0xFFFF;
	s2 =	simm.s32 @!p0 $0x1C01  }
0x34: {  	[timem:s3], [sflag:s2] =	dma.local @!p0 [hbm:s0], s1  }
0x35: {  	s0 =	simm.s32 @!p0 $0x1  }
0x36: {  	_ =	swait.ge @!p0 [sflag:s0], s1  }
0x37: {  	s1 =	ssub.s32 @!p0 $0x0, s1;
	[sflag:s0] =	ssyncset.done @!p0 $0x0  }
0x38: {  	[sflag:s0] =	ssyncadd.s32 @!p0 s1  }
0x39: {  	[bflag:$0x3] =	sbarrier.arrive $0xFFFF  }
0x3a: {  	_ =	shalt  }

// kernel: kernel.13.cloned.1.call-start
scs
__scs_entry_jumppad:
0x0: {  	(pc) =	sbr.rel $0x88, $3  }
0x1: {  	(tag) =	ssettag $0x0;
	lr =	simm.s32 $0x1  }
0x2: {  	[smem:$0x3F8A] =	sst lr;
	_ =	strace $0xD0000000  }
0x3: {  	_ = 	snop  }
0x4: {  	_ = 	snop  }
0x5: {  	_ = 	snop  }
0x6: {  	_ = 	snop  }
0x7: {  	_ = 	snop  }
__scs_overlays_trampoline_lowered:
0x8: {  	[smem:$0x3F99] =	sst s0  }
0x9: {  	[smem:$0x3F9A] =	sst s1  }
0xa: {  	[smem:$0x3F9B] =	sst s2  }
0xb: {  	[smem:$0x3F9C] =	sst s3  }
0xc: {  	[smem:$0x3F9D] =	sst s4  }
0xd: {  	[smem:$0x3F9E] =	sst s5  }
0xe: {  	[smem:$0x3F9F] =	sst s6  }
0xf: {  	[smem:$0x3FA0] =	sst s7  }
0x10: {  	[smem:$0x3FA1] =	sst s8  }
0x11: {  	[smem:$0x3FA2] =	sst s9;
	s0 =	simm.s32 @!p0 $0x0  }
0x12: {  	s1 =	sld [smem:$0x3F88];
	s0 =	simm.s32 @p0 $0x1  }
0x13: {  	[smem:$0x3FA3] =	sst s0;
	s0 =	simm.s32 @!p1 $0x0  }
0x14: {  	s2 =	sld [smem:$0x3F87];
	s0 =	simm.s32 @p1 $0x1  }
0x15: {  	[smem:$0x3FA4] =	sst s0;
	s0 =	simm.s32 @!p2 $0x0  }
0x16: {  	s3 =	sld [smem:$0x3FDB];
	s0 =	simm.s32 @p2 $0x1  }
0x17: {  	s4 =	simm.s32 $0x1BF5;
	[smem:$0x3FA6] =	sst s0  }
0x18: {  	s0 =	sld [smem:$0x3F89];
	_ =	swait.ge [sflag:s4], $0x0  }
0x19: {  	s7 =	sld [smem:$0x3F8A]  }
0x1a: {  	s8 =	sadd.s32 $0xFFFFE003, lr  }
0x1b: {  	s9 =	sadd.s32 $0xFFFFFEF7, lr;
	s5 =	simm.s32 $0xFFFFFFFF;
	p2 =	slt.u32 s8, $0xFFFFF086  }
0x1c: {  	p1 =	slt.u32 s9, $0xF7A;
	s5 =	simm.s32 @!p2 $0x0  }
0x1d: {  	s5 =	simm.s32 @p1 $0x1;
	p0 =	seq.s32 s7, s2  }
0x1e: {  	s7 =	smul.u32 @!p0 $0xF7A, s2;
	p2 =	seq.s32 @!p0 s5, $0x0  }
0x1f: {  	s9 =	smul.u32 $0xF7A, s1;
	s8 =	simm.s32 @!p0 $0x1BF5;
	p2 =	por !p2, p0  }
0x20: {  	[sflag:s8] =	ssyncset.s32 @!p0 $0xFFFFF086;
	s6 =	sadd.s32 @!p0 s3, s7;
	s7 =	simm.s32 @!p0 $0x108  }
0x21: {  	s3 =	sadd.s32 s3, s9;
	s6 =	sadd.s32 @!p0 $0x88, s6;
	s7 =	simm.s32 @p2 $0x1082  }
0x22: {  	[simem:s7], [sflag:s8] =	dma.local @!p0 [hbm:s6], $0xF7A  }
0x23: {  	s9 =	sor.u32 $0xD0000000, s2;
	s6 =	simm.s32 $0x108;
	_ =	swait.ge @!p0 [sflag:s8], $0x0  }
0x24: {  	s3 =	sadd.s32 $0x88, s3;
	s6 =	simm.s32 @!p1 $0x1082;
	[sflag:s4] =	ssyncset.s32 $0xFFFFF086  }
0x25: {  	[simem:s6], [sflag:s4] =	dma.local [hbm:s3], $0xF7A  }
0x26: {  	[smem:$0x3F8A] =	sst s1;
	(tag) =	ssettag s2;
	_ =	strace s9  }
0x27: {  	s1 =	sld [smem:$0x3F9A]  }
0x28: {  	s2 =	sld [smem:$0x3F9B]  }
0x29: {  	s4 =	sld [smem:$0x3F9D]  }
0x2a: {  	p0 =	seq.s32 s5, $0x0;
	s5 =	sld [smem:$0x3F9E]  }
0x2b: {  	s6 =	sld [smem:$0x3F9F]  }
0x2c: {  	s7 =	sld [smem:$0x3FA0]  }
0x2d: {  	s3 =	simm.s32 $0x108;
	s8 =	sld [smem:$0x3FA1]  }
0x2e: {  	s3 =	simm.s32 @!p0 $0x1082;
	s9 =	sld [smem:$0x3FA2]  }
0x2f: {  	lr =	sadd.s32 s0, s3;
	s0 =	sld [smem:$0x3F99]  }
0x30: {  	s3 =	sld [smem:$0x3F9C]  }
0x31: {  	[smem:$0x3FA5] =	sst s10  }
0x32: {  	s10 =	sld [smem:$0x3FA3];
	_ =	sdelay $0x3  }
0x33: {  	p0 =	seq.s32 s10, $0x1;
	s10 =	sld [smem:$0x3FA5];
	_ =	sdelay $0x3  }
0x34: {  	[smem:$0x3FA5] =	sst s10  }
0x35: {  	s10 =	sld [smem:$0x3FA4];
	_ =	sdelay $0x3  }
0x36: {  	p1 =	seq.s32 s10, $0x1;
	s10 =	sld [smem:$0x3FA5];
	_ =	sdelay $0x3  }
0x37: {  	[smem:$0x3FA5] =	sst s10  }
0x38: {  	s10 =	sld [smem:$0x3FA6]  }
0x39: {  	_ = 	snop;
	(pc) =	sbr.ind lr, $3  }
0x3a: {  	_ = 	snop  }
0x3b: {  	_ = 	snop  }
0x3c: {  	p2 =	seq.s32 s10, $0x1;
	s10 =	sld [smem:$0x3FA5]  }
0x3d: {  	_ =	shalt  }
0x3e: {  	_ =	shalt  }
0x3f: {  	_ =	shalt  }
0x40: {  	_ =	shalt  }
0x41: {  	_ =	shalt  }
0x42: {  	_ =	shalt  }
0x43: {  	_ =	shalt  }
0x44: {  	_ =	shalt  }
0x45: {  	_ =	shalt  }
0x46: {  	_ =	shalt  }
0x47: {  	_ =	shalt  }
0x48: {  	_ =	shalt  }
0x49: {  	_ =	shalt  }
0x4a: {  	_ =	shalt  }
0x4b: {  	_ =	shalt  }
0x4c: {  	_ =	shalt  }
0x4d: {  	_ =	shalt  }
0x4e: {  	_ =	shalt  }
0x4f: {  	_ =	shalt  }
0x50: {  	_ =	shalt  }
0x51: {  	_ =	shalt  }
0x52: {  	_ =	shalt  }
0x53: {  	_ =	shalt  }
0x54: {  	_ =	shalt  }
0x55: {  	_ =	shalt  }
0x56: {  	_ =	shalt  }
0x57: {  	_ =	shalt  }
0x58: {  	_ =	shalt  }
0x59: {  	_ =	shalt  }
0x5a: {  	_ =	shalt  }
0x5b: {  	_ =	shalt  }
0x5c: {  	_ =	shalt  }
0x5d: {  	_ =	shalt  }
0x5e: {  	_ =	shalt  }
0x5f: {  	_ =	shalt  }
0x60: {  	_ =	shalt  }
0x61: {  	_ =	shalt  }
0x62: {  	_ =	shalt  }
0x63: {  	_ =	shalt  }
0x64: {  	_ =	shalt  }
0x65: {  	_ =	shalt  }
0x66: {  	_ =	shalt  }
0x67: {  	_ =	shalt  }
0x68: {  	_ =	shalt  }
0x69: {  	_ =	shalt  }
0x6a: {  	_ =	shalt  }
0x6b: {  	_ =	shalt  }
0x6c: {  	_ =	shalt  }
0x6d: {  	_ =	shalt  }
0x6e: {  	_ =	shalt  }
0x6f: {  	_ =	shalt  }
0x70: {  	_ =	shalt  }
0x71: {  	_ =	shalt  }
0x72: {  	_ =	shalt  }
0x73: {  	_ =	shalt  }
0x74: {  	_ =	shalt  }
0x75: {  	_ =	shalt  }
0x76: {  	_ =	shalt  }
0x77: {  	_ =	shalt  }
0x78: {  	_ =	shalt  }
0x79: {  	_ =	shalt  }
0x7a: {  	_ =	shalt  }
0x7b: {  	_ =	shalt  }
0x7c: {  	_ =	shalt  }
0x7d: {  	_ =	shalt  }
0x7e: {  	_ =	shalt  }
0x7f: {  	_ =	shalt  }
0x80: {  	_ =	shalt  }
0x81: {  	_ =	shalt  }
0x82: {  	_ =	shalt  }
0x83: {  	_ =	shalt  }
0x84: {  	_ =	shalt  }
0x85: {  	_ =	shalt  }
0x86: {  	_ =	shalt  }
0x87: {  	_ =	shalt  }
.Lfunc_end0:
.L_simem_size_0:
called_computation.1_lowered:
.L_overlay_start_0:
0x88: {  	s2 =	sld [smem:$0x3FD9]  }
0x89: {  	s3 =	sld [smem:$0x3FFE];
	_ =	sdelay $0x1  }
0x8a: {  	s1 =	srdreg.scid  }
0x8b: {  	s0 =	sand.u32 $0x1, s1  }
0x8c: {  	s16 =	sshll.u32 s0, $0xA;
	s2 =	sadd.s32 s3, s2  }
0x8d: {  	s2 =	sadd.s32 s2, s16  }
0x8e: {  	[smem:$0x3FB1] =	sst s2  }
0x8f: {  	_ = 	snop  }
0x90: {  	(tm) =	ssettm $0x1  }
0x91: {  	s17 =	sld [smem:$0x3FFB];
	_ =	sdelay $0x3  }
0x92: {  	_ =	strace s17  }
0x93: {  	s2 =	sld [smem:$0x3FFC];
	_ =	sdelay $0x3  }
0x94: {  	_ =	strace s2  }
0x95: {  	s2 =	sld [smem:$0x3FFD];
	_ =	sdelay $0x3  }
0x96: {  	_ =	strace s2  }
0x97: {  	_ =	strace $0x8FFFFFFF  }
0x98: {  	s18 =	sld [smem:$0x3FDB];
	_ =	sdelay $0x1  }
0x99: {  	s19 =	simm.s32 $_scs_section_size  }
0x9a: {  	s4 =	simm.s32 $_size__tile_overlayer_lowered;
	s5 =	simm.s32 $_tile_overlayer_lowered  }
0x9b: {  	s22 =	simm.s32 $0x1BFF;
	s21 =	sshll.u32 s5, $0x1;
	s2 =	sadd.s32 s19, s18  }
0x9c: {  	s6 =	simm.s32 $0x0;
	s20 =	sshll.u32 s4, $0x1;
	s4 =	sadd.s32 s21, s2  }
0x9d: {  	[timem:s6], [sflag:s22] =	dma.local [hbm:s4], s20  }
0x9e: {  	_ =	swait.ge [sflag:s22], s20  }
0x9f: {  	s3 =	ssub.s32 $0x0, s20;
	[sflag:s22] =	ssyncset.done $0x0  }
0xa0: {  	[sflag:s22] =	ssyncadd.s32 s3;
	_ =	sdelay $0x1  }
0xa1: {  	s23 =	simm.s32 $0x1B8B  }
0xa2: {  	_ =	swait.ge [sflag:s23], $0x1  }
0xa3: {  	[sflag:s23] =	ssyncset.done $0x0  }
0xa4: {  	s25 =	simm.s32 $0x1B8E;
	s24 =	sld [smem:$0x3FFE];
	[sflag:s23] =	ssyncadd.s32 $0xFFFFFFFF  }
0xa5: {  	s26 =	simm.s32 $execute0_lowered;
	[smem:$0x3FD2] =	sst s25  }
0xa6: {  	s4 =	sshll.u32 s26, $0x1;
	_ =	strace $0x80000046;
	[dreg:$0x1] =	wrdreg $0xFFFFFFFF  }
0xa7: {  	s28 =	simm.s32 $_size_execute0_lowered;
	s2 =	sadd.s32 s2, s4;
	[dreg:$0x0] =	wrdreg $0x0  }
0xa8: {  	s4 =	sshll.u32 s28, $0x1;
	[dreg:$0x2] =	wrdreg s2  }
0xa9: {  	[dreg:$0x3] =	wrdreg s4  }
0xaa: {  	[dreg:$0x4] =	wrdreg $0xC0  }
0xab: {  	_ =	task [dreg:s6], $0x5FFFF  }
0xac: {  	[dreg:$0x1] =	wrdreg $0xFFFFFFFF  }
0xad: {  	[dreg:$0x0] =	wrdreg $0x60  }
0xae: {  	[dreg:$0x2] =	wrdreg s24  }
0xaf: {  	[dreg:$0x3] =	wrdreg $0x82000  }
0xb0: {  	[dreg:$0x4] =	wrdreg $0xA  }
0xb1: {  	_ =	task.clear_ibuf [dreg:s6], $0x5FFFF;
	_ =	strace $0x90000046  }
0xb2: {  	s29 =	simm.s32 $0xA;
	_ =	strace $0x80000048  }
0xb3: {  	_ =	swait.ge [sflag:s29], $0x1  }
0xb4: {  	[sflag:s29] =	ssyncadd.s32 $0xFFFFFFFF  }
0xb5: {  	_ =	strace $0x90000048  }
0xb6: {  	_ =	sfence  }
0xb7: {  	s30 =	sld [smem:$0x0];
	_ =	sdelay $0x2  }
0xb8: {  	s31 =	sshll.u32 s1, $0xD;
	s1 =	sshrl.u32 s1, $0x2  }
0xb9: {  	s3 =	sand.u32 $0x4000, s31;
	s1 =	sadd.s32 s1, s30  }
0xba: {  	s0 =	sor.u32 s3, s0;
	s1 =	sshll.u32 s1, $0x11  }
0xbb: {  	s0 =	sor.u32 s1, s0  }
0xbc: {  	s0 =	sadd.s32 $0x8F2B, s0  }
0xbd: {  	[sflag:s0] =	ssyncadd.remote.s32 $0x1  }
0xbe: {  	_ =	sfence.sel $0xFFFF  }
0xbf: {  	[dreg:$0x0] =	wrdreg $0xFFFFFFFF;
	(pc) =	sbr.abs _section_cstart, $3  }
0xc0: {  	[dreg:$0x1] =	wrdreg $0xFFFFFFFF  }
0xc1: {  	_ =	task.clear_ibuf [dreg:s6], $0x2FFFF;
	_ =	strace $0x9FFFFFFF  }
0xc2: {  	(tm) =	ssettm $0x7FFFFFFF  }
0xc3: {  	_ =	shalt  }
tec
execute0_lowered:
.L_overlay_start_1:
0x0: {  	(tag) =	ssettag $0x1  }
0x1: {  	s0 =	rddreg [dreg:$0x0]  }
0x2: {  	s1 =	rddreg [dreg:$0x1];
	s3 =	simm.s32 $0x0;
	s6 =	stileid.u32  }
0x3: {  	s8 =	srdreg.scid;
	s19 =	simm.s32 $0x80;
	s28 =	simm.s32 $0x1  }
0x4: {  	s29 =	simm.s32 $0x5;
	s30 =	simm.s32 $0x2;
	s31 =	simm.s32 $0x6  }
0x5: {  	[smem:$0x7FF] =	sst s3;
	s4 =	sadd.s32 $0x1C600, s0;
	s2 =	smul.u32 $0x4F00, s6  }
0x6: {  	s5 =	sadd.s32 $0x43800, s0;
	s7 =	sadd.s32 $0x12800, s0;
	s9 =	smul.u32 $0x300, s6  }
0x7: {  	s17 =	sadd.s32 $0x8A00, s0;
	s10 =	sadd.s32 $0x6AA00, s0;
	s14 =	sand.u32 $0x1, s8  }
0x8: {  	s22 =	sadd.s32 $0x6D200, s0;
	s0 =	sadd.s32 $0x95200, s0;
	s13 =	smul.u32 $0x50000, s6  }
0x9: {  	s26 =	sshll.u32 s6, $0x6;
	_ =	strace $0x80000047;
	[dreg:$0x3] =	wrdreg s10  }
0xa: {  	s18 =	smul.u32 $0x9E0, s6;
	s20 =	ssub.s32 $0x2, s14;
	[dreg:$0x4] =	wrdreg s22  }
0xb: {  	[dreg:$0x5] =	wrdreg s0;
	p0 =	seq.s32 s14, $0x1;
	s14 =	smul.u32 $0x2800, s6  }
0xc: {  	s22 =	simm.s32 $0x7;
	s0 =	simm.s32 $0x0;
	s2 =	sand.u32 $0x7FC00, s2  }
0xd: {  	s21 =	sand.u32 $0x300, s9;
	s23 =	sshrl.u32 s20, $0x1;
	s25 =	sshrl.u32 s13, $0x2  }
0xe: {  	s13 =	sor.u32 $0x1C07, s26;
	s16 =	sadd.s32 s18, s7;
	s26 =	simm.s32 $0x4200  }
0xf: {  	s2 =	sor.u32 s21, s2;
	s24 =	ssub.s32 s20, s23;
	s20 =	simm.s32 $0x180  }
.Ltmp0:
0x10: {  	s23 =	simm.s32 $0x3;
	s2 =	sshrl.u32 s2, $0x3;
	(pc) =	sbr.rel .LBB2_1-.Ltmp0, $4  }
0x11: {  	s15 =	smax.u32 s24, $0x1;
	s24 =	simm.s32 $0x200;
	s9 =	sadd.s32 s7, s2  }
0x12: {  	s12 =	sor.u32 $0x10, s2;
	s10 =	sadd.s32 s17, s2;
	s2 =	sadd.s32 s25, s1  }
0x13: {  	s25 =	simm.s32 $0x4;
	s11 =	sadd.s32 s7, s12;
	s12 =	sadd.s32 s17, s12  }
0x14: {  	s17 =	sadd.s32 s18, s17;
	s18 =	simm.s32 $0x100;
	s21 =	sshrl.u32 s2, $0x3  }
.LBB2_7:
0x15: {  	[tilespmem:s20], [sflag:$0x6] =	stream.linear.gather [hbm4b:s7+s3], $0x80, $0x38;
	[tilespmem:$0x1C200] =	vst v63  }
0x16: {  	s2 =	rddreg [dreg:$0x5]  }
.LBB2_8:
0x17: {  	_ =	swait.ge [sflag:s28], $0x4000  }
0x18: {  	[sflag:s28] =	ssyncset.done $0x0  }
0x19: {  	[sflag:s28] =	ssyncadd.s32 $0xFFFFC000  }
0x1a: {  	_ =	swait.ge [sflag:s29], $0x80  }
0x1b: {  	[sflag:s29] =	ssyncset.done $0x0  }
0x1c: {  	[sflag:s29] =	ssyncadd.s32 $0xFFFFFF80  }
0x1d: {  	[spmem:s1] =	stream.indirect.scatter.add.f32 [tilespmem:s24], [sflag:$0x7], $0x80, s18, s19, $0xb8;
	[tilespmem:$0x1C200] =	vst v63  }
0x1e: {  	_ =	swait.ge [sflag:s22], $0x4000  }
0x1f: {  	[sflag:s22] =	ssyncset.done $0x0  }
0x20: {  	[sflag:s22] =	ssyncadd.s32 $0xFFFFC000  }
0x21: {  	_ =	swait.ge [sflag:s25], $0x80  }
0x22: {  	[sflag:s25] =	ssyncset.done $0x0  }
0x23: {  	[sflag:s25] =	ssyncadd.s32 $0xFFFFFF80  }
0x24: {  	_ =	swait.ge [sflag:s31], $0x80  }
0x25: {  	s0 =	sadd.s32 $0x1, s0;
	[sflag:s31] =	ssyncset.done $0x0  }
0x26: {  	p1 =	sne.s32 s0, s15;
	[sflag:s31] =	ssyncadd.s32 $0xFFFFFF80  }
.Ltmp1:
0x27: {  	s2 =	sadd.s32 s2, s14;
	[bflag:$0x0] =	sbarrier.arrive $0xFFFF;
	(pc) =	sbr.rel @!p1 .LBB2_9-.Ltmp1, $4  }
0x28: {  	[hbm:s2], [sflag:s13] =	dma.local [spmem:s21], $0x2800  }
0x29: {  	_ =	swait.ge [sflag:s22], $0x2800  }
0x2a: {  	[sflag:s22] =	ssyncset.done $0x0  }
0x2b: {  	[sflag:s22] =	ssyncadd.s32 $0xFFFFD800  }
.LBB2_1:
0x2c: {  	[tilespmem:s3], [sflag:$0x3] =	stream.linear.gather [hbm4b:s9+s3], $0x80, $0x38;
	[tilespmem:$0x1C200] =	vst v63  }
0x2d: {  	_ = 	snop  }
0x2e: {  	[tilespmem:s18], [sflag:$0x5] =	stream.linear.gather [hbm4b:s10+s3], $0x80, $0x38;
	[tilespmem:$0x1C200] =	vst v63  }
0x2f: {  	_ = 	snop  }
0x30: {  	[tilespmem:s19], [sflag:$0x4] =	stream.linear.gather [hbm4b:s11+s3], $0x80, $0x38;
	[tilespmem:$0x1C200] =	vst v63  }
0x31: {  	s2 =	rddreg [dreg:$0x3]  }
0x32: {  	[tilespmem:s20], [sflag:$0x6] =	stream.linear.gather [hbm4b:s12+s3], $0x80, $0x38;
	[tilespmem:$0x1C200] =	vst v63  }
0x33: {  	[spmem:s21], [sflag:s13] =	dma.local [hbm:s2], $0x2800  }
0x34: {  	_ =	swait.ge [sflag:s22], $0x2800  }
0x35: {  	[sflag:s22] =	ssyncset.done $0x0  }
.Ltmp2:
0x36: {  	[sflag:s22] =	ssyncadd.s32 $0xFFFFD800;
	(pc) =	sbr.rel @!p0 .LBB2_2-.Ltmp2, $4  }
0x37: {  	[bflag:$0x0] =	sbarrier.arrive $0xFFFF  }
0x38: {  	_ =	swait.ge [sflag:s23], $0x80  }
0x39: {  	[sflag:s23] =	ssyncset.done $0x0  }
0x3a: {  	[sflag:s23] =	ssyncadd.s32 $0xFFFFFF80  }
0x3b: {  	[tilespmem:s24], [sflag:$0x1] =	stream.indirect.gather [hbm4b:s5+s19], $0x80, s3, s19, $0xb8;
	[tilespmem:$0x1C200] =	vst v63  }
0x3c: {  	_ =	swait.ge [sflag:s25], $0x80  }
0x3d: {  	[sflag:s25] =	ssyncset.done $0x0  }
0x3e: {  	[sflag:s25] =	ssyncadd.s32 $0xFFFFFF80  }
0x3f: {  	[tilespmem:s26], [sflag:$0x2] =	stream.indirect.gather [hbm4b:s5+s19], $0x80, s19, s19, $0xb8;
	[tilespmem:$0x1C200] =	vst v63  }
0x40: {  	_ =	swait.ge [sflag:s28], $0x4000  }
0x41: {  	s2 =	sadd.s32 $0xFFFFF640, s16;
	[sflag:s28] =	ssyncset.done $0x0  }
0x42: {  	s6 =	sadd.s32 $0x9E0, s2;
	[sflag:s28] =	ssyncadd.s32 $0xFFFFC000  }
0x43: {  	[tilespmem:s3], [sflag:$0x3] =	stream.linear.gather [hbm4b:s6+s3], $0x80, $0x38;
	[tilespmem:$0x1C200] =	vst v63  }
0x44: {  	_ =	swait.ge [sflag:s29], $0x80  }
0x45: {  	[sflag:s29] =	ssyncset.done $0x0  }
0x46: {  	[sflag:s29] =	ssyncadd.s32 $0xFFFFFF80  }
0x47: {  	[spmem:s1] =	stream.indirect.scatter.add.f32 [tilespmem:s24], [sflag:$0x7], $0x80, s18, s19, $0xb8;
	[tilespmem:$0x1C200] =	vst v63  }
0x48: {  	_ =	swait.ge [sflag:s22], $0x4000  }
0x49: {  	s8 =	sadd.s32 $0xFFFFF640, s17;
	[sflag:s22] =	ssyncset.done $0x0  }
0x4a: {  	s7 =	sadd.s32 $0x9E0, s8;
	[sflag:s22] =	ssyncadd.s32 $0xFFFFC000  }
0x4b: {  	[tilespmem:s18], [sflag:$0x5] =	stream.linear.gather [hbm4b:s7+s3], $0x80, $0x38;
	[tilespmem:$0x1C200] =	vst v63  }
0x4c: {  	_ =	swait.ge [sflag:s23], $0x80  }
0x4d: {  	[sflag:s23] =	ssyncset.done $0x0  }
0x4e: {  	[sflag:s23] =	ssyncadd.s32 $0xFFFFFF80  }
0x4f: {  	[tilespmem:s24], [sflag:$0x1] =	stream.indirect.gather [hbm4b:s5+s19], $0x80, s3, s19, $0xb8;
	[tilespmem:$0x1C200] =	vst v63  }
0x50: {  	_ =	swait.ge [sflag:s30], $0x4000  }
0x51: {  	[sflag:s30] =	ssyncset.done $0x0  }
0x52: {  	s2 =	sadd.s32 $0x9F0, s2;
	[sflag:s30] =	ssyncadd.s32 $0xFFFFC000  }
0x53: {  	[tilespmem:s19], [sflag:$0x4] =	stream.linear.gather [hbm4b:s2+s3], $0x80, $0x38;
	[tilespmem:$0x1C200] =	vst v63  }
0x54: {  	_ =	swait.ge [sflag:s31], $0x80  }
0x55: {  	[sflag:s31] =	ssyncset.done $0x0  }
0x56: {  	[sflag:s31] =	ssyncadd.s32 $0xFFFFFF80  }
0x57: {  	[spmem:s1] =	stream.indirect.scatter.add.f32 [tilespmem:s26], [sflag:$0x7], $0x80, s20, s19, $0xb8;
	[tilespmem:$0x1C200] =	vst v63  }
0x58: {  	_ =	swait.ge [sflag:s22], $0x4000  }
0x59: {  	[sflag:s22] =	ssyncset.done $0x0  }
0x5a: {  	s7 =	sadd.s32 $0x9F0, s8;
	s2 =	simm.s32 $0xFFFFF660;
	[sflag:s22] =	ssyncadd.s32 $0xFFFFC000  }
.LBB2_6:
0x5b: {  	[tilespmem:s20], [sflag:$0x6] =	stream.linear.gather [hbm4b:s7+s3], $0x80, $0x38;
	[tilespmem:$0x1C200] =	vst v63  }
0x5c: {  	s6 =	smov.u32 s2  }
0x5d: {  	p1 =	sne.s32 s2, $0xFFFFFFE0;
	s2 =	sadd.s32 $0x20, s2;
	_ =	swait.ge [sflag:s25], $0x80  }
0x5e: {  	[sflag:s25] =	ssyncset.done $0x0  }
0x5f: {  	[sflag:s25] =	ssyncadd.s32 $0xFFFFFF80  }
0x60: {  	[tilespmem:s26], [sflag:$0x2] =	stream.indirect.gather [hbm4b:s5+s19], $0x80, s19, s19, $0xb8;
	[tilespmem:$0x1C200] =	vst v63  }
0x61: {  	_ =	swait.ge [sflag:s28], $0x4000  }
0x62: {  	s7 =	sadd.s32 s6, s16;
	[sflag:s28] =	ssyncset.done $0x0  }
0x63: {  	s8 =	sadd.s32 $0x9E0, s7;
	[sflag:s28] =	ssyncadd.s32 $0xFFFFC000  }
0x64: {  	[tilespmem:s3], [sflag:$0x3] =	stream.linear.gather [hbm4b:s8+s3], $0x80, $0x38;
	[tilespmem:$0x1C200] =	vst v63  }
0x65: {  	_ =	swait.ge [sflag:s29], $0x80  }
0x66: {  	[sflag:s29] =	ssyncset.done $0x0  }
0x67: {  	[sflag:s29] =	ssyncadd.s32 $0xFFFFFF80  }
0x68: {  	[spmem:s1] =	stream.indirect.scatter.add.f32 [tilespmem:s24], [sflag:$0x7], $0x80, s18, s19, $0xb8;
	[tilespmem:$0x1C200] =	vst v63  }
0x69: {  	_ =	swait.ge [sflag:s22], $0x4000  }
0x6a: {  	s6 =	sadd.s32 s6, s17;
	[sflag:s22] =	ssyncset.done $0x0  }
0x6b: {  	s8 =	sadd.s32 $0x9E0, s6;
	[sflag:s22] =	ssyncadd.s32 $0xFFFFC000  }
0x6c: {  	[tilespmem:s18], [sflag:$0x5] =	stream.linear.gather [hbm4b:s8+s3], $0x80, $0x38;
	[tilespmem:$0x1C200] =	vst v63  }
0x6d: {  	_ =	swait.ge [sflag:s23], $0x80  }
0x6e: {  	[sflag:s23] =	ssyncset.done $0x0  }
0x6f: {  	[sflag:s23] =	ssyncadd.s32 $0xFFFFFF80  }
0x70: {  	[tilespmem:s24], [sflag:$0x1] =	stream.indirect.gather [hbm4b:s5+s19], $0x80, s3, s19, $0xb8;
	[tilespmem:$0x1C200] =	vst v63  }
0x71: {  	_ =	swait.ge [sflag:s30], $0x4000  }
0x72: {  	[sflag:s30] =	ssyncset.done $0x0  }
0x73: {  	s7 =	sadd.s32 $0x9F0, s7;
	[sflag:s30] =	ssyncadd.s32 $0xFFFFC000  }
0x74: {  	[tilespmem:s19], [sflag:$0x4] =	stream.linear.gather [hbm4b:s7+s3], $0x80, $0x38;
	[tilespmem:$0x1C200] =	vst v63  }
0x75: {  	_ =	swait.ge [sflag:s31], $0x80  }
0x76: {  	[sflag:s31] =	ssyncset.done $0x0  }
.Ltmp3:
0x77: {  	[sflag:s31] =	ssyncadd.s32 $0xFFFFFF80;
	(pc) =	sbr.rel @p1 .LBB2_6-.Ltmp3, $4  }
0x78: {  	[spmem:s1] =	stream.indirect.scatter.add.f32 [tilespmem:s26], [sflag:$0x7], $0x80, s20, s19, $0xb8;
	[tilespmem:$0x1C200] =	vst v63  }
0x79: {  	_ =	swait.ge [sflag:s22], $0x4000  }
0x7a: {  	[sflag:s22] =	ssyncset.done $0x0  }
0x7b: {  	s7 =	sadd.s32 $0x9F0, s6;
	[sflag:s22] =	ssyncadd.s32 $0xFFFFC000  }
.Ltmp4:
0x7c: {  	_ = 	snop;
	(pc) =	sbr.rel .LBB2_7-.Ltmp4, $1  }
0x7d: {  	_ =	sdelay $0x3  }
.LBB2_2:
0x7e: {  	[tilespmem:s24], [sflag:$0x1] =	stream.indirect.gather [hbm4b:s4+s19], $0x80, s3, s19, $0xb8;
	[tilespmem:$0x1C200] =	vst v63  }
0x7f: {  	_ =	swait.ge [sflag:s25], $0x80  }
0x80: {  	[sflag:s25] =	ssyncset.done $0x0  }
0x81: {  	[sflag:s25] =	ssyncadd.s32 $0xFFFFFF80  }
0x82: {  	[tilespmem:s26], [sflag:$0x2] =	stream.indirect.gather [hbm4b:s4+s19], $0x80, s19, s19, $0xb8;
	[tilespmem:$0x1C200] =	vst v63  }
0x83: {  	_ =	swait.ge [sflag:s28], $0x4000  }
0x84: {  	s2 =	sadd.s32 $0xFFFFF640, s16;
	[sflag:s28] =	ssyncset.done $0x0  }
0x85: {  	s7 =	sadd.s32 $0x9E0, s2;
	[sflag:s28] =	ssyncadd.s32 $0xFFFFC000  }
0x86: {  	[tilespmem:s3], [sflag:$0x3] =	stream.linear.gather [hbm4b:s7+s3], $0x80, $0x38;
	[tilespmem:$0x1C200] =	vst v63  }
0x87: {  	_ =	swait.ge [sflag:s29], $0x80  }
0x88: {  	[sflag:s29] =	ssyncset.done $0x0  }
0x89: {  	[sflag:s29] =	ssyncadd.s32 $0xFFFFFF80  }
0x8a: {  	[spmem:s1] =	stream.indirect.scatter.add.f32 [tilespmem:s24], [sflag:$0x7], $0x80, s18, s19, $0xb8;
	[tilespmem:$0x1C200] =	vst v63  }
0x8b: {  	_ =	swait.ge [sflag:s22], $0x4000  }
0x8c: {  	s6 =	sadd.s32 $0xFFFFF640, s17;
	[sflag:s22] =	ssyncset.done $0x0  }
0x8d: {  	s8 =	sadd.s32 $0x9E0, s6;
	[sflag:s22] =	ssyncadd.s32 $0xFFFFC000  }
0x8e: {  	[tilespmem:s18], [sflag:$0x5] =	stream.linear.gather [hbm4b:s8+s3], $0x80, $0x38;
	[tilespmem:$0x1C200] =	vst v63  }
0x8f: {  	_ =	swait.ge [sflag:s23], $0x80  }
0x90: {  	[sflag:s23] =	ssyncset.done $0x0  }
0x91: {  	[sflag:s23] =	ssyncadd.s32 $0xFFFFFF80  }
0x92: {  	[tilespmem:s24], [sflag:$0x1] =	stream.indirect.gather [hbm4b:s4+s19], $0x80, s3, s19, $0xb8;
	[tilespmem:$0x1C200] =	vst v63  }
0x93: {  	_ =	swait.ge [sflag:s30], $0x4000  }
0x94: {  	[sflag:s30] =	ssyncset.done $0x0  }
0x95: {  	s2 =	sadd.s32 $0x9F0, s2;
	[sflag:s30] =	ssyncadd.s32 $0xFFFFC000  }
0x96: {  	[tilespmem:s19], [sflag:$0x4] =	stream.linear.gather [hbm4b:s2+s3], $0x80, $0x38;
	[tilespmem:$0x1C200] =	vst v63  }
0x97: {  	_ =	swait.ge [sflag:s31], $0x80  }
0x98: {  	[sflag:s31] =	ssyncset.done $0x0  }
0x99: {  	[sflag:s31] =	ssyncadd.s32 $0xFFFFFF80  }
0x9a: {  	[spmem:s1] =	stream.indirect.scatter.add.f32 [tilespmem:s26], [sflag:$0x7], $0x80, s20, s19, $0xb8;
	[tilespmem:$0x1C200] =	vst v63  }
0x9b: {  	_ =	swait.ge [sflag:s22], $0x4000  }
0x9c: {  	[sflag:s22] =	ssyncset.done $0x0  }
0x9d: {  	s7 =	sadd.s32 $0x9F0, s6;
	s2 =	simm.s32 $0xFFFFF660;
	[sflag:s22] =	ssyncadd.s32 $0xFFFFC000  }
.LBB2_3:
0x9e: {  	[tilespmem:s20], [sflag:$0x6] =	stream.linear.gather [hbm4b:s7+s3], $0x80, $0x38;
	[tilespmem:$0x1C200] =	vst v63  }
0x9f: {  	s7 =	smov.u32 s2  }
0xa0: {  	p1 =	seq.s32 s2, $0xFFFFFFE0;
	s2 =	sadd.s32 $0x20, s2;
	_ =	swait.ge [sflag:s25], $0x80  }
0xa1: {  	[sflag:s25] =	ssyncset.done $0x0  }
0xa2: {  	[sflag:s25] =	ssyncadd.s32 $0xFFFFFF80  }
0xa3: {  	[tilespmem:s26], [sflag:$0x2] =	stream.indirect.gather [hbm4b:s4+s19], $0x80, s19, s19, $0xb8;
	[tilespmem:$0x1C200] =	vst v63  }
0xa4: {  	_ =	swait.ge [sflag:s28], $0x4000  }
0xa5: {  	s8 =	sadd.s32 s7, s16;
	[sflag:s28] =	ssyncset.done $0x0  }
0xa6: {  	s6 =	sadd.s32 $0x9E0, s8;
	[sflag:s28] =	ssyncadd.s32 $0xFFFFC000  }
0xa7: {  	[tilespmem:s3], [sflag:$0x3] =	stream.linear.gather [hbm4b:s6+s3], $0x80, $0x38;
	[tilespmem:$0x1C200] =	vst v63  }
0xa8: {  	_ =	swait.ge [sflag:s29], $0x80  }
0xa9: {  	[sflag:s29] =	ssyncset.done $0x0  }
0xaa: {  	[sflag:s29] =	ssyncadd.s32 $0xFFFFFF80  }
0xab: {  	[spmem:s1] =	stream.indirect.scatter.add.f32 [tilespmem:s24], [sflag:$0x7], $0x80, s18, s19, $0xb8;
	[tilespmem:$0x1C200] =	vst v63  }
0xac: {  	_ =	swait.ge [sflag:s22], $0x4000  }
0xad: {  	s6 =	sadd.s32 s7, s17;
	[sflag:s22] =	ssyncset.done $0x0  }
0xae: {  	s7 =	sadd.s32 $0x9E0, s6;
	[sflag:s22] =	ssyncadd.s32 $0xFFFFC000  }
0xaf: {  	[tilespmem:s18], [sflag:$0x5] =	stream.linear.gather [hbm4b:s7+s3], $0x80, $0x38;
	[tilespmem:$0x1C200] =	vst v63  }
0xb0: {  	_ =	swait.ge [sflag:s23], $0x80  }
0xb1: {  	[sflag:s23] =	ssyncset.done $0x0  }
0xb2: {  	[sflag:s23] =	ssyncadd.s32 $0xFFFFFF80  }
0xb3: {  	[tilespmem:s24], [sflag:$0x1] =	stream.indirect.gather [hbm4b:s4+s19], $0x80, s3, s19, $0xb8;
	[tilespmem:$0x1C200] =	vst v63  }
0xb4: {  	_ =	swait.ge [sflag:s30], $0x4000  }
0xb5: {  	[sflag:s30] =	ssyncset.done $0x0  }
0xb6: {  	s7 =	sadd.s32 $0x9F0, s8;
	[sflag:s30] =	ssyncadd.s32 $0xFFFFC000  }
0xb7: {  	[tilespmem:s19], [sflag:$0x4] =	stream.linear.gather [hbm4b:s7+s3], $0x80, $0x38;
	[tilespmem:$0x1C200] =	vst v63  }
0xb8: {  	_ =	swait.ge [sflag:s31], $0x80  }
0xb9: {  	[sflag:s31] =	ssyncset.done $0x0  }
.Ltmp5:
0xba: {  	[sflag:s31] =	ssyncadd.s32 $0xFFFFFF80;
	(pc) =	sbr.rel @!p1 .LBB2_3-.Ltmp5, $4  }
0xbb: {  	[spmem:s1] =	stream.indirect.scatter.add.f32 [tilespmem:s26], [sflag:$0x7], $0x80, s20, s19, $0xb8;
	[tilespmem:$0x1C200] =	vst v63  }
0xbc: {  	_ =	swait.ge [sflag:s22], $0x4000  }
0xbd: {  	[sflag:s22] =	ssyncset.done $0x0  }
0xbe: {  	s7 =	sadd.s32 $0x9F0, s6;
	[sflag:s22] =	ssyncadd.s32 $0xFFFFC000  }
.Ltmp6:
0xbf: {  	(pc) =	sbr.rel .LBB2_8-.Ltmp6, $3  }
0xc0: {  	_ =	sdelay $0x1  }
0xc1: {  	[tilespmem:s20], [sflag:$0x6] =	stream.linear.gather [hbm4b:s7+s3], $0x80, $0x38;
	[tilespmem:$0x1C200] =	vst v63  }
0xc2: {  	s2 =	rddreg [dreg:$0x4]  }
.LBB2_9:
0xc3: {  	_ =	sfence.sel $0x180000  }
0xc4: {  	[bflag:$0x0] =	sbarrier.arrive $0xFFFF  }
0xc5: {  	_ =	strace $0x90000047  }
0xc6: {  	s0 =	stileid.u32;
	[bflag:$0x2] =	sbarrier.arrive $0xFFFF  }
0xc7: {  	p0 =	sne.s32 s0, $0x0;
	s0 =	rddreg [dreg:$0x2]  }
0xc8: {  	s0 =	sadd.s32 @!p0 $0x100000, s0  }
0xc9: {  	[sflag:s0] =	ssyncadd.tile.s32 @!p0 $0x1;
	_ =	shalt  }
.Lfunc_end2:
_tile_overlayer_lowered:
.L_overlay_start_2:
0xca: {  	(tag) =	ssettag $0x2  }
0xcb: {  	s0 =	rddreg [dreg:$0x0];
	s2 =	stileid.u32  }
0xcc: {  	s1 =	rddreg [dreg:$0x1];
	p0 =	sne.s32 s2, $0x0  }
0xcd: {  	s3 =	rddreg [dreg:$0x2];
	[bflag:$0x3] =	sbarrier.arrive $0xFFFF;
	s2 =	simm.s32 @!p0 $0x1C07  }
0xce: {  	[timem:s3], [sflag:s2] =	dma.local @!p0 [hbm:s0], s1  }
0xcf: {  	s0 =	simm.s32 @!p0 $0x7  }
0xd0: {  	_ =	swait.ge @!p0 [sflag:s0], s1  }
0xd1: {  	s1 =	ssub.s32 @!p0 $0x0, s1;
	[sflag:s0] =	ssyncset.done @!p0 $0x0  }
0xd2: {  	[sflag:s0] =	ssyncadd.s32 @!p0 s1  }
0xd3: {  	[bflag:$0x3] =	sbarrier.arrive $0xFFFF  }
0xd4: {  	_ =	shalt  }

// kernel: kernel.16.cloned.1.call-start
scs
__scs_entry_jumppad:
0x0: {  	(pc) =	sbr.rel $0x88, $3  }
0x1: {  	(tag) =	ssettag $0x0;
	lr =	simm.s32 $0x1  }
0x2: {  	[smem:$0x3F8A] =	sst lr;
	_ =	strace $0xD0000000  }
0x3: {  	_ = 	snop  }
0x4: {  	_ = 	snop  }
0x5: {  	_ = 	snop  }
0x6: {  	_ = 	snop  }
0x7: {  	_ = 	snop  }
__scs_overlays_trampoline_lowered:
0x8: {  	[smem:$0x3F99] =	sst s0  }
0x9: {  	[smem:$0x3F9A] =	sst s1  }
0xa: {  	[smem:$0x3F9B] =	sst s2  }
0xb: {  	[smem:$0x3F9C] =	sst s3  }
0xc: {  	[smem:$0x3F9D] =	sst s4  }
0xd: {  	[smem:$0x3F9E] =	sst s5  }
0xe: {  	[smem:$0x3F9F] =	sst s6  }
0xf: {  	[smem:$0x3FA0] =	sst s7  }
0x10: {  	[smem:$0x3FA1] =	sst s8  }
0x11: {  	[smem:$0x3FA2] =	sst s9;
	s0 =	simm.s32 @!p0 $0x0  }
0x12: {  	s1 =	sld [smem:$0x3F88];
	s0 =	simm.s32 @p0 $0x1  }
0x13: {  	[smem:$0x3FA3] =	sst s0;
	s0 =	simm.s32 @!p1 $0x0  }
0x14: {  	s2 =	sld [smem:$0x3F87];
	s0 =	simm.s32 @p1 $0x1  }
0x15: {  	[smem:$0x3FA4] =	sst s0;
	s0 =	simm.s32 @!p2 $0x0  }
0x16: {  	s3 =	sld [smem:$0x3FDB];
	s0 =	simm.s32 @p2 $0x1  }
0x17: {  	s4 =	simm.s32 $0x1BF5;
	[smem:$0x3FA6] =	sst s0  }
0x18: {  	s0 =	sld [smem:$0x3F89];
	_ =	swait.ge [sflag:s4], $0x0  }
0x19: {  	s7 =	sld [smem:$0x3F8A]  }
0x1a: {  	s8 =	sadd.s32 $0xFFFFE003, lr  }
0x1b: {  	s9 =	sadd.s32 $0xFFFFFEF7, lr;
	s5 =	simm.s32 $0xFFFFFFFF;
	p2 =	slt.u32 s8, $0xFFFFF086  }
0x1c: {  	p1 =	slt.u32 s9, $0xF7A;
	s5 =	simm.s32 @!p2 $0x0  }
0x1d: {  	s5 =	simm.s32 @p1 $0x1;
	p0 =	seq.s32 s7, s2  }
0x1e: {  	s7 =	smul.u32 @!p0 $0xF7A, s2;
	p2 =	seq.s32 @!p0 s5, $0x0  }
0x1f: {  	s9 =	smul.u32 $0xF7A, s1;
	s8 =	simm.s32 @!p0 $0x1BF5;
	p2 =	por !p2, p0  }
0x20: {  	[sflag:s8] =	ssyncset.s32 @!p0 $0xFFFFF086;
	s6 =	sadd.s32 @!p0 s3, s7;
	s7 =	simm.s32 @!p0 $0x108  }
0x21: {  	s3 =	sadd.s32 s3, s9;
	s6 =	sadd.s32 @!p0 $0x88, s6;
	s7 =	simm.s32 @p2 $0x1082  }
0x22: {  	[simem:s7], [sflag:s8] =	dma.local @!p0 [hbm:s6], $0xF7A  }
0x23: {  	s9 =	sor.u32 $0xD0000000, s2;
	s6 =	simm.s32 $0x108;
	_ =	swait.ge @!p0 [sflag:s8], $0x0  }
0x24: {  	s3 =	sadd.s32 $0x88, s3;
	s6 =	simm.s32 @!p1 $0x1082;
	[sflag:s4] =	ssyncset.s32 $0xFFFFF086  }
0x25: {  	[simem:s6], [sflag:s4] =	dma.local [hbm:s3], $0xF7A  }
0x26: {  	[smem:$0x3F8A] =	sst s1;
	(tag) =	ssettag s2;
	_ =	strace s9  }
0x27: {  	s1 =	sld [smem:$0x3F9A]  }
0x28: {  	s2 =	sld [smem:$0x3F9B]  }
0x29: {  	s4 =	sld [smem:$0x3F9D]  }
0x2a: {  	p0 =	seq.s32 s5, $0x0;
	s5 =	sld [smem:$0x3F9E]  }
0x2b: {  	s6 =	sld [smem:$0x3F9F]  }
0x2c: {  	s7 =	sld [smem:$0x3FA0]  }
0x2d: {  	s3 =	simm.s32 $0x108;
	s8 =	sld [smem:$0x3FA1]  }
0x2e: {  	s3 =	simm.s32 @!p0 $0x1082;
	s9 =	sld [smem:$0x3FA2]  }
0x2f: {  	lr =	sadd.s32 s0, s3;
	s0 =	sld [smem:$0x3F99]  }
0x30: {  	s3 =	sld [smem:$0x3F9C]  }
0x31: {  	[smem:$0x3FA5] =	sst s10  }
0x32: {  	s10 =	sld [smem:$0x3FA3];
	_ =	sdelay $0x3  }
0x33: {  	p0 =	seq.s32 s10, $0x1;
	s10 =	sld [smem:$0x3FA5];
	_ =	sdelay $0x3  }
0x34: {  	[smem:$0x3FA5] =	sst s10  }
0x35: {  	s10 =	sld [smem:$0x3FA4];
	_ =	sdelay $0x3  }
0x36: {  	p1 =	seq.s32 s10, $0x1;
	s10 =	sld [smem:$0x3FA5];
	_ =	sdelay $0x3  }
0x37: {  	[smem:$0x3FA5] =	sst s10  }
0x38: {  	s10 =	sld [smem:$0x3FA6]  }
0x39: {  	_ = 	snop;
	(pc) =	sbr.ind lr, $3  }
0x3a: {  	_ = 	snop  }
0x3b: {  	_ = 	snop  }
0x3c: {  	p2 =	seq.s32 s10, $0x1;
	s10 =	sld [smem:$0x3FA5]  }
0x3d: {  	_ =	shalt  }
0x3e: {  	_ =	shalt  }
0x3f: {  	_ =	shalt  }
0x40: {  	_ =	shalt  }
0x41: {  	_ =	shalt  }
0x42: {  	_ =	shalt  }
0x43: {  	_ =	shalt  }
0x44: {  	_ =	shalt  }
0x45: {  	_ =	shalt  }
0x46: {  	_ =	shalt  }
0x47: {  	_ =	shalt  }
0x48: {  	_ =	shalt  }
0x49: {  	_ =	shalt  }
0x4a: {  	_ =	shalt  }
0x4b: {  	_ =	shalt  }
0x4c: {  	_ =	shalt  }
0x4d: {  	_ =	shalt  }
0x4e: {  	_ =	shalt  }
0x4f: {  	_ =	shalt  }
0x50: {  	_ =	shalt  }
0x51: {  	_ =	shalt  }
0x52: {  	_ =	shalt  }
0x53: {  	_ =	shalt  }
0x54: {  	_ =	shalt  }
0x55: {  	_ =	shalt  }
0x56: {  	_ =	shalt  }
0x57: {  	_ =	shalt  }
0x58: {  	_ =	shalt  }
0x59: {  	_ =	shalt  }
0x5a: {  	_ =	shalt  }
0x5b: {  	_ =	shalt  }
0x5c: {  	_ =	shalt  }
0x5d: {  	_ =	shalt  }
0x5e: {  	_ =	shalt  }
0x5f: {  	_ =	shalt  }
0x60: {  	_ =	shalt  }
0x61: {  	_ =	shalt  }
0x62: {  	_ =	shalt  }
0x63: {  	_ =	shalt  }
0x64: {  	_ =	shalt  }
0x65: {  	_ =	shalt  }
0x66: {  	_ =	shalt  }
0x67: {  	_ =	shalt  }
0x68: {  	_ =	shalt  }
0x69: {  	_ =	shalt  }
0x6a: {  	_ =	shalt  }
0x6b: {  	_ =	shalt  }
0x6c: {  	_ =	shalt  }
0x6d: {  	_ =	shalt  }
0x6e: {  	_ =	shalt  }
0x6f: {  	_ =	shalt  }
0x70: {  	_ =	shalt  }
0x71: {  	_ =	shalt  }
0x72: {  	_ =	shalt  }
0x73: {  	_ =	shalt  }
0x74: {  	_ =	shalt  }
0x75: {  	_ =	shalt  }
0x76: {  	_ =	shalt  }
0x77: {  	_ =	shalt  }
0x78: {  	_ =	shalt  }
0x79: {  	_ =	shalt  }
0x7a: {  	_ =	shalt  }
0x7b: {  	_ =	shalt  }
0x7c: {  	_ =	shalt  }
0x7d: {  	_ =	shalt  }
0x7e: {  	_ =	shalt  }
0x7f: {  	_ =	shalt  }
0x80: {  	_ =	shalt  }
0x81: {  	_ =	shalt  }
0x82: {  	_ =	shalt  }
0x83: {  	_ =	shalt  }
0x84: {  	_ =	shalt  }
0x85: {  	_ =	shalt  }
0x86: {  	_ =	shalt  }
0x87: {  	_ =	shalt  }
.Lfunc_end0:
.L_simem_size_0:
called_computation.2_lowered:
.L_overlay_start_0:
0x88: {  	s2 =	sld [smem:$0x3FD9]  }
0x89: {  	s3 =	sld [smem:$0x3FFE];
	_ =	sdelay $0x1  }
0x8a: {  	s1 =	srdreg.scid  }
0x8b: {  	s0 =	sand.u32 $0x1, s1  }
0x8c: {  	s16 =	sshll.u32 s0, $0xA;
	s2 =	sadd.s32 s3, s2  }
0x8d: {  	s2 =	sadd.s32 s2, s16  }
0x8e: {  	[smem:$0x3FB1] =	sst s2  }
0x8f: {  	_ = 	snop  }
0x90: {  	(tm) =	ssettm $0x1  }
0x91: {  	s17 =	sld [smem:$0x3FFB];
	_ =	sdelay $0x3  }
0x92: {  	_ =	strace s17  }
0x93: {  	s2 =	sld [smem:$0x3FFC];
	_ =	sdelay $0x3  }
0x94: {  	_ =	strace s2  }
0x95: {  	s2 =	sld [smem:$0x3FFD];
	_ =	sdelay $0x3  }
0x96: {  	_ =	strace s2  }
0x97: {  	_ =	strace $0x8FFFFFFF  }
0x98: {  	s18 =	sld [smem:$0x3FDB];
	_ =	sdelay $0x1  }
0x99: {  	s19 =	simm.s32 $_scs_section_size  }
0x9a: {  	s4 =	simm.s32 $_size__tile_overlayer_lowered;
	s5 =	simm.s32 $_tile_overlayer_lowered  }
0x9b: {  	s22 =	simm.s32 $0x1BFF;
	s21 =	sshll.u32 s5, $0x1;
	s2 =	sadd.s32 s19, s18  }
0x9c: {  	s6 =	simm.s32 $0x0;
	s20 =	sshll.u32 s4, $0x1;
	s4 =	sadd.s32 s21, s2  }
0x9d: {  	[timem:s6], [sflag:s22] =	dma.local [hbm:s4], s20  }
0x9e: {  	_ =	swait.ge [sflag:s22], s20  }
0x9f: {  	s3 =	ssub.s32 $0x0, s20;
	[sflag:s22] =	ssyncset.done $0x0  }
0xa0: {  	[sflag:s22] =	ssyncadd.s32 s3;
	_ =	sdelay $0x1  }
0xa1: {  	s23 =	simm.s32 $0x1B8B  }
0xa2: {  	_ =	swait.ge [sflag:s23], $0x1  }
0xa3: {  	[sflag:s23] =	ssyncset.done $0x0  }
0xa4: {  	s25 =	simm.s32 $0x1B8E;
	s24 =	sld [smem:$0x3FFE];
	[sflag:s23] =	ssyncadd.s32 $0xFFFFFFFF  }
0xa5: {  	s26 =	simm.s32 $execute0_lowered;
	[smem:$0x3FD2] =	sst s25  }
0xa6: {  	s4 =	sshll.u32 s26, $0x1;
	_ =	strace $0x8000004C;
	[dreg:$0x1] =	wrdreg $0xFFFFFFFF  }
0xa7: {  	s28 =	simm.s32 $_size_execute0_lowered;
	s2 =	sadd.s32 s2, s4;
	[dreg:$0x0] =	wrdreg $0x0  }
0xa8: {  	s4 =	sshll.u32 s28, $0x1;
	[dreg:$0x2] =	wrdreg s2  }
0xa9: {  	[dreg:$0x3] =	wrdreg s4  }
0xaa: {  	[dreg:$0x4] =	wrdreg $0xC0  }
0xab: {  	_ =	task [dreg:s6], $0x5FFFF  }
0xac: {  	[dreg:$0x1] =	wrdreg $0xFFFFFFFF  }
0xad: {  	[dreg:$0x0] =	wrdreg $0x60  }
0xae: {  	[dreg:$0x2] =	wrdreg s24  }
0xaf: {  	[dreg:$0x3] =	wrdreg $0x82000  }
0xb0: {  	[dreg:$0x4] =	wrdreg $0x9  }
0xb1: {  	_ =	task.clear_ibuf [dreg:s6], $0x5FFFF;
	_ =	strace $0x9000004C  }
0xb2: {  	s29 =	simm.s32 $0x9;
	_ =	strace $0x8000004E  }
0xb3: {  	_ =	swait.ge [sflag:s29], $0x1  }
0xb4: {  	[sflag:s29] =	ssyncadd.s32 $0xFFFFFFFF  }
0xb5: {  	_ =	strace $0x9000004E  }
0xb6: {  	_ =	sfence  }
0xb7: {  	s30 =	sld [smem:$0x0];
	_ =	sdelay $0x2  }
0xb8: {  	s31 =	sshll.u32 s1, $0xD;
	s1 =	sshrl.u32 s1, $0x2  }
0xb9: {  	s3 =	sand.u32 $0x4000, s31;
	s1 =	sadd.s32 s1, s30  }
0xba: {  	s0 =	sor.u32 s3, s0;
	s1 =	sshll.u32 s1, $0x11  }
0xbb: {  	s0 =	sor.u32 s1, s0  }
0xbc: {  	s0 =	sadd.s32 $0x8F2B, s0  }
0xbd: {  	[sflag:s0] =	ssyncadd.remote.s32 $0x1  }
0xbe: {  	_ =	sfence.sel $0xFFFF  }
0xbf: {  	[dreg:$0x0] =	wrdreg $0xFFFFFFFF;
	(pc) =	sbr.abs _section_cstart, $3  }
0xc0: {  	[dreg:$0x1] =	wrdreg $0xFFFFFFFF  }
0xc1: {  	_ =	task.clear_ibuf [dreg:s6], $0x2FFFF;
	_ =	strace $0x9FFFFFFF  }
0xc2: {  	(tm) =	ssettm $0x7FFFFFFF  }
0xc3: {  	_ =	shalt  }
tec
execute0_lowered:
.L_overlay_start_1:
0x0: {  	(tag) =	ssettag $0x1  }
0x1: {  	s0 =	rddreg [dreg:$0x0]  }
0x2: {  	s1 =	rddreg [dreg:$0x1];
	s3 =	simm.s32 $0x0;
	s6 =	stileid.u32  }
0x3: {  	s8 =	srdreg.scid;
	s19 =	simm.s32 $0x80;
	s28 =	simm.s32 $0x1  }
0x4: {  	s29 =	simm.s32 $0x5;
	s30 =	simm.s32 $0x2;
	s31 =	simm.s32 $0x6  }
0x5: {  	[smem:$0x7FF] =	sst s3;
	s4 =	sadd.s32 $0x1C600, s0;
	s2 =	smul.u32 $0x4F00, s6  }
0x6: {  	s5 =	sadd.s32 $0x43800, s0;
	s7 =	sadd.s32 $0x12800, s0;
	s9 =	smul.u32 $0x300, s6  }
0x7: {  	s17 =	sadd.s32 $0x8A00, s0;
	s10 =	sadd.s32 $0x6AA00, s0;
	s14 =	sand.u32 $0x1, s8  }
0x8: {  	s22 =	sadd.s32 $0x6D200, s0;
	s0 =	sadd.s32 $0x95200, s0;
	s13 =	smul.u32 $0x50000, s6  }
0x9: {  	s26 =	sshll.u32 s6, $0x6;
	_ =	strace $0x8000004D;
	[dreg:$0x3] =	wrdreg s10  }
0xa: {  	s18 =	smul.u32 $0x9E0, s6;
	s20 =	ssub.s32 $0x2, s14;
	[dreg:$0x4] =	wrdreg s22  }
0xb: {  	[dreg:$0x5] =	wrdreg s0;
	p0 =	seq.s32 s14, $0x1;
	s14 =	smul.u32 $0x2800, s6  }
0xc: {  	s22 =	simm.s32 $0x7;
	s0 =	simm.s32 $0x0;
	s2 =	sand.u32 $0x7FC00, s2  }
0xd: {  	s21 =	sand.u32 $0x300, s9;
	s23 =	sshrl.u32 s20, $0x1;
	s25 =	sshrl.u32 s13, $0x2  }
0xe: {  	s13 =	sor.u32 $0x1C07, s26;
	s16 =	sadd.s32 s18, s7;
	s26 =	simm.s32 $0x4200  }
0xf: {  	s2 =	sor.u32 s21, s2;
	s24 =	ssub.s32 s20, s23;
	s20 =	simm.s32 $0x180  }
.Ltmp0:
0x10: {  	s23 =	simm.s32 $0x3;
	s2 =	sshrl.u32 s2, $0x3;
	(pc) =	sbr.rel .LBB2_1-.Ltmp0, $4  }
0x11: {  	s15 =	smax.u32 s24, $0x1;
	s24 =	simm.s32 $0x200;
	s9 =	sadd.s32 s7, s2  }
0x12: {  	s12 =	sor.u32 $0x10, s2;
	s10 =	sadd.s32 s17, s2;
	s2 =	sadd.s32 s25, s1  }
0x13: {  	s25 =	simm.s32 $0x4;
	s11 =	sadd.s32 s7, s12;
	s12 =	sadd.s32 s17, s12  }
0x14: {  	s17 =	sadd.s32 s18, s17;
	s18 =	simm.s32 $0x100;
	s21 =	sshrl.u32 s2, $0x3  }
.LBB2_7:
0x15: {  	[tilespmem:s20], [sflag:$0x6] =	stream.linear.gather [hbm4b:s7+s3], $0x80, $0x38;
	[tilespmem:$0x1C200] =	vst v63  }
0x16: {  	s2 =	rddreg [dreg:$0x5]  }
.LBB2_8:
0x17: {  	_ =	swait.ge [sflag:s28], $0x4000  }
0x18: {  	[sflag:s28] =	ssyncset.done $0x0  }
0x19: {  	[sflag:s28] =	ssyncadd.s32 $0xFFFFC000  }
0x1a: {  	_ =	swait.ge [sflag:s29], $0x80  }
0x1b: {  	[sflag:s29] =	ssyncset.done $0x0  }
0x1c: {  	[sflag:s29] =	ssyncadd.s32 $0xFFFFFF80  }
0x1d: {  	[spmem:s1] =	stream.indirect.scatter.add.f32 [tilespmem:s24], [sflag:$0x7], $0x80, s18, s19, $0xb8;
	[tilespmem:$0x1C200] =	vst v63  }
0x1e: {  	_ =	swait.ge [sflag:s22], $0x4000  }
0x1f: {  	[sflag:s22] =	ssyncset.done $0x0  }
0x20: {  	[sflag:s22] =	ssyncadd.s32 $0xFFFFC000  }
0x21: {  	_ =	swait.ge [sflag:s25], $0x80  }
0x22: {  	[sflag:s25] =	ssyncset.done $0x0  }
0x23: {  	[sflag:s25] =	ssyncadd.s32 $0xFFFFFF80  }
0x24: {  	_ =	swait.ge [sflag:s31], $0x80  }
0x25: {  	s0 =	sadd.s32 $0x1, s0;
	[sflag:s31] =	ssyncset.done $0x0  }
0x26: {  	p1 =	sne.s32 s0, s15;
	[sflag:s31] =	ssyncadd.s32 $0xFFFFFF80  }
.Ltmp1:
0x27: {  	s2 =	sadd.s32 s2, s14;
	[bflag:$0x0] =	sbarrier.arrive $0xFFFF;
	(pc) =	sbr.rel @!p1 .LBB2_9-.Ltmp1, $4  }
0x28: {  	[hbm:s2], [sflag:s13] =	dma.local [spmem:s21], $0x2800  }
0x29: {  	_ =	swait.ge [sflag:s22], $0x2800  }
0x2a: {  	[sflag:s22] =	ssyncset.done $0x0  }
0x2b: {  	[sflag:s22] =	ssyncadd.s32 $0xFFFFD800  }
.LBB2_1:
0x2c: {  	[tilespmem:s3], [sflag:$0x3] =	stream.linear.gather [hbm4b:s9+s3], $0x80, $0x38;
	[tilespmem:$0x1C200] =	vst v63  }
0x2d: {  	_ = 	snop  }
0x2e: {  	[tilespmem:s18], [sflag:$0x5] =	stream.linear.gather [hbm4b:s10+s3], $0x80, $0x38;
	[tilespmem:$0x1C200] =	vst v63  }
0x2f: {  	_ = 	snop  }
0x30: {  	[tilespmem:s19], [sflag:$0x4] =	stream.linear.gather [hbm4b:s11+s3], $0x80, $0x38;
	[tilespmem:$0x1C200] =	vst v63  }
0x31: {  	s2 =	rddreg [dreg:$0x3]  }
0x32: {  	[tilespmem:s20], [sflag:$0x6] =	stream.linear.gather [hbm4b:s12+s3], $0x80, $0x38;
	[tilespmem:$0x1C200] =	vst v63  }
0x33: {  	[spmem:s21], [sflag:s13] =	dma.local [hbm:s2], $0x2800  }
0x34: {  	_ =	swait.ge [sflag:s22], $0x2800  }
0x35: {  	[sflag:s22] =	ssyncset.done $0x0  }
.Ltmp2:
0x36: {  	[sflag:s22] =	ssyncadd.s32 $0xFFFFD800;
	(pc) =	sbr.rel @!p0 .LBB2_2-.Ltmp2, $4  }
0x37: {  	[bflag:$0x0] =	sbarrier.arrive $0xFFFF  }
0x38: {  	_ =	swait.ge [sflag:s23], $0x80  }
0x39: {  	[sflag:s23] =	ssyncset.done $0x0  }
0x3a: {  	[sflag:s23] =	ssyncadd.s32 $0xFFFFFF80  }
0x3b: {  	[tilespmem:s24], [sflag:$0x1] =	stream.indirect.gather [hbm4b:s5+s19], $0x80, s3, s19, $0xb8;
	[tilespmem:$0x1C200] =	vst v63  }
0x3c: {  	_ =	swait.ge [sflag:s25], $0x80  }
0x3d: {  	[sflag:s25] =	ssyncset.done $0x0  }
0x3e: {  	[sflag:s25] =	ssyncadd.s32 $0xFFFFFF80  }
0x3f: {  	[tilespmem:s26], [sflag:$0x2] =	stream.indirect.gather [hbm4b:s5+s19], $0x80, s19, s19, $0xb8;
	[tilespmem:$0x1C200] =	vst v63  }
0x40: {  	_ =	swait.ge [sflag:s28], $0x4000  }
0x41: {  	s2 =	sadd.s32 $0xFFFFF640, s16;
	[sflag:s28] =	ssyncset.done $0x0  }
0x42: {  	s6 =	sadd.s32 $0x9E0, s2;
	[sflag:s28] =	ssyncadd.s32 $0xFFFFC000  }
0x43: {  	[tilespmem:s3], [sflag:$0x3] =	stream.linear.gather [hbm4b:s6+s3], $0x80, $0x38;
	[tilespmem:$0x1C200] =	vst v63  }
0x44: {  	_ =	swait.ge [sflag:s29], $0x80  }
0x45: {  	[sflag:s29] =	ssyncset.done $0x0  }
0x46: {  	[sflag:s29] =	ssyncadd.s32 $0xFFFFFF80  }
0x47: {  	[spmem:s1] =	stream.indirect.scatter.add.f32 [tilespmem:s24], [sflag:$0x7], $0x80, s18, s19, $0xb8;
	[tilespmem:$0x1C200] =	vst v63  }
0x48: {  	_ =	swait.ge [sflag:s22], $0x4000  }
0x49: {  	s8 =	sadd.s32 $0xFFFFF640, s17;
	[sflag:s22] =	ssyncset.done $0x0  }
0x4a: {  	s7 =	sadd.s32 $0x9E0, s8;
	[sflag:s22] =	ssyncadd.s32 $0xFFFFC000  }
0x4b: {  	[tilespmem:s18], [sflag:$0x5] =	stream.linear.gather [hbm4b:s7+s3], $0x80, $0x38;
	[tilespmem:$0x1C200] =	vst v63  }
0x4c: {  	_ =	swait.ge [sflag:s23], $0x80  }
0x4d: {  	[sflag:s23] =	ssyncset.done $0x0  }
0x4e: {  	[sflag:s23] =	ssyncadd.s32 $0xFFFFFF80  }
0x4f: {  	[tilespmem:s24], [sflag:$0x1] =	stream.indirect.gather [hbm4b:s5+s19], $0x80, s3, s19, $0xb8;
	[tilespmem:$0x1C200] =	vst v63  }
0x50: {  	_ =	swait.ge [sflag:s30], $0x4000  }
0x51: {  	[sflag:s30] =	ssyncset.done $0x0  }
0x52: {  	s2 =	sadd.s32 $0x9F0, s2;
	[sflag:s30] =	ssyncadd.s32 $0xFFFFC000  }
0x53: {  	[tilespmem:s19], [sflag:$0x4] =	stream.linear.gather [hbm4b:s2+s3], $0x80, $0x38;
	[tilespmem:$0x1C200] =	vst v63  }
0x54: {  	_ =	swait.ge [sflag:s31], $0x80  }
0x55: {  	[sflag:s31] =	ssyncset.done $0x0  }
0x56: {  	[sflag:s31] =	ssyncadd.s32 $0xFFFFFF80  }
0x57: {  	[spmem:s1] =	stream.indirect.scatter.add.f32 [tilespmem:s26], [sflag:$0x7], $0x80, s20, s19, $0xb8;
	[tilespmem:$0x1C200] =	vst v63  }
0x58: {  	_ =	swait.ge [sflag:s22], $0x4000  }
0x59: {  	[sflag:s22] =	ssyncset.done $0x0  }
0x5a: {  	s7 =	sadd.s32 $0x9F0, s8;
	s2 =	simm.s32 $0xFFFFF660;
	[sflag:s22] =	ssyncadd.s32 $0xFFFFC000  }
.LBB2_6:
0x5b: {  	[tilespmem:s20], [sflag:$0x6] =	stream.linear.gather [hbm4b:s7+s3], $0x80, $0x38;
	[tilespmem:$0x1C200] =	vst v63  }
0x5c: {  	s6 =	smov.u32 s2  }
0x5d: {  	p1 =	sne.s32 s2, $0xFFFFFFE0;
	s2 =	sadd.s32 $0x20, s2;
	_ =	swait.ge [sflag:s25], $0x80  }
0x5e: {  	[sflag:s25] =	ssyncset.done $0x0  }
0x5f: {  	[sflag:s25] =	ssyncadd.s32 $0xFFFFFF80  }
0x60: {  	[tilespmem:s26], [sflag:$0x2] =	stream.indirect.gather [hbm4b:s5+s19], $0x80, s19, s19, $0xb8;
	[tilespmem:$0x1C200] =	vst v63  }
0x61: {  	_ =	swait.ge [sflag:s28], $0x4000  }
0x62: {  	s7 =	sadd.s32 s6, s16;
	[sflag:s28] =	ssyncset.done $0x0  }
0x63: {  	s8 =	sadd.s32 $0x9E0, s7;
	[sflag:s28] =	ssyncadd.s32 $0xFFFFC000  }
0x64: {  	[tilespmem:s3], [sflag:$0x3] =	stream.linear.gather [hbm4b:s8+s3], $0x80, $0x38;
	[tilespmem:$0x1C200] =	vst v63  }
0x65: {  	_ =	swait.ge [sflag:s29], $0x80  }
0x66: {  	[sflag:s29] =	ssyncset.done $0x0  }
0x67: {  	[sflag:s29] =	ssyncadd.s32 $0xFFFFFF80  }
0x68: {  	[spmem:s1] =	stream.indirect.scatter.add.f32 [tilespmem:s24], [sflag:$0x7], $0x80, s18, s19, $0xb8;
	[tilespmem:$0x1C200] =	vst v63  }
0x69: {  	_ =	swait.ge [sflag:s22], $0x4000  }
0x6a: {  	s6 =	sadd.s32 s6, s17;
	[sflag:s22] =	ssyncset.done $0x0  }
0x6b: {  	s8 =	sadd.s32 $0x9E0, s6;
	[sflag:s22] =	ssyncadd.s32 $0xFFFFC000  }
0x6c: {  	[tilespmem:s18], [sflag:$0x5] =	stream.linear.gather [hbm4b:s8+s3], $0x80, $0x38;
	[tilespmem:$0x1C200] =	vst v63  }
0x6d: {  	_ =	swait.ge [sflag:s23], $0x80  }
0x6e: {  	[sflag:s23] =	ssyncset.done $0x0  }
0x6f: {  	[sflag:s23] =	ssyncadd.s32 $0xFFFFFF80  }
0x70: {  	[tilespmem:s24], [sflag:$0x1] =	stream.indirect.gather [hbm4b:s5+s19], $0x80, s3, s19, $0xb8;
	[tilespmem:$0x1C200] =	vst v63  }
0x71: {  	_ =	swait.ge [sflag:s30], $0x4000  }
0x72: {  	[sflag:s30] =	ssyncset.done $0x0  }
0x73: {  	s7 =	sadd.s32 $0x9F0, s7;
	[sflag:s30] =	ssyncadd.s32 $0xFFFFC000  }
0x74: {  	[tilespmem:s19], [sflag:$0x4] =	stream.linear.gather [hbm4b:s7+s3], $0x80, $0x38;
	[tilespmem:$0x1C200] =	vst v63  }
0x75: {  	_ =	swait.ge [sflag:s31], $0x80  }
0x76: {  	[sflag:s31] =	ssyncset.done $0x0  }
.Ltmp3:
0x77: {  	[sflag:s31] =	ssyncadd.s32 $0xFFFFFF80;
	(pc) =	sbr.rel @p1 .LBB2_6-.Ltmp3, $4  }
0x78: {  	[spmem:s1] =	stream.indirect.scatter.add.f32 [tilespmem:s26], [sflag:$0x7], $0x80, s20, s19, $0xb8;
	[tilespmem:$0x1C200] =	vst v63  }
0x79: {  	_ =	swait.ge [sflag:s22], $0x4000  }
0x7a: {  	[sflag:s22] =	ssyncset.done $0x0  }
0x7b: {  	s7 =	sadd.s32 $0x9F0, s6;
	[sflag:s22] =	ssyncadd.s32 $0xFFFFC000  }
.Ltmp4:
0x7c: {  	_ = 	snop;
	(pc) =	sbr.rel .LBB2_7-.Ltmp4, $1  }
0x7d: {  	_ =	sdelay $0x3  }
.LBB2_2:
0x7e: {  	[tilespmem:s24], [sflag:$0x1] =	stream.indirect.gather [hbm4b:s4+s19], $0x80, s3, s19, $0xb8;
	[tilespmem:$0x1C200] =	vst v63  }
0x7f: {  	_ =	swait.ge [sflag:s25], $0x80  }
0x80: {  	[sflag:s25] =	ssyncset.done $0x0  }
0x81: {  	[sflag:s25] =	ssyncadd.s32 $0xFFFFFF80  }
0x82: {  	[tilespmem:s26], [sflag:$0x2] =	stream.indirect.gather [hbm4b:s4+s19], $0x80, s19, s19, $0xb8;
	[tilespmem:$0x1C200] =	vst v63  }
0x83: {  	_ =	swait.ge [sflag:s28], $0x4000  }
0x84: {  	s2 =	sadd.s32 $0xFFFFF640, s16;
	[sflag:s28] =	ssyncset.done $0x0  }
0x85: {  	s7 =	sadd.s32 $0x9E0, s2;
	[sflag:s28] =	ssyncadd.s32 $0xFFFFC000  }
0x86: {  	[tilespmem:s3], [sflag:$0x3] =	stream.linear.gather [hbm4b:s7+s3], $0x80, $0x38;
	[tilespmem:$0x1C200] =	vst v63  }
0x87: {  	_ =	swait.ge [sflag:s29], $0x80  }
0x88: {  	[sflag:s29] =	ssyncset.done $0x0  }
0x89: {  	[sflag:s29] =	ssyncadd.s32 $0xFFFFFF80  }
0x8a: {  	[spmem:s1] =	stream.indirect.scatter.add.f32 [tilespmem:s24], [sflag:$0x7], $0x80, s18, s19, $0xb8;
	[tilespmem:$0x1C200] =	vst v63  }
0x8b: {  	_ =	swait.ge [sflag:s22], $0x4000  }
0x8c: {  	s6 =	sadd.s32 $0xFFFFF640, s17;
	[sflag:s22] =	ssyncset.done $0x0  }
0x8d: {  	s8 =	sadd.s32 $0x9E0, s6;
	[sflag:s22] =	ssyncadd.s32 $0xFFFFC000  }
0x8e: {  	[tilespmem:s18], [sflag:$0x5] =	stream.linear.gather [hbm4b:s8+s3], $0x80, $0x38;
	[tilespmem:$0x1C200] =	vst v63  }
0x8f: {  	_ =	swait.ge [sflag:s23], $0x80  }
0x90: {  	[sflag:s23] =	ssyncset.done $0x0  }
0x91: {  	[sflag:s23] =	ssyncadd.s32 $0xFFFFFF80  }
0x92: {  	[tilespmem:s24], [sflag:$0x1] =	stream.indirect.gather [hbm4b:s4+s19], $0x80, s3, s19, $0xb8;
	[tilespmem:$0x1C200] =	vst v63  }
0x93: {  	_ =	swait.ge [sflag:s30], $0x4000  }
0x94: {  	[sflag:s30] =	ssyncset.done $0x0  }
0x95: {  	s2 =	sadd.s32 $0x9F0, s2;
	[sflag:s30] =	ssyncadd.s32 $0xFFFFC000  }
0x96: {  	[tilespmem:s19], [sflag:$0x4] =	stream.linear.gather [hbm4b:s2+s3], $0x80, $0x38;
	[tilespmem:$0x1C200] =	vst v63  }
0x97: {  	_ =	swait.ge [sflag:s31], $0x80  }
0x98: {  	[sflag:s31] =	ssyncset.done $0x0  }
0x99: {  	[sflag:s31] =	ssyncadd.s32 $0xFFFFFF80  }
0x9a: {  	[spmem:s1] =	stream.indirect.scatter.add.f32 [tilespmem:s26], [sflag:$0x7], $0x80, s20, s19, $0xb8;
	[tilespmem:$0x1C200] =	vst v63  }
0x9b: {  	_ =	swait.ge [sflag:s22], $0x4000  }
0x9c: {  	[sflag:s22] =	ssyncset.done $0x0  }
0x9d: {  	s7 =	sadd.s32 $0x9F0, s6;
	s2 =	simm.s32 $0xFFFFF660;
	[sflag:s22] =	ssyncadd.s32 $0xFFFFC000  }
.LBB2_3:
0x9e: {  	[tilespmem:s20], [sflag:$0x6] =	stream.linear.gather [hbm4b:s7+s3], $0x80, $0x38;
	[tilespmem:$0x1C200] =	vst v63  }
0x9f: {  	s7 =	smov.u32 s2  }
0xa0: {  	p1 =	seq.s32 s2, $0xFFFFFFE0;
	s2 =	sadd.s32 $0x20, s2;
	_ =	swait.ge [sflag:s25], $0x80  }
0xa1: {  	[sflag:s25] =	ssyncset.done $0x0  }
0xa2: {  	[sflag:s25] =	ssyncadd.s32 $0xFFFFFF80  }
0xa3: {  	[tilespmem:s26], [sflag:$0x2] =	stream.indirect.gather [hbm4b:s4+s19], $0x80, s19, s19, $0xb8;
	[tilespmem:$0x1C200] =	vst v63  }
0xa4: {  	_ =	swait.ge [sflag:s28], $0x4000  }
0xa5: {  	s8 =	sadd.s32 s7, s16;
	[sflag:s28] =	ssyncset.done $0x0  }
0xa6: {  	s6 =	sadd.s32 $0x9E0, s8;
	[sflag:s28] =	ssyncadd.s32 $0xFFFFC000  }
0xa7: {  	[tilespmem:s3], [sflag:$0x3] =	stream.linear.gather [hbm4b:s6+s3], $0x80, $0x38;
	[tilespmem:$0x1C200] =	vst v63  }
0xa8: {  	_ =	swait.ge [sflag:s29], $0x80  }
0xa9: {  	[sflag:s29] =	ssyncset.done $0x0  }
0xaa: {  	[sflag:s29] =	ssyncadd.s32 $0xFFFFFF80  }
0xab: {  	[spmem:s1] =	stream.indirect.scatter.add.f32 [tilespmem:s24], [sflag:$0x7], $0x80, s18, s19, $0xb8;
	[tilespmem:$0x1C200] =	vst v63  }
0xac: {  	_ =	swait.ge [sflag:s22], $0x4000  }
0xad: {  	s6 =	sadd.s32 s7, s17;
	[sflag:s22] =	ssyncset.done $0x0  }
0xae: {  	s7 =	sadd.s32 $0x9E0, s6;
	[sflag:s22] =	ssyncadd.s32 $0xFFFFC000  }
0xaf: {  	[tilespmem:s18], [sflag:$0x5] =	stream.linear.gather [hbm4b:s7+s3], $0x80, $0x38;
	[tilespmem:$0x1C200] =	vst v63  }
0xb0: {  	_ =	swait.ge [sflag:s23], $0x80  }
0xb1: {  	[sflag:s23] =	ssyncset.done $0x0  }
0xb2: {  	[sflag:s23] =	ssyncadd.s32 $0xFFFFFF80  }
0xb3: {  	[tilespmem:s24], [sflag:$0x1] =	stream.indirect.gather [hbm4b:s4+s19], $0x80, s3, s19, $0xb8;
	[tilespmem:$0x1C200] =	vst v63  }
0xb4: {  	_ =	swait.ge [sflag:s30], $0x4000  }
0xb5: {  	[sflag:s30] =	ssyncset.done $0x0  }
0xb6: {  	s7 =	sadd.s32 $0x9F0, s8;
	[sflag:s30] =	ssyncadd.s32 $0xFFFFC000  }
0xb7: {  	[tilespmem:s19], [sflag:$0x4] =	stream.linear.gather [hbm4b:s7+s3], $0x80, $0x38;
	[tilespmem:$0x1C200] =	vst v63  }
0xb8: {  	_ =	swait.ge [sflag:s31], $0x80  }
0xb9: {  	[sflag:s31] =	ssyncset.done $0x0  }
.Ltmp5:
0xba: {  	[sflag:s31] =	ssyncadd.s32 $0xFFFFFF80;
	(pc) =	sbr.rel @!p1 .LBB2_3-.Ltmp5, $4  }
0xbb: {  	[spmem:s1] =	stream.indirect.scatter.add.f32 [tilespmem:s26], [sflag:$0x7], $0x80, s20, s19, $0xb8;
	[tilespmem:$0x1C200] =	vst v63  }
0xbc: {  	_ =	swait.ge [sflag:s22], $0x4000  }
0xbd: {  	[sflag:s22] =	ssyncset.done $0x0  }
0xbe: {  	s7 =	sadd.s32 $0x9F0, s6;
	[sflag:s22] =	ssyncadd.s32 $0xFFFFC000  }
.Ltmp6:
0xbf: {  	(pc) =	sbr.rel .LBB2_8-.Ltmp6, $3  }
0xc0: {  	_ =	sdelay $0x1  }
0xc1: {  	[tilespmem:s20], [sflag:$0x6] =	stream.linear.gather [hbm4b:s7+s3], $0x80, $0x38;
	[tilespmem:$0x1C200] =	vst v63  }
0xc2: {  	s2 =	rddreg [dreg:$0x4]  }
.LBB2_9:
0xc3: {  	_ =	sfence.sel $0x180000  }
0xc4: {  	[bflag:$0x0] =	sbarrier.arrive $0xFFFF  }
0xc5: {  	_ =	strace $0x9000004D  }
0xc6: {  	s0 =	stileid.u32;
	[bflag:$0x2] =	sbarrier.arrive $0xFFFF  }
0xc7: {  	p0 =	sne.s32 s0, $0x0;
	s0 =	rddreg [dreg:$0x2]  }
0xc8: {  	s0 =	sadd.s32 @!p0 $0x100000, s0  }
0xc9: {  	[sflag:s0] =	ssyncadd.tile.s32 @!p0 $0x1;
	_ =	shalt  }
.Lfunc_end2:
_tile_overlayer_lowered:
.L_overlay_start_2:
0xca: {  	(tag) =	ssettag $0x2  }
0xcb: {  	s0 =	rddreg [dreg:$0x0];
	s2 =	stileid.u32  }
0xcc: {  	s1 =	rddreg [dreg:$0x1];
	p0 =	sne.s32 s2, $0x0  }
0xcd: {  	s3 =	rddreg [dreg:$0x2];
	[bflag:$0x3] =	sbarrier.arrive $0xFFFF;
	s2 =	simm.s32 @!p0 $0x1C07  }
0xce: {  	[timem:s3], [sflag:s2] =	dma.local @!p0 [hbm:s0], s1  }
0xcf: {  	s0 =	simm.s32 @!p0 $0x7  }
0xd0: {  	_ =	swait.ge @!p0 [sflag:s0], s1  }
0xd1: {  	s1 =	ssub.s32 @!p0 $0x0, s1;
	[sflag:s0] =	ssyncset.done @!p0 $0x0  }
0xd2: {  	[sflag:s0] =	ssyncadd.s32 @!p0 s1  }
0xd3: {  	[bflag:$0x3] =	sbarrier.arrive $0xFFFF  }
0xd4: {  	_ =	shalt  }

// kernel: kernel.19.cloned.1.call-start
scs
__scs_entry_jumppad:
0x0: {  	(pc) =	sbr.rel $0x88, $3  }
0x1: {  	(tag) =	ssettag $0x0;
	lr =	simm.s32 $0x1  }
0x2: {  	[smem:$0x3F8A] =	sst lr;
	_ =	strace $0xD0000000  }
0x3: {  	_ = 	snop  }
0x4: {  	_ = 	snop  }
0x5: {  	_ = 	snop  }
0x6: {  	_ = 	snop  }
0x7: {  	_ = 	snop  }
__scs_overlays_trampoline_lowered:
0x8: {  	[smem:$0x3F99] =	sst s0  }
0x9: {  	[smem:$0x3F9A] =	sst s1  }
0xa: {  	[smem:$0x3F9B] =	sst s2  }
0xb: {  	[smem:$0x3F9C] =	sst s3  }
0xc: {  	[smem:$0x3F9D] =	sst s4  }
0xd: {  	[smem:$0x3F9E] =	sst s5  }
0xe: {  	[smem:$0x3F9F] =	sst s6  }
0xf: {  	[smem:$0x3FA0] =	sst s7  }
0x10: {  	[smem:$0x3FA1] =	sst s8  }
0x11: {  	[smem:$0x3FA2] =	sst s9;
	s0 =	simm.s32 @!p0 $0x0  }
0x12: {  	s1 =	sld [smem:$0x3F88];
	s0 =	simm.s32 @p0 $0x1  }
0x13: {  	[smem:$0x3FA3] =	sst s0;
	s0 =	simm.s32 @!p1 $0x0  }
0x14: {  	s2 =	sld [smem:$0x3F87];
	s0 =	simm.s32 @p1 $0x1  }
0x15: {  	[smem:$0x3FA4] =	sst s0;
	s0 =	simm.s32 @!p2 $0x0  }
0x16: {  	s3 =	sld [smem:$0x3FDB];
	s0 =	simm.s32 @p2 $0x1  }
0x17: {  	s4 =	simm.s32 $0x1BF5;
	[smem:$0x3FA6] =	sst s0  }
0x18: {  	s0 =	sld [smem:$0x3F89];
	_ =	swait.ge [sflag:s4], $0x0  }
0x19: {  	s7 =	sld [smem:$0x3F8A]  }
0x1a: {  	s8 =	sadd.s32 $0xFFFFE003, lr  }
0x1b: {  	s9 =	sadd.s32 $0xFFFFFEF7, lr;
	s5 =	simm.s32 $0xFFFFFFFF;
	p2 =	slt.u32 s8, $0xFFFFF086  }
0x1c: {  	p1 =	slt.u32 s9, $0xF7A;
	s5 =	simm.s32 @!p2 $0x0  }
0x1d: {  	s5 =	simm.s32 @p1 $0x1;
	p0 =	seq.s32 s7, s2  }
0x1e: {  	s7 =	smul.u32 @!p0 $0xF7A, s2;
	p2 =	seq.s32 @!p0 s5, $0x0  }
0x1f: {  	s9 =	smul.u32 $0xF7A, s1;
	s8 =	simm.s32 @!p0 $0x1BF5;
	p2 =	por !p2, p0  }
0x20: {  	[sflag:s8] =	ssyncset.s32 @!p0 $0xFFFFF086;
	s6 =	sadd.s32 @!p0 s3, s7;
	s7 =	simm.s32 @!p0 $0x108  }
0x21: {  	s3 =	sadd.s32 s3, s9;
	s6 =	sadd.s32 @!p0 $0x88, s6;
	s7 =	simm.s32 @p2 $0x1082  }
0x22: {  	[simem:s7], [sflag:s8] =	dma.local @!p0 [hbm:s6], $0xF7A  }
0x23: {  	s9 =	sor.u32 $0xD0000000, s2;
	s6 =	simm.s32 $0x108;
	_ =	swait.ge @!p0 [sflag:s8], $0x0  }
0x24: {  	s3 =	sadd.s32 $0x88, s3;
	s6 =	simm.s32 @!p1 $0x1082;
	[sflag:s4] =	ssyncset.s32 $0xFFFFF086  }
0x25: {  	[simem:s6], [sflag:s4] =	dma.local [hbm:s3], $0xF7A  }
0x26: {  	[smem:$0x3F8A] =	sst s1;
	(tag) =	ssettag s2;
	_ =	strace s9  }
0x27: {  	s1 =	sld [smem:$0x3F9A]  }
0x28: {  	s2 =	sld [smem:$0x3F9B]  }
0x29: {  	s4 =	sld [smem:$0x3F9D]  }
0x2a: {  	p0 =	seq.s32 s5, $0x0;
	s5 =	sld [smem:$0x3F9E]  }
0x2b: {  	s6 =	sld [smem:$0x3F9F]  }
0x2c: {  	s7 =	sld [smem:$0x3FA0]  }
0x2d: {  	s3 =	simm.s32 $0x108;
	s8 =	sld [smem:$0x3FA1]  }
0x2e: {  	s3 =	simm.s32 @!p0 $0x1082;
	s9 =	sld [smem:$0x3FA2]  }
0x2f: {  	lr =	sadd.s32 s0, s3;
	s0 =	sld [smem:$0x3F99]  }
0x30: {  	s3 =	sld [smem:$0x3F9C]  }
0x31: {  	[smem:$0x3FA5] =	sst s10  }
0x32: {  	s10 =	sld [smem:$0x3FA3];
	_ =	sdelay $0x3  }
0x33: {  	p0 =	seq.s32 s10, $0x1;
	s10 =	sld [smem:$0x3FA5];
	_ =	sdelay $0x3  }
0x34: {  	[smem:$0x3FA5] =	sst s10  }
0x35: {  	s10 =	sld [smem:$0x3FA4];
	_ =	sdelay $0x3  }
0x36: {  	p1 =	seq.s32 s10, $0x1;
	s10 =	sld [smem:$0x3FA5];
	_ =	sdelay $0x3  }
0x37: {  	[smem:$0x3FA5] =	sst s10  }
0x38: {  	s10 =	sld [smem:$0x3FA6]  }
0x39: {  	_ = 	snop;
	(pc) =	sbr.ind lr, $3  }
0x3a: {  	_ = 	snop  }
0x3b: {  	_ = 	snop  }
0x3c: {  	p2 =	seq.s32 s10, $0x1;
	s10 =	sld [smem:$0x3FA5]  }
0x3d: {  	_ =	shalt  }
0x3e: {  	_ =	shalt  }
0x3f: {  	_ =	shalt  }
0x40: {  	_ =	shalt  }
0x41: {  	_ =	shalt  }
0x42: {  	_ =	shalt  }
0x43: {  	_ =	shalt  }
0x44: {  	_ =	shalt  }
0x45: {  	_ =	shalt  }
0x46: {  	_ =	shalt  }
0x47: {  	_ =	shalt  }
0x48: {  	_ =	shalt  }
0x49: {  	_ =	shalt  }
0x4a: {  	_ =	shalt  }
0x4b: {  	_ =	shalt  }
0x4c: {  	_ =	shalt  }
0x4d: {  	_ =	shalt  }
0x4e: {  	_ =	shalt  }
0x4f: {  	_ =	shalt  }
0x50: {  	_ =	shalt  }
0x51: {  	_ =	shalt  }
0x52: {  	_ =	shalt  }
0x53: {  	_ =	shalt  }
0x54: {  	_ =	shalt  }
0x55: {  	_ =	shalt  }
0x56: {  	_ =	shalt  }
0x57: {  	_ =	shalt  }
0x58: {  	_ =	shalt  }
0x59: {  	_ =	shalt  }
0x5a: {  	_ =	shalt  }
0x5b: {  	_ =	shalt  }
0x5c: {  	_ =	shalt  }
0x5d: {  	_ =	shalt  }
0x5e: {  	_ =	shalt  }
0x5f: {  	_ =	shalt  }
0x60: {  	_ =	shalt  }
0x61: {  	_ =	shalt  }
0x62: {  	_ =	shalt  }
0x63: {  	_ =	shalt  }
0x64: {  	_ =	shalt  }
0x65: {  	_ =	shalt  }
0x66: {  	_ =	shalt  }
0x67: {  	_ =	shalt  }
0x68: {  	_ =	shalt  }
0x69: {  	_ =	shalt  }
0x6a: {  	_ =	shalt  }
0x6b: {  	_ =	shalt  }
0x6c: {  	_ =	shalt  }
0x6d: {  	_ =	shalt  }
0x6e: {  	_ =	shalt  }
0x6f: {  	_ =	shalt  }
0x70: {  	_ =	shalt  }
0x71: {  	_ =	shalt  }
0x72: {  	_ =	shalt  }
0x73: {  	_ =	shalt  }
0x74: {  	_ =	shalt  }
0x75: {  	_ =	shalt  }
0x76: {  	_ =	shalt  }
0x77: {  	_ =	shalt  }
0x78: {  	_ =	shalt  }
0x79: {  	_ =	shalt  }
0x7a: {  	_ =	shalt  }
0x7b: {  	_ =	shalt  }
0x7c: {  	_ =	shalt  }
0x7d: {  	_ =	shalt  }
0x7e: {  	_ =	shalt  }
0x7f: {  	_ =	shalt  }
0x80: {  	_ =	shalt  }
0x81: {  	_ =	shalt  }
0x82: {  	_ =	shalt  }
0x83: {  	_ =	shalt  }
0x84: {  	_ =	shalt  }
0x85: {  	_ =	shalt  }
0x86: {  	_ =	shalt  }
0x87: {  	_ =	shalt  }
.Lfunc_end0:
.L_simem_size_0:
called_computation.3_lowered:
.L_overlay_start_0:
0x88: {  	s2 =	sld [smem:$0x3FD9]  }
0x89: {  	s3 =	sld [smem:$0x3FFE];
	_ =	sdelay $0x1  }
0x8a: {  	s1 =	srdreg.scid  }
0x8b: {  	s0 =	sand.u32 $0x1, s1  }
0x8c: {  	s16 =	sshll.u32 s0, $0xA;
	s2 =	sadd.s32 s3, s2  }
0x8d: {  	s2 =	sadd.s32 s2, s16  }
0x8e: {  	[smem:$0x3FB1] =	sst s2  }
0x8f: {  	_ = 	snop  }
0x90: {  	(tm) =	ssettm $0x1  }
0x91: {  	s17 =	sld [smem:$0x3FFB];
	_ =	sdelay $0x3  }
0x92: {  	_ =	strace s17  }
0x93: {  	s2 =	sld [smem:$0x3FFC];
	_ =	sdelay $0x3  }
0x94: {  	_ =	strace s2  }
0x95: {  	s2 =	sld [smem:$0x3FFD];
	_ =	sdelay $0x3  }
0x96: {  	_ =	strace s2  }
0x97: {  	_ =	strace $0x8FFFFFFF  }
0x98: {  	s18 =	sld [smem:$0x3FDB];
	_ =	sdelay $0x1  }
0x99: {  	s19 =	simm.s32 $_scs_section_size  }
0x9a: {  	s4 =	simm.s32 $_size__tile_overlayer_lowered;
	s5 =	simm.s32 $_tile_overlayer_lowered  }
0x9b: {  	s22 =	simm.s32 $0x1BFF;
	s21 =	sshll.u32 s5, $0x1;
	s2 =	sadd.s32 s19, s18  }
0x9c: {  	s6 =	simm.s32 $0x0;
	s20 =	sshll.u32 s4, $0x1;
	s4 =	sadd.s32 s21, s2  }
0x9d: {  	[timem:s6], [sflag:s22] =	dma.local [hbm:s4], s20  }
0x9e: {  	_ =	swait.ge [sflag:s22], s20  }
0x9f: {  	s3 =	ssub.s32 $0x0, s20;
	[sflag:s22] =	ssyncset.done $0x0  }
0xa0: {  	[sflag:s22] =	ssyncadd.s32 s3;
	_ =	sdelay $0x1  }
0xa1: {  	s23 =	simm.s32 $0x1B8B  }
0xa2: {  	_ =	swait.ge [sflag:s23], $0x1  }
0xa3: {  	[sflag:s23] =	ssyncset.done $0x0  }
0xa4: {  	s25 =	simm.s32 $0x1B8E;
	s24 =	sld [smem:$0x3FFE];
	[sflag:s23] =	ssyncadd.s32 $0xFFFFFFFF  }
0xa5: {  	s26 =	simm.s32 $execute0_lowered;
	[smem:$0x3FD2] =	sst s25  }
0xa6: {  	s4 =	sshll.u32 s26, $0x1;
	_ =	strace $0x8000004F;
	[dreg:$0x1] =	wrdreg $0xFFFFFFFF  }
0xa7: {  	s28 =	simm.s32 $_size_execute0_lowered;
	s2 =	sadd.s32 s2, s4;
	[dreg:$0x0] =	wrdreg $0x0  }
0xa8: {  	s4 =	sshll.u32 s28, $0x1;
	[dreg:$0x2] =	wrdreg s2  }
0xa9: {  	[dreg:$0x3] =	wrdreg s4  }
0xaa: {  	[dreg:$0x4] =	wrdreg $0xC0  }
0xab: {  	_ =	task [dreg:s6], $0x5FFFF  }
0xac: {  	[dreg:$0x1] =	wrdreg $0xFFFFFFFF  }
0xad: {  	[dreg:$0x0] =	wrdreg $0x60  }
0xae: {  	[dreg:$0x2] =	wrdreg s24  }
0xaf: {  	[dreg:$0x3] =	wrdreg $0x82000  }
0xb0: {  	[dreg:$0x4] =	wrdreg $0x9  }
0xb1: {  	_ =	task.clear_ibuf [dreg:s6], $0x5FFFF;
	_ =	strace $0x9000004F  }
0xb2: {  	s29 =	simm.s32 $0x9;
	_ =	strace $0x80000051  }
0xb3: {  	_ =	swait.ge [sflag:s29], $0x1  }
0xb4: {  	[sflag:s29] =	ssyncadd.s32 $0xFFFFFFFF  }
0xb5: {  	_ =	strace $0x90000051  }
0xb6: {  	_ =	sfence  }
0xb7: {  	s30 =	sld [smem:$0x0];
	_ =	sdelay $0x2  }
0xb8: {  	s31 =	sshll.u32 s1, $0xD;
	s1 =	sshrl.u32 s1, $0x2  }
0xb9: {  	s3 =	sand.u32 $0x4000, s31;
	s1 =	sadd.s32 s1, s30  }
0xba: {  	s0 =	sor.u32 s3, s0;
	s1 =	sshll.u32 s1, $0x11  }
0xbb: {  	s0 =	sor.u32 s1, s0  }
0xbc: {  	s0 =	sadd.s32 $0x8F2B, s0  }
0xbd: {  	[sflag:s0] =	ssyncadd.remote.s32 $0x1  }
0xbe: {  	_ =	sfence.sel $0xFFFF  }
0xbf: {  	[dreg:$0x0] =	wrdreg $0xFFFFFFFF;
	(pc) =	sbr.abs _section_cstart, $3  }
0xc0: {  	[dreg:$0x1] =	wrdreg $0xFFFFFFFF  }
0xc1: {  	_ =	task.clear_ibuf [dreg:s6], $0x2FFFF;
	_ =	strace $0x9FFFFFFF  }
0xc2: {  	(tm) =	ssettm $0x7FFFFFFF  }
0xc3: {  	_ =	shalt  }
tec
execute0_lowered:
.L_overlay_start_1:
0x0: {  	(tag) =	ssettag $0x1  }
0x1: {  	s0 =	rddreg [dreg:$0x0]  }
0x2: {  	s1 =	rddreg [dreg:$0x1];
	s3 =	simm.s32 $0x0;
	s6 =	stileid.u32  }
0x3: {  	s8 =	srdreg.scid;
	s19 =	simm.s32 $0x80;
	s28 =	simm.s32 $0x1  }
0x4: {  	s29 =	simm.s32 $0x5;
	s30 =	simm.s32 $0x2;
	s31 =	simm.s32 $0x6  }
0x5: {  	[smem:$0x7FF] =	sst s3;
	s4 =	sadd.s32 $0x1C600, s0;
	s2 =	smul.u32 $0x4F00, s6  }
0x6: {  	s5 =	sadd.s32 $0x43800, s0;
	s7 =	sadd.s32 $0x12800, s0;
	s9 =	smul.u32 $0x300, s6  }
0x7: {  	s17 =	sadd.s32 $0x8A00, s0;
	s10 =	sadd.s32 $0x6AA00, s0;
	s14 =	sand.u32 $0x1, s8  }
0x8: {  	s22 =	sadd.s32 $0x6D200, s0;
	s0 =	sadd.s32 $0x95200, s0;
	s13 =	smul.u32 $0x50000, s6  }
0x9: {  	s26 =	sshll.u32 s6, $0x6;
	_ =	strace $0x80000050;
	[dreg:$0x3] =	wrdreg s10  }
0xa: {  	s18 =	smul.u32 $0x9E0, s6;
	s20 =	ssub.s32 $0x2, s14;
	[dreg:$0x4] =	wrdreg s22  }
0xb: {  	[dreg:$0x5] =	wrdreg s0;
	p0 =	seq.s32 s14, $0x1;
	s14 =	smul.u32 $0x2800, s6  }
0xc: {  	s22 =	simm.s32 $0x7;
	s0 =	simm.s32 $0x0;
	s2 =	sand.u32 $0x7FC00, s2  }
0xd: {  	s21 =	sand.u32 $0x300, s9;
	s23 =	sshrl.u32 s20, $0x1;
	s25 =	sshrl.u32 s13, $0x2  }
0xe: {  	s13 =	sor.u32 $0x1C07, s26;
	s16 =	sadd.s32 s18, s7;
	s26 =	simm.s32 $0x4200  }
0xf: {  	s2 =	sor.u32 s21, s2;
	s24 =	ssub.s32 s20, s23;
	s20 =	simm.s32 $0x180  }
.Ltmp0:
0x10: {  	s23 =	simm.s32 $0x3;
	s2 =	sshrl.u32 s2, $0x3;
	(pc) =	sbr.rel .LBB2_1-.Ltmp0, $4  }
0x11: {  	s15 =	smax.u32 s24, $0x1;
	s24 =	simm.s32 $0x200;
	s9 =	sadd.s32 s7, s2  }
0x12: {  	s12 =	sor.u32 $0x10, s2;
	s10 =	sadd.s32 s17, s2;
	s2 =	sadd.s32 s25, s1  }
0x13: {  	s25 =	simm.s32 $0x4;
	s11 =	sadd.s32 s7, s12;
	s12 =	sadd.s32 s17, s12  }
0x14: {  	s17 =	sadd.s32 s18, s17;
	s18 =	simm.s32 $0x100;
	s21 =	sshrl.u32 s2, $0x3  }
.LBB2_7:
0x15: {  	[tilespmem:s20], [sflag:$0x6] =	stream.linear.gather [hbm4b:s7+s3], $0x80, $0x38;
	[tilespmem:$0x1C200] =	vst v63  }
0x16: {  	s2 =	rddreg [dreg:$0x5]  }
.LBB2_8:
0x17: {  	_ =	swait.ge [sflag:s28], $0x4000  }
0x18: {  	[sflag:s28] =	ssyncset.done $0x0  }
0x19: {  	[sflag:s28] =	ssyncadd.s32 $0xFFFFC000  }
0x1a: {  	_ =	swait.ge [sflag:s29], $0x80  }
0x1b: {  	[sflag:s29] =	ssyncset.done $0x0  }
0x1c: {  	[sflag:s29] =	ssyncadd.s32 $0xFFFFFF80  }
0x1d: {  	[spmem:s1] =	stream.indirect.scatter.add.f32 [tilespmem:s24], [sflag:$0x7], $0x80, s18, s19, $0xb8;
	[tilespmem:$0x1C200] =	vst v63  }
0x1e: {  	_ =	swait.ge [sflag:s22], $0x4000  }
0x1f: {  	[sflag:s22] =	ssyncset.done $0x0  }
0x20: {  	[sflag:s22] =	ssyncadd.s32 $0xFFFFC000  }
0x21: {  	_ =	swait.ge [sflag:s25], $0x80  }
0x22: {  	[sflag:s25] =	ssyncset.done $0x0  }
0x23: {  	[sflag:s25] =	ssyncadd.s32 $0xFFFFFF80  }
0x24: {  	_ =	swait.ge [sflag:s31], $0x80  }
0x25: {  	s0 =	sadd.s32 $0x1, s0;
	[sflag:s31] =	ssyncset.done $0x0  }
0x26: {  	p1 =	sne.s32 s0, s15;
	[sflag:s31] =	ssyncadd.s32 $0xFFFFFF80  }
.Ltmp1:
0x27: {  	s2 =	sadd.s32 s2, s14;
	[bflag:$0x0] =	sbarrier.arrive $0xFFFF;
	(pc) =	sbr.rel @!p1 .LBB2_9-.Ltmp1, $4  }
0x28: {  	[hbm:s2], [sflag:s13] =	dma.local [spmem:s21], $0x2800  }
0x29: {  	_ =	swait.ge [sflag:s22], $0x2800  }
0x2a: {  	[sflag:s22] =	ssyncset.done $0x0  }
0x2b: {  	[sflag:s22] =	ssyncadd.s32 $0xFFFFD800  }
.LBB2_1:
0x2c: {  	[tilespmem:s3], [sflag:$0x3] =	stream.linear.gather [hbm4b:s9+s3], $0x80, $0x38;
	[tilespmem:$0x1C200] =	vst v63  }
0x2d: {  	_ = 	snop  }
0x2e: {  	[tilespmem:s18], [sflag:$0x5] =	stream.linear.gather [hbm4b:s10+s3], $0x80, $0x38;
	[tilespmem:$0x1C200] =	vst v63  }
0x2f: {  	_ = 	snop  }
0x30: {  	[tilespmem:s19], [sflag:$0x4] =	stream.linear.gather [hbm4b:s11+s3], $0x80, $0x38;
	[tilespmem:$0x1C200] =	vst v63  }
0x31: {  	s2 =	rddreg [dreg:$0x3]  }
0x32: {  	[tilespmem:s20], [sflag:$0x6] =	stream.linear.gather [hbm4b:s12+s3], $0x80, $0x38;
	[tilespmem:$0x1C200] =	vst v63  }
0x33: {  	[spmem:s21], [sflag:s13] =	dma.local [hbm:s2], $0x2800  }
0x34: {  	_ =	swait.ge [sflag:s22], $0x2800  }
0x35: {  	[sflag:s22] =	ssyncset.done $0x0  }
.Ltmp2:
0x36: {  	[sflag:s22] =	ssyncadd.s32 $0xFFFFD800;
	(pc) =	sbr.rel @!p0 .LBB2_2-.Ltmp2, $4  }
0x37: {  	[bflag:$0x0] =	sbarrier.arrive $0xFFFF  }
0x38: {  	_ =	swait.ge [sflag:s23], $0x80  }
0x39: {  	[sflag:s23] =	ssyncset.done $0x0  }
0x3a: {  	[sflag:s23] =	ssyncadd.s32 $0xFFFFFF80  }
0x3b: {  	[tilespmem:s24], [sflag:$0x1] =	stream.indirect.gather [hbm4b:s5+s19], $0x80, s3, s19, $0xb8;
	[tilespmem:$0x1C200] =	vst v63  }
0x3c: {  	_ =	swait.ge [sflag:s25], $0x80  }
0x3d: {  	[sflag:s25] =	ssyncset.done $0x0  }
0x3e: {  	[sflag:s25] =	ssyncadd.s32 $0xFFFFFF80  }
0x3f: {  	[tilespmem:s26], [sflag:$0x2] =	stream.indirect.gather [hbm4b:s5+s19], $0x80, s19, s19, $0xb8;
	[tilespmem:$0x1C200] =	vst v63  }
0x40: {  	_ =	swait.ge [sflag:s28], $0x4000  }
0x41: {  	s2 =	sadd.s32 $0xFFFFF640, s16;
	[sflag:s28] =	ssyncset.done $0x0  }
0x42: {  	s6 =	sadd.s32 $0x9E0, s2;
	[sflag:s28] =	ssyncadd.s32 $0xFFFFC000  }
0x43: {  	[tilespmem:s3], [sflag:$0x3] =	stream.linear.gather [hbm4b:s6+s3], $0x80, $0x38;
	[tilespmem:$0x1C200] =	vst v63  }
0x44: {  	_ =	swait.ge [sflag:s29], $0x80  }
0x45: {  	[sflag:s29] =	ssyncset.done $0x0  }
0x46: {  	[sflag:s29] =	ssyncadd.s32 $0xFFFFFF80  }
0x47: {  	[spmem:s1] =	stream.indirect.scatter.add.f32 [tilespmem:s24], [sflag:$0x7], $0x80, s18, s19, $0xb8;
	[tilespmem:$0x1C200] =	vst v63  }
0x48: {  	_ =	swait.ge [sflag:s22], $0x4000  }
0x49: {  	s8 =	sadd.s32 $0xFFFFF640, s17;
	[sflag:s22] =	ssyncset.done $0x0  }
0x4a: {  	s7 =	sadd.s32 $0x9E0, s8;
	[sflag:s22] =	ssyncadd.s32 $0xFFFFC000  }
0x4b: {  	[tilespmem:s18], [sflag:$0x5] =	stream.linear.gather [hbm4b:s7+s3], $0x80, $0x38;
	[tilespmem:$0x1C200] =	vst v63  }
0x4c: {  	_ =	swait.ge [sflag:s23], $0x80  }
0x4d: {  	[sflag:s23] =	ssyncset.done $0x0  }
0x4e: {  	[sflag:s23] =	ssyncadd.s32 $0xFFFFFF80  }
0x4f: {  	[tilespmem:s24], [sflag:$0x1] =	stream.indirect.gather [hbm4b:s5+s19], $0x80, s3, s19, $0xb8;
	[tilespmem:$0x1C200] =	vst v63  }
0x50: {  	_ =	swait.ge [sflag:s30], $0x4000  }
0x51: {  	[sflag:s30] =	ssyncset.done $0x0  }
0x52: {  	s2 =	sadd.s32 $0x9F0, s2;
	[sflag:s30] =	ssyncadd.s32 $0xFFFFC000  }
0x53: {  	[tilespmem:s19], [sflag:$0x4] =	stream.linear.gather [hbm4b:s2+s3], $0x80, $0x38;
	[tilespmem:$0x1C200] =	vst v63  }
0x54: {  	_ =	swait.ge [sflag:s31], $0x80  }
0x55: {  	[sflag:s31] =	ssyncset.done $0x0  }
0x56: {  	[sflag:s31] =	ssyncadd.s32 $0xFFFFFF80  }
0x57: {  	[spmem:s1] =	stream.indirect.scatter.add.f32 [tilespmem:s26], [sflag:$0x7], $0x80, s20, s19, $0xb8;
	[tilespmem:$0x1C200] =	vst v63  }
0x58: {  	_ =	swait.ge [sflag:s22], $0x4000  }
0x59: {  	[sflag:s22] =	ssyncset.done $0x0  }
0x5a: {  	s7 =	sadd.s32 $0x9F0, s8;
	s2 =	simm.s32 $0xFFFFF660;
	[sflag:s22] =	ssyncadd.s32 $0xFFFFC000  }
.LBB2_6:
0x5b: {  	[tilespmem:s20], [sflag:$0x6] =	stream.linear.gather [hbm4b:s7+s3], $0x80, $0x38;
	[tilespmem:$0x1C200] =	vst v63  }
0x5c: {  	s6 =	smov.u32 s2  }
0x5d: {  	p1 =	sne.s32 s2, $0xFFFFFFE0;
	s2 =	sadd.s32 $0x20, s2;
	_ =	swait.ge [sflag:s25], $0x80  }
0x5e: {  	[sflag:s25] =	ssyncset.done $0x0  }
0x5f: {  	[sflag:s25] =	ssyncadd.s32 $0xFFFFFF80  }
0x60: {  	[tilespmem:s26], [sflag:$0x2] =	stream.indirect.gather [hbm4b:s5+s19], $0x80, s19, s19, $0xb8;
	[tilespmem:$0x1C200] =	vst v63  }
0x61: {  	_ =	swait.ge [sflag:s28], $0x4000  }
0x62: {  	s7 =	sadd.s32 s6, s16;
	[sflag:s28] =	ssyncset.done $0x0  }
0x63: {  	s8 =	sadd.s32 $0x9E0, s7;
	[sflag:s28] =	ssyncadd.s32 $0xFFFFC000  }
0x64: {  	[tilespmem:s3], [sflag:$0x3] =	stream.linear.gather [hbm4b:s8+s3], $0x80, $0x38;
	[tilespmem:$0x1C200] =	vst v63  }
0x65: {  	_ =	swait.ge [sflag:s29], $0x80  }
0x66: {  	[sflag:s29] =	ssyncset.done $0x0  }
0x67: {  	[sflag:s29] =	ssyncadd.s32 $0xFFFFFF80  }
0x68: {  	[spmem:s1] =	stream.indirect.scatter.add.f32 [tilespmem:s24], [sflag:$0x7], $0x80, s18, s19, $0xb8;
	[tilespmem:$0x1C200] =	vst v63  }
0x69: {  	_ =	swait.ge [sflag:s22], $0x4000  }
0x6a: {  	s6 =	sadd.s32 s6, s17;
	[sflag:s22] =	ssyncset.done $0x0  }
0x6b: {  	s8 =	sadd.s32 $0x9E0, s6;
	[sflag:s22] =	ssyncadd.s32 $0xFFFFC000  }
0x6c: {  	[tilespmem:s18], [sflag:$0x5] =	stream.linear.gather [hbm4b:s8+s3], $0x80, $0x38;
	[tilespmem:$0x1C200] =	vst v63  }
0x6d: {  	_ =	swait.ge [sflag:s23], $0x80  }
0x6e: {  	[sflag:s23] =	ssyncset.done $0x0  }
0x6f: {  	[sflag:s23] =	ssyncadd.s32 $0xFFFFFF80  }
0x70: {  	[tilespmem:s24], [sflag:$0x1] =	stream.indirect.gather [hbm4b:s5+s19], $0x80, s3, s19, $0xb8;
	[tilespmem:$0x1C200] =	vst v63  }
0x71: {  	_ =	swait.ge [sflag:s30], $0x4000  }
0x72: {  	[sflag:s30] =	ssyncset.done $0x0  }
0x73: {  	s7 =	sadd.s32 $0x9F0, s7;
	[sflag:s30] =	ssyncadd.s32 $0xFFFFC000  }
0x74: {  	[tilespmem:s19], [sflag:$0x4] =	stream.linear.gather [hbm4b:s7+s3], $0x80, $0x38;
	[tilespmem:$0x1C200] =	vst v63  }
0x75: {  	_ =	swait.ge [sflag:s31], $0x80  }
0x76: {  	[sflag:s31] =	ssyncset.done $0x0  }
.Ltmp3:
0x77: {  	[sflag:s31] =	ssyncadd.s32 $0xFFFFFF80;
	(pc) =	sbr.rel @p1 .LBB2_6-.Ltmp3, $4  }
0x78: {  	[spmem:s1] =	stream.indirect.scatter.add.f32 [tilespmem:s26], [sflag:$0x7], $0x80, s20, s19, $0xb8;
	[tilespmem:$0x1C200] =	vst v63  }
0x79: {  	_ =	swait.ge [sflag:s22], $0x4000  }
0x7a: {  	[sflag:s22] =	ssyncset.done $0x0  }
0x7b: {  	s7 =	sadd.s32 $0x9F0, s6;
	[sflag:s22] =	ssyncadd.s32 $0xFFFFC000  }
.Ltmp4:
0x7c: {  	_ = 	snop;
	(pc) =	sbr.rel .LBB2_7-.Ltmp4, $1  }
0x7d: {  	_ =	sdelay $0x3  }
.LBB2_2:
0x7e: {  	[tilespmem:s24], [sflag:$0x1] =	stream.indirect.gather [hbm4b:s4+s19], $0x80, s3, s19, $0xb8;
	[tilespmem:$0x1C200] =	vst v63  }
0x7f: {  	_ =	swait.ge [sflag:s25], $0x80  }
0x80: {  	[sflag:s25] =	ssyncset.done $0x0  }
0x81: {  	[sflag:s25] =	ssyncadd.s32 $0xFFFFFF80  }
0x82: {  	[tilespmem:s26], [sflag:$0x2] =	stream.indirect.gather [hbm4b:s4+s19], $0x80, s19, s19, $0xb8;
	[tilespmem:$0x1C200] =	vst v63  }
0x83: {  	_ =	swait.ge [sflag:s28], $0x4000  }
0x84: {  	s2 =	sadd.s32 $0xFFFFF640, s16;
	[sflag:s28] =	ssyncset.done $0x0  }
0x85: {  	s7 =	sadd.s32 $0x9E0, s2;
	[sflag:s28] =	ssyncadd.s32 $0xFFFFC000  }
0x86: {  	[tilespmem:s3], [sflag:$0x3] =	stream.linear.gather [hbm4b:s7+s3], $0x80, $0x38;
	[tilespmem:$0x1C200] =	vst v63  }
0x87: {  	_ =	swait.ge [sflag:s29], $0x80  }
0x88: {  	[sflag:s29] =	ssyncset.done $0x0  }
0x89: {  	[sflag:s29] =	ssyncadd.s32 $0xFFFFFF80  }
0x8a: {  	[spmem:s1] =	stream.indirect.scatter.add.f32 [tilespmem:s24], [sflag:$0x7], $0x80, s18, s19, $0xb8;
	[tilespmem:$0x1C200] =	vst v63  }
0x8b: {  	_ =	swait.ge [sflag:s22], $0x4000  }
0x8c: {  	s6 =	sadd.s32 $0xFFFFF640, s17;
	[sflag:s22] =	ssyncset.done $0x0  }
0x8d: {  	s8 =	sadd.s32 $0x9E0, s6;
	[sflag:s22] =	ssyncadd.s32 $0xFFFFC000  }
0x8e: {  	[tilespmem:s18], [sflag:$0x5] =	stream.linear.gather [hbm4b:s8+s3], $0x80, $0x38;
	[tilespmem:$0x1C200] =	vst v63  }
0x8f: {  	_ =	swait.ge [sflag:s23], $0x80  }
0x90: {  	[sflag:s23] =	ssyncset.done $0x0  }
0x91: {  	[sflag:s23] =	ssyncadd.s32 $0xFFFFFF80  }
0x92: {  	[tilespmem:s24], [sflag:$0x1] =	stream.indirect.gather [hbm4b:s4+s19], $0x80, s3, s19, $0xb8;
	[tilespmem:$0x1C200] =	vst v63  }
0x93: {  	_ =	swait.ge [sflag:s30], $0x4000  }
0x94: {  	[sflag:s30] =	ssyncset.done $0x0  }
0x95: {  	s2 =	sadd.s32 $0x9F0, s2;
	[sflag:s30] =	ssyncadd.s32 $0xFFFFC000  }
0x96: {  	[tilespmem:s19], [sflag:$0x4] =	stream.linear.gather [hbm4b:s2+s3], $0x80, $0x38;
	[tilespmem:$0x1C200] =	vst v63  }
0x97: {  	_ =	swait.ge [sflag:s31], $0x80  }
0x98: {  	[sflag:s31] =	ssyncset.done $0x0  }
0x99: {  	[sflag:s31] =	ssyncadd.s32 $0xFFFFFF80  }
0x9a: {  	[spmem:s1] =	stream.indirect.scatter.add.f32 [tilespmem:s26], [sflag:$0x7], $0x80, s20, s19, $0xb8;
	[tilespmem:$0x1C200] =	vst v63  }
0x9b: {  	_ =	swait.ge [sflag:s22], $0x4000  }
0x9c: {  	[sflag:s22] =	ssyncset.done $0x0  }
0x9d: {  	s7 =	sadd.s32 $0x9F0, s6;
	s2 =	simm.s32 $0xFFFFF660;
	[sflag:s22] =	ssyncadd.s32 $0xFFFFC000  }
.LBB2_3:
0x9e: {  	[tilespmem:s20], [sflag:$0x6] =	stream.linear.gather [hbm4b:s7+s3], $0x80, $0x38;
	[tilespmem:$0x1C200] =	vst v63  }
0x9f: {  	s7 =	smov.u32 s2  }
0xa0: {  	p1 =	seq.s32 s2, $0xFFFFFFE0;
	s2 =	sadd.s32 $0x20, s2;
	_ =	swait.ge [sflag:s25], $0x80  }
0xa1: {  	[sflag:s25] =	ssyncset.done $0x0  }
0xa2: {  	[sflag:s25] =	ssyncadd.s32 $0xFFFFFF80  }
0xa3: {  	[tilespmem:s26], [sflag:$0x2] =	stream.indirect.gather [hbm4b:s4+s19], $0x80, s19, s19, $0xb8;
	[tilespmem:$0x1C200] =	vst v63  }
0xa4: {  	_ =	swait.ge [sflag:s28], $0x4000  }
0xa5: {  	s8 =	sadd.s32 s7, s16;
	[sflag:s28] =	ssyncset.done $0x0  }
0xa6: {  	s6 =	sadd.s32 $0x9E0, s8;
	[sflag:s28] =	ssyncadd.s32 $0xFFFFC000  }
0xa7: {  	[tilespmem:s3], [sflag:$0x3] =	stream.linear.gather [hbm4b:s6+s3], $0x80, $0x38;
	[tilespmem:$0x1C200] =	vst v63  }
0xa8: {  	_ =	swait.ge [sflag:s29], $0x80  }
0xa9: {  	[sflag:s29] =	ssyncset.done $0x0  }
0xaa: {  	[sflag:s29] =	ssyncadd.s32 $0xFFFFFF80  }
0xab: {  	[spmem:s1] =	stream.indirect.scatter.add.f32 [tilespmem:s24], [sflag:$0x7], $0x80, s18, s19, $0xb8;
	[tilespmem:$0x1C200] =	vst v63  }
0xac: {  	_ =	swait.ge [sflag:s22], $0x4000  }
0xad: {  	s6 =	sadd.s32 s7, s17;
	[sflag:s22] =	ssyncset.done $0x0  }
0xae: {  	s7 =	sadd.s32 $0x9E0, s6;
	[sflag:s22] =	ssyncadd.s32 $0xFFFFC000  }
0xaf: {  	[tilespmem:s18], [sflag:$0x5] =	stream.linear.gather [hbm4b:s7+s3], $0x80, $0x38;
	[tilespmem:$0x1C200] =	vst v63  }
0xb0: {  	_ =	swait.ge [sflag:s23], $0x80  }
0xb1: {  	[sflag:s23] =	ssyncset.done $0x0  }
0xb2: {  	[sflag:s23] =	ssyncadd.s32 $0xFFFFFF80  }
0xb3: {  	[tilespmem:s24], [sflag:$0x1] =	stream.indirect.gather [hbm4b:s4+s19], $0x80, s3, s19, $0xb8;
	[tilespmem:$0x1C200] =	vst v63  }
0xb4: {  	_ =	swait.ge [sflag:s30], $0x4000  }
0xb5: {  	[sflag:s30] =	ssyncset.done $0x0  }
0xb6: {  	s7 =	sadd.s32 $0x9F0, s8;
	[sflag:s30] =	ssyncadd.s32 $0xFFFFC000  }
0xb7: {  	[tilespmem:s19], [sflag:$0x4] =	stream.linear.gather [hbm4b:s7+s3], $0x80, $0x38;
	[tilespmem:$0x1C200] =	vst v63  }
0xb8: {  	_ =	swait.ge [sflag:s31], $0x80  }
0xb9: {  	[sflag:s31] =	ssyncset.done $0x0  }
.Ltmp5:
0xba: {  	[sflag:s31] =	ssyncadd.s32 $0xFFFFFF80;
	(pc) =	sbr.rel @!p1 .LBB2_3-.Ltmp5, $4  }
0xbb: {  	[spmem:s1] =	stream.indirect.scatter.add.f32 [tilespmem:s26], [sflag:$0x7], $0x80, s20, s19, $0xb8;
	[tilespmem:$0x1C200] =	vst v63  }
0xbc: {  	_ =	swait.ge [sflag:s22], $0x4000  }
0xbd: {  	[sflag:s22] =	ssyncset.done $0x0  }
0xbe: {  	s7 =	sadd.s32 $0x9F0, s6;
	[sflag:s22] =	ssyncadd.s32 $0xFFFFC000  }
.Ltmp6:
0xbf: {  	(pc) =	sbr.rel .LBB2_8-.Ltmp6, $3  }
0xc0: {  	_ =	sdelay $0x1  }
0xc1: {  	[tilespmem:s20], [sflag:$0x6] =	stream.linear.gather [hbm4b:s7+s3], $0x80, $0x38;
	[tilespmem:$0x1C200] =	vst v63  }
0xc2: {  	s2 =	rddreg [dreg:$0x4]  }
.LBB2_9:
0xc3: {  	_ =	sfence.sel $0x180000  }
0xc4: {  	[bflag:$0x0] =	sbarrier.arrive $0xFFFF  }
0xc5: {  	_ =	strace $0x90000050  }
0xc6: {  	s0 =	stileid.u32;
	[bflag:$0x2] =	sbarrier.arrive $0xFFFF  }
0xc7: {  	p0 =	sne.s32 s0, $0x0;
	s0 =	rddreg [dreg:$0x2]  }
0xc8: {  	s0 =	sadd.s32 @!p0 $0x100000, s0  }
0xc9: {  	[sflag:s0] =	ssyncadd.tile.s32 @!p0 $0x1;
	_ =	shalt  }
.Lfunc_end2:
_tile_overlayer_lowered:
.L_overlay_start_2:
0xca: {  	(tag) =	ssettag $0x2  }
0xcb: {  	s0 =	rddreg [dreg:$0x0];
	s2 =	stileid.u32  }
0xcc: {  	s1 =	rddreg [dreg:$0x1];
	p0 =	sne.s32 s2, $0x0  }
0xcd: {  	s3 =	rddreg [dreg:$0x2];
	[bflag:$0x3] =	sbarrier.arrive $0xFFFF;
	s2 =	simm.s32 @!p0 $0x1C07  }
0xce: {  	[timem:s3], [sflag:s2] =	dma.local @!p0 [hbm:s0], s1  }
0xcf: {  	s0 =	simm.s32 @!p0 $0x7  }
0xd0: {  	_ =	swait.ge @!p0 [sflag:s0], s1  }
0xd1: {  	s1 =	ssub.s32 @!p0 $0x0, s1;
	[sflag:s0] =	ssyncset.done @!p0 $0x0  }
0xd2: {  	[sflag:s0] =	ssyncadd.s32 @!p0 s1  }
0xd3: {  	[bflag:$0x3] =	sbarrier.arrive $0xFFFF  }
0xd4: {  	_ =	shalt  }

</sc_bundles>
